<compile_context>
chip_gen: v7x
topology: tpu7x:2x2x1
jax: 0.10.2.dev20260603
libtpu: 0.0.44.dev20260713+nightly
codegen_flags: <defaults>
</compile_context>

<pallas_src>
import functools

import jax
import jax.numpy as jnp
from jax import lax
from jax.experimental import pallas as pl
from jax.experimental.pallas import tpu as pltpu
from jax.experimental.pallas import tpu_sc as plsc

N = 10000
E = 320000
F = 128
H = 64
NC = 2
NS = 16
EPT = E // NS
B = 40
NB = EPT // B
ROWS_PT = 624
ROWS_REM = N - NS * ROWS_PT

BT_PHI = 2000
BT_UPD = 1000


def _phi_body(rbf_ref, fw1_ref, fb1_ref, fw2_ref, fb2_ref, out_ref):
    h = jax.nn.silu(
        jnp.dot(rbf_ref[...], fw1_ref[...], preferred_element_type=jnp.float32)
        + fb1_ref[...]
    )
    phi = (
        jnp.dot(h, fw2_ref[...], preferred_element_type=jnp.float32)
        + fb2_ref[...]
    )
    for k in range(6):
        kind, half = k // 2, k % 2
        c0 = kind * F + half * H
        out_ref[k] = phi[:, c0:c0 + H]


def _run_phi(rbf, fw1, fb1, fw2, fb2):
    grid = E // BT_PHI
    return pl.pallas_call(
        _phi_body,
        grid=(grid,),
        in_specs=[
            pl.BlockSpec((BT_PHI, 20), lambda i: (i, 0)),
            pl.BlockSpec((20, F), lambda i: (0, 0)),
            pl.BlockSpec((F,), lambda i: (0,)),
            pl.BlockSpec((F, 3 * F), lambda i: (0, 0)),
            pl.BlockSpec((3 * F,), lambda i: (0,)),
        ],
        out_specs=pl.BlockSpec((6, BT_PHI, H), lambda i: (0, i, 0)),
        out_shape=jax.ShapeDtypeStruct((6, E, H), jnp.float32),
    )(rbf, fw1, fb1, fw2, fb2)


def _sc_body(phi6, t1, t2, dirb, row_h, col_h, out1, out2,
             accum, row_i, col_a, pss, pvv, psv, d1, d2,
             g1, g2, ob, sem, sem_idx):
    c = lax.axis_index("c")
    sid = lax.axis_index("s")
    e_base = sid * EPT
    r0 = sid * ROWS_PT

    def zero_own_rows():
        def _z(i, _):
            r = i // (F // 16)
            l = (i % (F // 16)) * 16
            ob[r, pl.ds(l, 16)] = jnp.zeros((16,), jnp.float32)
            return 0
        lax.fori_loop(0, B * (F // 16), _z, 0)
        for t in range(ROWS_PT // B):
            pltpu.sync_copy(ob, accum.at[pl.ds(r0 + t * B, B), :])
        rem = ROWS_PT % B
        if rem:
            pltpu.sync_copy(ob.at[pl.ds(0, rem), :],
                            accum.at[pl.ds(r0 + ROWS_PT - rem, rem), :])

        @pl.when(sid == NS - 1)
        def _():
            pltpu.sync_copy(ob.at[pl.ds(0, ROWS_REM), :],
                            accum.at[pl.ds(NS * ROWS_PT, ROWS_REM), :])

    def flush_own_rows(out):
        pltpu.sync_copy(accum.at[pl.ds(r0, ROWS_PT), :],
                        out.at[pl.ds(c * N + r0, ROWS_PT), :])

        @pl.when(sid == NS - 1)
        def _():
            pltpu.sync_copy(
                accum.at[pl.ds(NS * ROWS_PT, ROWS_REM), :],
                out.at[pl.ds(c * N + NS * ROWS_PT, ROWS_REM), :])

    def edge_block(b, pass2):
        e0 = e_base + b * B
        hrow = pltpu.async_copy(row_h.at[pl.ds(e0, B)], row_i, sem)
        hcol = pltpu.async_copy(col_h.at[pl.ds(c * E + e0, B)], col_a, sem_idx)
        hcol.wait()
        hs = [
            pltpu.async_copy(t1.at[col_a], g1, sem),
            pltpu.async_copy(phi6.at[pl.ds((4 + c) * E + e0, B), :], psv, sem),
            pltpu.async_copy(phi6.at[pl.ds((2 + c) * E + e0, B), :], pvv, sem),
        ]
        if not pass2:
            hs.append(pltpu.async_copy(
                phi6.at[pl.ds(c * E + e0, B), :], pss, sem))
            hs.append(pltpu.async_copy(dirb.at[pl.ds(e0, B), :], d1, sem))
        else:
            hs.append(pltpu.async_copy(t2.at[col_a], g2, sem))
            hs.append(pltpu.async_copy(dirb.at[pl.ds(E + e0, B), :], d1, sem))
            hs.append(pltpu.async_copy(
                dirb.at[pl.ds(2 * E + e0, B), :], d2, sem))
        for h in hs:
            h.wait()
        hrow.wait()

        def _edge(e, _):
            dx = d1[e, :]
            if pass2:
                dy = d2[e, :]
            for j in range(H // 16):
                sl = pl.ds(j * 16, 16)
                sh = pl.ds(H + j * 16, 16)
                sv = g1[e, sl]
                t = psv[e, sl] * sv
                if not pass2:
                    ob[e, sl] = pss[e, sl] * sv
                    ob[e, sh] = pvv[e, sl] * g1[e, sh] + dx * t
                else:
                    ob[e, sl] = pvv[e, sl] * g2[e, sl] + dx * t
                    ob[e, sh] = pvv[e, sl] * g2[e, sh] + dy * t
            return 0
        lax.fori_loop(0, B, _edge, 0)
        pltpu.sync_copy(ob, accum.at[row_i], add=True)
        return jnp.int32(0)

    zero_own_rows()
    plsc.subcore_barrier()
    lax.fori_loop(0, NB, lambda b, x: edge_block(b, False), jnp.int32(0))
    plsc.subcore_barrier()
    flush_own_rows(out1)
    zero_own_rows()
    plsc.subcore_barrier()
    lax.fori_loop(0, NB, lambda b, x: edge_block(b, True), jnp.int32(0))
    plsc.subcore_barrier()
    flush_own_rows(out2)


def _run_sc(phi6, t1, t2, dirb, row, col):
    mesh = plsc.VectorSubcoreMesh(core_axis_name="c", subcore_axis_name="s")
    f32 = jnp.float32
    kern = pl.kernel(
        _sc_body,
        out_type=(
            jax.ShapeDtypeStruct((NC * N, F), f32),
            jax.ShapeDtypeStruct((NC * N, F), f32),
        ),
        mesh=mesh,
        scratch_types=[
            pltpu.VMEM_SHARED((N, F), f32),
            pltpu.VMEM((B,), jnp.int32),
            pltpu.VMEM((B,), jnp.int32),
            pltpu.VMEM((B, H), f32),
            pltpu.VMEM((B, H), f32),
            pltpu.VMEM((B, H), f32),
            pltpu.VMEM((B, 16), f32),
            pltpu.VMEM((B, 16), f32),
            pltpu.VMEM((B, F), f32),
            pltpu.VMEM((B, F), f32),
            pltpu.VMEM((B, F), f32),
            pltpu.SemaphoreType.DMA,
            pltpu.SemaphoreType.DMA,
        ],
    )
    col2 = jnp.concatenate([col, col + N])
    return kern(phi6.reshape(6 * E, H), t1, t2, dirb.reshape(3 * E, 16),
                row, col2)


def _upd_body(s_ref, vt_ref, o1_ref, o2_ref, uw1_ref, ub1_ref, uw2_ref,
              ub2_ref, sout_ref, voutt_ref):
    sb = s_ref[...]
    ms = jnp.concatenate([o1_ref[0, :, 0:H], o1_ref[1, :, 0:H]], axis=1)
    mvx = jnp.concatenate([o1_ref[0, :, H:F], o1_ref[1, :, H:F]], axis=1)
    mvy = jnp.concatenate([o2_ref[0, :, 0:H], o2_ref[1, :, 0:H]], axis=1)
    mvz = jnp.concatenate([o2_ref[0, :, H:F], o2_ref[1, :, H:F]], axis=1)
    vn = jnp.sqrt(mvx * mvx + mvy * mvy + mvz * mvz)
    uw1 = uw1_ref[...]
    u1 = (
        jnp.dot(sb, uw1[0:F], preferred_element_type=jnp.float32)
        + jnp.dot(ms, uw1[F:2 * F], preferred_element_type=jnp.float32)
        + jnp.dot(vn, uw1[2 * F:3 * F], preferred_element_type=jnp.float32)
        + ub1_ref[...]
    )
    u = (
        jnp.dot(jax.nn.silu(u1), uw2_ref[...],
                preferred_element_type=jnp.float32)
        + ub2_ref[...]
    )
    sout_ref[...] = sb + u[:, 0:F]
    alpha = u[:, F:2 * F]
    beta = u[:, 2 * F:3 * F]
    voutt_ref[0] = alpha * vt_ref[0] + beta * mvx
    voutt_ref[1] = alpha * vt_ref[1] + beta * mvy
    voutt_ref[2] = alpha * vt_ref[2] + beta * mvz


def _run_update(s, vt, o1, o2, uw1, ub1, uw2, ub2):
    grid = N // BT_UPD
    return pl.pallas_call(
        _upd_body,
        grid=(grid,),
        in_specs=[
            pl.BlockSpec((BT_UPD, F), lambda i: (i, 0)),
            pl.BlockSpec((3, BT_UPD, F), lambda i: (0, i, 0)),
            pl.BlockSpec((2, BT_UPD, F), lambda i: (0, i, 0)),
            pl.BlockSpec((2, BT_UPD, F), lambda i: (0, i, 0)),
            pl.BlockSpec((3 * F, F), lambda i: (0, 0)),
            pl.BlockSpec((F,), lambda i: (0,)),
            pl.BlockSpec((F, 3 * F), lambda i: (0, 0)),
            pl.BlockSpec((3 * F,), lambda i: (0,)),
        ],
        out_specs=[
            pl.BlockSpec((BT_UPD, F), lambda i: (i, 0)),
            pl.BlockSpec((3, BT_UPD, F), lambda i: (0, i, 0)),
        ],
        out_shape=[
            jax.ShapeDtypeStruct((N, F), jnp.float32),
            jax.ShapeDtypeStruct((3, N, F), jnp.float32),
        ],
    )(s, vt, o1, o2, uw1, ub1, uw2, ub2)


def kernel(s, v, edge_index, edge_attr, rbf, fw1, fb1, fw2, fb2,
           uw1, ub1, uw2, ub2):
    row = edge_index[0].astype(jnp.int32)
    col = edge_index[1].astype(jnp.int32)

    phi6 = _run_phi(rbf, fw1, fb1, fw2, fb2)

    vt = jnp.transpose(v, (2, 0, 1))
    t1 = jnp.concatenate(
        [jnp.concatenate([s[:, h * H:(h + 1) * H],
                          vt[0, :, h * H:(h + 1) * H]], axis=1)
         for h in range(2)], axis=0)
    t2 = jnp.concatenate(
        [jnp.concatenate([vt[1, :, h * H:(h + 1) * H],
                          vt[2, :, h * H:(h + 1) * H]], axis=1)
         for h in range(2)], axis=0)
    dirs = edge_attr[:, 1:4]
    dirb = jnp.broadcast_to(
        jnp.transpose(dirs)[:, :, None], (3, E, 16)).astype(jnp.float32)

    o1, o2 = _run_sc(phi6, t1, t2, dirb, row, col)

    s_out, voutt = _run_update(
        s, vt, o1.reshape(2, N, F), o2.reshape(2, N, F), uw1, ub1, uw2, ub2)
    return s_out, jnp.transpose(voutt, (1, 2, 0))

# --- scband reference (transcript-rebuilt; emitter-appended) ---
"""Pipeline reference for scband-pai-nnlayer-25262997635094 (READ-ONLY COPY).

The authoritative reference and input builder live on the scoring server;
editing this copy changes nothing except your own understanding.
"""

import jax, jax.numpy as jnp
import numpy as np

N = 10000
E = 320000
F = 128
R = 20


def setup_inputs(seed: int = 0) -> dict:
    key = jax.random.key(seed)
    ks = jax.random.split(key, 16)
    s = jax.random.normal(ks[0], (N, F), dtype=jnp.float32)
    v = jax.random.normal(ks[1], (N, F, 3), dtype=jnp.float32)
    edge_index = jax.random.randint(ks[2], (2, E), 0, N)
    edge_attr = jax.random.normal(ks[3], (E, 4), dtype=jnp.float32)
    rbf = jax.random.uniform(ks[4], (E, R), dtype=jnp.float32)
    # filter_net: Linear(R->F), SiLU, Linear(F->3F)
    fw1 = jax.random.normal(ks[5], (R, F), dtype=jnp.float32) / np.sqrt(R)
    fb1 = jnp.zeros((F,), dtype=jnp.float32)
    fw2 = jax.random.normal(ks[6], (F, 3 * F), dtype=jnp.float32) / np.sqrt(F)
    fb2 = jnp.zeros((3 * F,), dtype=jnp.float32)
    # update_net: Linear(3F->F), SiLU, Linear(F->3F)
    uw1 = jax.random.normal(ks[7], (3 * F, F), dtype=jnp.float32) / np.sqrt(3 * F)
    ub1 = jnp.zeros((F,), dtype=jnp.float32)
    uw2 = jax.random.normal(ks[8], (F, 3 * F), dtype=jnp.float32) / np.sqrt(F)
    ub2 = jnp.zeros((3 * F,), dtype=jnp.float32)
    return {"s": s, "v": v, "edge_index": edge_index, "edge_attr": edge_attr, "rbf": rbf,
            "fw1": fw1, "fb1": fb1, "fw2": fw2, "fb2": fb2,
            "uw1": uw1, "ub1": ub1, "uw2": uw2, "ub2": ub2}


def reference(s, v, edge_index, edge_attr, rbf, fw1, fb1, fw2, fb2, uw1, ub1, uw2, ub2):
    row = edge_index[0]
    col = edge_index[1]
    directions = edge_attr[:, 1:4]
    # filter_net
    h = jax.nn.silu(rbf @ fw1 + fb1)
    phi = h @ fw2 + fb2
    phi_ss, phi_vv, phi_sv = jnp.split(phi, 3, axis=-1)
    s_col = jnp.take(s, col, axis=0)
    v_col = jnp.take(v, col, axis=0)
    m_s = phi_ss * s_col
    m_v = phi_vv[..., None] * v_col + phi_sv[..., None] * directions[:, None, :] * s_col[..., None]
    m_s = jax.ops.segment_sum(m_s, row, num_segments=N)
    m_v = jax.ops.segment_sum(m_v, row, num_segments=N)
    v_norm = jnp.sqrt(jnp.sum(m_v * m_v, axis=-1))
    u_in = jnp.concatenate([s, m_s, v_norm], axis=-1)
    u = jax.nn.silu(u_in @ uw1 + ub1) @ uw2 + ub2
    delta_s, alpha, beta = jnp.split(u, 3, axis=-1)
    s_out = s + delta_s
    v_out = alpha[..., None] * v + beta[..., None] * m_v
    return (s_out, v_out)

if __name__ == "__main__":
    import jax
    _d = setup_inputs()
    print(jax.jit(kernel)(*tuple(_d.values())))

</pallas_src>

<mosaic_0001>
#map = affine_map<(d0, d1) -> (0, 0)>
#map1 = affine_map<(d0, d1) -> (0)>
module attributes {stable_mosaic.version = 14 : i64} {
  func.func @_sc_body(%arg0: i32, %arg1: i32, %arg2: memref<1920000x64xf32, #tpu.memory_space<hbm>>, %arg3: memref<20000x128xf32, #tpu.memory_space<hbm>>, %arg4: memref<20000x128xf32, #tpu.memory_space<hbm>>, %arg5: memref<960000x16xf32, #tpu.memory_space<hbm>>, %arg6: memref<320000xi32, #tpu.memory_space<hbm>>, %arg7: memref<640000xi32, #tpu.memory_space<hbm>>, %arg8: memref<20000x128xf32, #tpu.memory_space<hbm>>, %arg9: memref<20000x128xf32, #tpu.memory_space<hbm>>, %arg10: memref<10000x128xf32, #tpu.memory_space<vmem_shared>>, %arg11: memref<40xi32, #tpu.memory_space<vmem>>, %arg12: memref<40xi32, #tpu.memory_space<vmem>>, %arg13: memref<40x64xf32, #tpu.memory_space<vmem>>, %arg14: memref<40x64xf32, #tpu.memory_space<vmem>>, %arg15: memref<40x64xf32, #tpu.memory_space<vmem>>, %arg16: memref<40x16xf32, #tpu.memory_space<vmem>>, %arg17: memref<40x16xf32, #tpu.memory_space<vmem>>, %arg18: memref<40x128xf32, #tpu.memory_space<vmem>>, %arg19: memref<40x128xf32, #tpu.memory_space<vmem>>, %arg20: memref<40x128xf32, #tpu.memory_space<vmem>>, %arg21: memref<!tpu.dma_semaphore, #tpu.memory_space<semaphore_mem>>, %arg22: memref<!tpu.dma_semaphore, #tpu.memory_space<semaphore_mem>>) attributes {dimension_semantics = [#tpu.dimension_semantics<core_parallel>, #tpu.dimension_semantics<subcore_parallel>], iteration_bounds = array<i64: 2, 16>, scalar_prefetch = 0 : i64, scratch_operands = 13 : i64, tpu.core_type = #tpu.core_type<sc_vector_subcore>, window_params = [{transform_indices = #map}, {transform_indices = #map}, {transform_indices = #map}, {transform_indices = #map}, {transform_indices = #map1}, {transform_indices = #map1}, {transform_indices = #map}, {transform_indices = #map}]} {
    %mul3A = arith.constant 20000 : i32
    %mul3A_0 = arith.muli %arg1, %mul3A : i32
    %mul3A_1 = arith.constant 624 : i32
    %mul3A_2 = arith.muli %arg1, %mul3A_1 : i32
    %scan3A = arith.constant 0 : i32
    %scan3A_3 = arith.constant 0 : i32
    %scan3A_4 = arith.constant 320 : i32
    %scan3A_5 = arith.addi %scan3A_3, %scan3A_4 : i32
    %scan3A_6 = arith.constant 1 : i32
    %scan3A_7 = scf.for %scan3A_122 = %scan3A_3 to %scan3A_5 step %scan3A_6 iter_args(%scan3A_123 = %scan3A) -> (i32)  : i32 {
      %jit3A = arith.constant 8 : i32
      %div3A = arith.divsi %scan3A_122, %jit3A : i32
      %sign3A = arith.constant 0 : i32
      %sign3A_124 = arith.cmpi sgt, %scan3A_122, %sign3A : i32
      %sign3A_125 = arith.extui %sign3A_124 : i1 to i32
      %sign3A_126 = arith.constant 0 : i32
      %sign3A_127 = arith.cmpi slt, %scan3A_122, %sign3A_126 : i32
      %sign3A_128 = arith.extui %sign3A_127 : i1 to i32
      %sign3A_129 = arith.subi %sign3A_125, %sign3A_128 : i32
      %sign3A_130 = arith.constant 0 : i32
      %sign3A_131 = arith.cmpi sgt, %jit3A, %sign3A_130 : i32
      %sign3A_132 = arith.extui %sign3A_131 : i1 to i32
      %sign3A_133 = arith.constant 0 : i32
      %sign3A_134 = arith.cmpi slt, %jit3A, %sign3A_133 : i32
      %sign3A_135 = arith.extui %sign3A_134 : i1 to i32
      %sign3A_136 = arith.subi %sign3A_132, %sign3A_135 : i32
      %ne3A = arith.cmpi ne, %sign3A_129, %sign3A_136 : i32
      %rem3A = arith.remsi %scan3A_122, %jit3A : i32
      %ne3A_137 = arith.constant 0 : i32
      %ne3A_138 = arith.cmpi ne, %rem3A, %ne3A_137 : i32
      %and3A = arith.andi %ne3A, %ne3A_138 : i1
      %sub3A_139 = arith.constant 1 : i32
      %sub3A_140 = arith.subi %div3A, %sub3A_139 : i32
      %select_n3A = arith.select %and3A, %sub3A_140, %div3A : i32
      %jit3A_141 = arith.constant 8 : i32
      %eq3A_142 = arith.constant 0 : i32
      %eq3A_143 = arith.cmpi eq, %jit3A_141, %eq3A_142 : i32
      %jit3A_144 = arith.constant 1 : i32
      %select_n3A_145 = arith.select %eq3A_143, %jit3A_144, %jit3A_141 : i32
      %rem3A_146 = arith.remsi %scan3A_122, %select_n3A_145 : i32
      %ne3A_147 = arith.constant 0 : i32
      %ne3A_148 = arith.cmpi ne, %rem3A_146, %ne3A_147 : i32
      %lt3A = arith.constant 0 : i32
      %lt3A_149 = arith.cmpi slt, %rem3A_146, %lt3A : i32
      %lt3A_150 = arith.constant 0 : i32
      %lt3A_151 = arith.cmpi slt, %select_n3A_145, %lt3A_150 : i32
      %ne3A_152 = arith.xori %lt3A_149, %lt3A_151 : i1
      %and3A_153 = arith.andi %ne3A_152, %ne3A_148 : i1
      %add3A_154 = arith.addi %rem3A_146, %select_n3A_145 : i32
      %select_n3A_155 = arith.select %and3A_153, %add3A_154, %rem3A_146 : i32
      %mul3A_156 = arith.constant 16 : i32
      %mul3A_157 = arith.muli %select_n3A_155, %mul3A_156 : i32
      %broadcast_in_dim3A = arith.constant 0.000000e+00 : f32
      %broadcast_in_dim3A_158 = vector.broadcast %broadcast_in_dim3A : f32 to vector<16xf32>
      %swap3A = arith.index_cast %select_n3A : i32 to index
      %swap3A_159 = arith.index_cast %mul3A_157 : i32 to index
      %swap3A_160 = tpu.vector_load %arg20[%swap3A, %swap3A_159] {strides = array<i32>} : memref<40x128xf32, #tpu.memory_space<vmem>>, vector<1x16xf32>,
      %swap3A_161 = vector.shape_cast %swap3A_160 : vector<1x16xf32> to vector<16xf32>
      %swap3A_162 = vector.shape_cast %broadcast_in_dim3A_158 : vector<16xf32> to vector<1x16xf32>
      tpu.vector_store %arg20[%swap3A, %swap3A_159], %swap3A_162 {strides = array<i32>} : memref<40x128xf32, #tpu.memory_space<vmem>>, vector<1x16xf32>,
      %scan3A_163 = arith.constant 0 : i32
      scf.yield %scan3A_163 : i32
    }
    %scan3A_8 = arith.constant 320 : i32
    %add3A = arith.constant 0 : i32
    %add3A_9 = arith.addi %mul3A_2, %add3A : i32
    "tpu.region"() ({
      %run_scoped3A = tpu.sem_alloc : memref<!tpu.dma_semaphore, #tpu.memory_space<semaphore_mem>>
      %dma_start3A = arith.constant 0 : i32
      %dma_start3A_122 = tpu.memref_slice %arg10[%add3A_9, %dma_start3A] : memref<10000x128xf32, #tpu.memory_space<vmem_shared>> -> memref<40x128xf32, #tpu.memory_space<vmem_shared>>
      %dma_start3A_123 = arith.constant 0 : i32
      %dma_start3A_124 = tpu.memref_slice %arg10[%add3A_9, %dma_start3A_123] : memref<10000x128xf32, #tpu.memory_space<vmem_shared>> -> memref<40x128xf32, #tpu.memory_space<vmem_shared>>
      tpu.enqueue_dma source(%arg20 : memref<40x128xf32, #tpu.memory_space<vmem>>) target(%dma_start3A_124 : memref<40x128xf32, #tpu.memory_space<vmem_shared>>) target_semaphore(%run_scoped3A : memref<!tpu.dma_semaphore, #tpu.memory_space<semaphore_mem>>)
      %dma_wait3A = arith.constant 0 : i32
      %dma_wait3A_125 = tpu.memref_slice %arg10[%add3A_9, %dma_wait3A] : memref<10000x128xf32, #tpu.memory_space<vmem_shared>> -> memref<40x128xf32, #tpu.memory_space<vmem_shared>>
      %dma_wait3A_126 = arith.constant 0 : i32
      %dma_wait3A_127 = tpu.memref_slice %arg10[%add3A_9, %dma_wait3A_126] : memref<10000x128xf32, #tpu.memory_space<vmem_shared>> -> memref<40x128xf32, #tpu.memory_space<vmem_shared>>
      tpu.wait_dma2 semaphore(%run_scoped3A : memref<!tpu.dma_semaphore, #tpu.memory_space<semaphore_mem>>) src(%arg20 : memref<40x128xf32, #tpu.memory_space<vmem>>) dst(%dma_wait3A_127 : memref<40x128xf32, #tpu.memory_space<vmem_shared>>)
      tpu.yield
    }) : () -> ()
    %add3A_10 = arith.constant 40 : i32
    %add3A_11 = arith.addi %mul3A_2, %add3A_10 : i32
    "tpu.region"() ({
      %run_scoped3A = tpu.sem_alloc : memref<!tpu.dma_semaphore, #tpu.memory_space<semaphore_mem>>
      %dma_start3A = arith.constant 0 : i32
      %dma_start3A_122 = tpu.memref_slice %arg10[%add3A_11, %dma_start3A] : memref<10000x128xf32, #tpu.memory_space<vmem_shared>> -> memref<40x128xf32, #tpu.memory_space<vmem_shared>>
      %dma_start3A_123 = arith.constant 0 : i32
      %dma_start3A_124 = tpu.memref_slice %arg10[%add3A_11, %dma_start3A_123] : memref<10000x128xf32, #tpu.memory_space<vmem_shared>> -> memref<40x128xf32, #tpu.memory_space<vmem_shared>>
      tpu.enqueue_dma source(%arg20 : memref<40x128xf32, #tpu.memory_space<vmem>>) target(%dma_start3A_124 : memref<40x128xf32, #tpu.memory_space<vmem_shared>>) target_semaphore(%run_scoped3A : memref<!tpu.dma_semaphore, #tpu.memory_space<semaphore_mem>>)
      %dma_wait3A = arith.constant 0 : i32
      %dma_wait3A_125 = tpu.memref_slice %arg10[%add3A_11, %dma_wait3A] : memref<10000x128xf32, #tpu.memory_space<vmem_shared>> -> memref<40x128xf32, #tpu.memory_space<vmem_shared>>
      %dma_wait3A_126 = arith.constant 0 : i32
      %dma_wait3A_127 = tpu.memref_slice %arg10[%add3A_11, %dma_wait3A_126] : memref<10000x128xf32, #tpu.memory_space<vmem_shared>> -> memref<40x128xf32, #tpu.memory_space<vmem_shared>>
      tpu.wait_dma2 semaphore(%run_scoped3A : memref<!tpu.dma_semaphore, #tpu.memory_space<semaphore_mem>>) src(%arg20 : memref<40x128xf32, #tpu.memory_space<vmem>>) dst(%dma_wait3A_127 : memref<40x128xf32, #tpu.memory_space<vmem_shared>>)
      tpu.yield
    }) : () -> ()
    %add3A_12 = arith.constant 80 : i32
    %add3A_13 = arith.addi %mul3A_2, %add3A_12 : i32
    "tpu.region"() ({
      %run_scoped3A = tpu.sem_alloc : memref<!tpu.dma_semaphore, #tpu.memory_space<semaphore_mem>>
      %dma_start3A = arith.constant 0 : i32
      %dma_start3A_122 = tpu.memref_slice %arg10[%add3A_13, %dma_start3A] : memref<10000x128xf32, #tpu.memory_space<vmem_shared>> -> memref<40x128xf32, #tpu.memory_space<vmem_shared>>
      %dma_start3A_123 = arith.constant 0 : i32
      %dma_start3A_124 = tpu.memref_slice %arg10[%add3A_13, %dma_start3A_123] : memref<10000x128xf32, #tpu.memory_space<vmem_shared>> -> memref<40x128xf32, #tpu.memory_space<vmem_shared>>
      tpu.enqueue_dma source(%arg20 : memref<40x128xf32, #tpu.memory_space<vmem>>) target(%dma_start3A_124 : memref<40x128xf32, #tpu.memory_space<vmem_shared>>) target_semaphore(%run_scoped3A : memref<!tpu.dma_semaphore, #tpu.memory_space<semaphore_mem>>)
      %dma_wait3A = arith.constant 0 : i32
      %dma_wait3A_125 = tpu.memref_slice %arg10[%add3A_13, %dma_wait3A] : memref<10000x128xf32, #tpu.memory_space<vmem_shared>> -> memref<40x128xf32, #tpu.memory_space<vmem_shared>>
      %dma_wait3A_126 = arith.constant 0 : i32
      %dma_wait3A_127 = tpu.memref_slice %arg10[%add3A_13, %dma_wait3A_126] : memref<10000x128xf32, #tpu.memory_space<vmem_shared>> -> memref<40x128xf32, #tpu.memory_space<vmem_shared>>
      tpu.wait_dma2 semaphore(%run_scoped3A : memref<!tpu.dma_semaphore, #tpu.memory_space<semaphore_mem>>) src(%arg20 : memref<40x128xf32, #tpu.memory_space<vmem>>) dst(%dma_wait3A_127 : memref<40x128xf32, #tpu.memory_space<vmem_shared>>)
      tpu.yield
    }) : () -> ()
    %add3A_14 = arith.constant 120 : i32
    %add3A_15 = arith.addi %mul3A_2, %add3A_14 : i32
    "tpu.region"() ({
      %run_scoped3A = tpu.sem_alloc : memref<!tpu.dma_semaphore, #tpu.memory_space<semaphore_mem>>
      %dma_start3A = arith.constant 0 : i32
      %dma_start3A_122 = tpu.memref_slice %arg10[%add3A_15, %dma_start3A] : memref<10000x128xf32, #tpu.memory_space<vmem_shared>> -> memref<40x128xf32, #tpu.memory_space<vmem_shared>>
      %dma_start3A_123 = arith.constant 0 : i32
      %dma_start3A_124 = tpu.memref_slice %arg10[%add3A_15, %dma_start3A_123] : memref<10000x128xf32, #tpu.memory_space<vmem_shared>> -> memref<40x128xf32, #tpu.memory_space<vmem_shared>>
      tpu.enqueue_dma source(%arg20 : memref<40x128xf32, #tpu.memory_space<vmem>>) target(%dma_start3A_124 : memref<40x128xf32, #tpu.memory_space<vmem_shared>>) target_semaphore(%run_scoped3A : memref<!tpu.dma_semaphore, #tpu.memory_space<semaphore_mem>>)
      %dma_wait3A = arith.constant 0 : i32
      %dma_wait3A_125 = tpu.memref_slice %arg10[%add3A_15, %dma_wait3A] : memref<10000x128xf32, #tpu.memory_space<vmem_shared>> -> memref<40x128xf32, #tpu.memory_space<vmem_shared>>
      %dma_wait3A_126 = arith.constant 0 : i32
      %dma_wait3A_127 = tpu.memref_slice %arg10[%add3A_15, %dma_wait3A_126] : memref<10000x128xf32, #tpu.memory_space<vmem_shared>> -> memref<40x128xf32, #tpu.memory_space<vmem_shared>>
      tpu.wait_dma2 semaphore(%run_scoped3A : memref<!tpu.dma_semaphore, #tpu.memory_space<semaphore_mem>>) src(%arg20 : memref<40x128xf32, #tpu.memory_space<vmem>>) dst(%dma_wait3A_127 : memref<40x128xf32, #tpu.memory_space<vmem_shared>>)
      tpu.yield
    }) : () -> ()
    %add3A_16 = arith.constant 160 : i32
    %add3A_17 = arith.addi %mul3A_2, %add3A_16 : i32
    "tpu.region"() ({
      %run_scoped3A = tpu.sem_alloc : memref<!tpu.dma_semaphore, #tpu.memory_space<semaphore_mem>>
      %dma_start3A = arith.constant 0 : i32
      %dma_start3A_122 = tpu.memref_slice %arg10[%add3A_17, %dma_start3A] : memref<10000x128xf32, #tpu.memory_space<vmem_shared>> -> memref<40x128xf32, #tpu.memory_space<vmem_shared>>
      %dma_start3A_123 = arith.constant 0 : i32
      %dma_start3A_124 = tpu.memref_slice %arg10[%add3A_17, %dma_start3A_123] : memref<10000x128xf32, #tpu.memory_space<vmem_shared>> -> memref<40x128xf32, #tpu.memory_space<vmem_shared>>
      tpu.enqueue_dma source(%arg20 : memref<40x128xf32, #tpu.memory_space<vmem>>) target(%dma_start3A_124 : memref<40x128xf32, #tpu.memory_space<vmem_shared>>) target_semaphore(%run_scoped3A : memref<!tpu.dma_semaphore, #tpu.memory_space<semaphore_mem>>)
      %dma_wait3A = arith.constant 0 : i32
      %dma_wait3A_125 = tpu.memref_slice %arg10[%add3A_17, %dma_wait3A] : memref<10000x128xf32, #tpu.memory_space<vmem_shared>> -> memref<40x128xf32, #tpu.memory_space<vmem_shared>>
      %dma_wait3A_126 = arith.constant 0 : i32
      %dma_wait3A_127 = tpu.memref_slice %arg10[%add3A_17, %dma_wait3A_126] : memref<10000x128xf32, #tpu.memory_space<vmem_shared>> -> memref<40x128xf32, #tpu.memory_space<vmem_shared>>
      tpu.wait_dma2 semaphore(%run_scoped3A : memref<!tpu.dma_semaphore, #tpu.memory_space<semaphore_mem>>) src(%arg20 : memref<40x128xf32, #tpu.memory_space<vmem>>) dst(%dma_wait3A_127 : memref<40x128xf32, #tpu.memory_space<vmem_shared>>)
      tpu.yield
    }) : () -> ()
    %add3A_18 = arith.constant 200 : i32
    %add3A_19 = arith.addi %mul3A_2, %add3A_18 : i32
    "tpu.region"() ({
      %run_scoped3A = tpu.sem_alloc : memref<!tpu.dma_semaphore, #tpu.memory_space<semaphore_mem>>
      %dma_start3A = arith.constant 0 : i32
      %dma_start3A_122 = tpu.memref_slice %arg10[%add3A_19, %dma_start3A] : memref<10000x128xf32, #tpu.memory_space<vmem_shared>> -> memref<40x128xf32, #tpu.memory_space<vmem_shared>>
      %dma_start3A_123 = arith.constant 0 : i32
      %dma_start3A_124 = tpu.memref_slice %arg10[%add3A_19, %dma_start3A_123] : memref<10000x128xf32, #tpu.memory_space<vmem_shared>> -> memref<40x128xf32, #tpu.memory_space<vmem_shared>>
      tpu.enqueue_dma source(%arg20 : memref<40x128xf32, #tpu.memory_space<vmem>>) target(%dma_start3A_124 : memref<40x128xf32, #tpu.memory_space<vmem_shared>>) target_semaphore(%run_scoped3A : memref<!tpu.dma_semaphore, #tpu.memory_space<semaphore_mem>>)
      %dma_wait3A = arith.constant 0 : i32
      %dma_wait3A_125 = tpu.memref_slice %arg10[%add3A_19, %dma_wait3A] : memref<10000x128xf32, #tpu.memory_space<vmem_shared>> -> memref<40x128xf32, #tpu.memory_space<vmem_shared>>
      %dma_wait3A_126 = arith.constant 0 : i32
      %dma_wait3A_127 = tpu.memref_slice %arg10[%add3A_19, %dma_wait3A_126] : memref<10000x128xf32, #tpu.memory_space<vmem_shared>> -> memref<40x128xf32, #tpu.memory_space<vmem_shared>>
      tpu.wait_dma2 semaphore(%run_scoped3A : memref<!tpu.dma_semaphore, #tpu.memory_space<semaphore_mem>>) src(%arg20 : memref<40x128xf32, #tpu.memory_space<vmem>>) dst(%dma_wait3A_127 : memref<40x128xf32, #tpu.memory_space<vmem_shared>>)
      tpu.yield
    }) : () -> ()
    %add3A_20 = arith.constant 240 : i32
    %add3A_21 = arith.addi %mul3A_2, %add3A_20 : i32
    "tpu.region"() ({
      %run_scoped3A = tpu.sem_alloc : memref<!tpu.dma_semaphore, #tpu.memory_space<semaphore_mem>>
      %dma_start3A = arith.constant 0 : i32
      %dma_start3A_122 = tpu.memref_slice %arg10[%add3A_21, %dma_start3A] : memref<10000x128xf32, #tpu.memory_space<vmem_shared>> -> memref<40x128xf32, #tpu.memory_space<vmem_shared>>
      %dma_start3A_123 = arith.constant 0 : i32
      %dma_start3A_124 = tpu.memref_slice %arg10[%add3A_21, %dma_start3A_123] : memref<10000x128xf32, #tpu.memory_space<vmem_shared>> -> memref<40x128xf32, #tpu.memory_space<vmem_shared>>
      tpu.enqueue_dma source(%arg20 : memref<40x128xf32, #tpu.memory_space<vmem>>) target(%dma_start3A_124 : memref<40x128xf32, #tpu.memory_space<vmem_shared>>) target_semaphore(%run_scoped3A : memref<!tpu.dma_semaphore, #tpu.memory_space<semaphore_mem>>)
      %dma_wait3A = arith.constant 0 : i32
      %dma_wait3A_125 = tpu.memref_slice %arg10[%add3A_21, %dma_wait3A] : memref<10000x128xf32, #tpu.memory_space<vmem_shared>> -> memref<40x128xf32, #tpu.memory_space<vmem_shared>>
      %dma_wait3A_126 = arith.constant 0 : i32
      %dma_wait3A_127 = tpu.memref_slice %arg10[%add3A_21, %dma_wait3A_126] : memref<10000x128xf32, #tpu.memory_space<vmem_shared>> -> memref<40x128xf32, #tpu.memory_space<vmem_shared>>
      tpu.wait_dma2 semaphore(%run_scoped3A : memref<!tpu.dma_semaphore, #tpu.memory_space<semaphore_mem>>) src(%arg20 : memref<40x128xf32, #tpu.memory_space<vmem>>) dst(%dma_wait3A_127 : memref<40x128xf32, #tpu.memory_space<vmem_shared>>)
      tpu.yield
    }) : () -> ()
    %add3A_22 = arith.constant 280 : i32
    %add3A_23 = arith.addi %mul3A_2, %add3A_22 : i32
    "tpu.region"() ({
      %run_scoped3A = tpu.sem_alloc : memref<!tpu.dma_semaphore, #tpu.memory_space<semaphore_mem>>
      %dma_start3A = arith.constant 0 : i32
      %dma_start3A_122 = tpu.memref_slice %arg10[%add3A_23, %dma_start3A] : memref<10000x128xf32, #tpu.memory_space<vmem_shared>> -> memref<40x128xf32, #tpu.memory_space<vmem_shared>>
      %dma_start3A_123 = arith.constant 0 : i32
      %dma_start3A_124 = tpu.memref_slice %arg10[%add3A_23, %dma_start3A_123] : memref<10000x128xf32, #tpu.memory_space<vmem_shared>> -> memref<40x128xf32, #tpu.memory_space<vmem_shared>>
      tpu.enqueue_dma source(%arg20 : memref<40x128xf32, #tpu.memory_space<vmem>>) target(%dma_start3A_124 : memref<40x128xf32, #tpu.memory_space<vmem_shared>>) target_semaphore(%run_scoped3A : memref<!tpu.dma_semaphore, #tpu.memory_space<semaphore_mem>>)
      %dma_wait3A = arith.constant 0 : i32
      %dma_wait3A_125 = tpu.memref_slice %arg10[%add3A_23, %dma_wait3A] : memref<10000x128xf32, #tpu.memory_space<vmem_shared>> -> memref<40x128xf32, #tpu.memory_space<vmem_shared>>
      %dma_wait3A_126 = arith.constant 0 : i32
      %dma_wait3A_127 = tpu.memref_slice %arg10[%add3A_23, %dma_wait3A_126] : memref<10000x128xf32, #tpu.memory_space<vmem_shared>> -> memref<40x128xf32, #tpu.memory_space<vmem_shared>>
      tpu.wait_dma2 semaphore(%run_scoped3A : memref<!tpu.dma_semaphore, #tpu.memory_space<semaphore_mem>>) src(%arg20 : memref<40x128xf32, #tpu.memory_space<vmem>>) dst(%dma_wait3A_127 : memref<40x128xf32, #tpu.memory_space<vmem_shared>>)
      tpu.yield
    }) : () -> ()
    %add3A_24 = arith.constant 320 : i32
    %add3A_25 = arith.addi %mul3A_2, %add3A_24 : i32
    "tpu.region"() ({
      %run_scoped3A = tpu.sem_alloc : memref<!tpu.dma_semaphore, #tpu.memory_space<semaphore_mem>>
      %dma_start3A = arith.constant 0 : i32
      %dma_start3A_122 = tpu.memref_slice %arg10[%add3A_25, %dma_start3A] : memref<10000x128xf32, #tpu.memory_space<vmem_shared>> -> memref<40x128xf32, #tpu.memory_space<vmem_shared>>
      %dma_start3A_123 = arith.constant 0 : i32
      %dma_start3A_124 = tpu.memref_slice %arg10[%add3A_25, %dma_start3A_123] : memref<10000x128xf32, #tpu.memory_space<vmem_shared>> -> memref<40x128xf32, #tpu.memory_space<vmem_shared>>
      tpu.enqueue_dma source(%arg20 : memref<40x128xf32, #tpu.memory_space<vmem>>) target(%dma_start3A_124 : memref<40x128xf32, #tpu.memory_space<vmem_shared>>) target_semaphore(%run_scoped3A : memref<!tpu.dma_semaphore, #tpu.memory_space<semaphore_mem>>)
      %dma_wait3A = arith.constant 0 : i32
      %dma_wait3A_125 = tpu.memref_slice %arg10[%add3A_25, %dma_wait3A] : memref<10000x128xf32, #tpu.memory_space<vmem_shared>> -> memref<40x128xf32, #tpu.memory_space<vmem_shared>>
      %dma_wait3A_126 = arith.constant 0 : i32
      %dma_wait3A_127 = tpu.memref_slice %arg10[%add3A_25, %dma_wait3A_126] : memref<10000x128xf32, #tpu.memory_space<vmem_shared>> -> memref<40x128xf32, #tpu.memory_space<vmem_shared>>
      tpu.wait_dma2 semaphore(%run_scoped3A : memref<!tpu.dma_semaphore, #tpu.memory_space<semaphore_mem>>) src(%arg20 : memref<40x128xf32, #tpu.memory_space<vmem>>) dst(%dma_wait3A_127 : memref<40x128xf32, #tpu.memory_space<vmem_shared>>)
      tpu.yield
    }) : () -> ()
    %add3A_26 = arith.constant 360 : i32
    %add3A_27 = arith.addi %mul3A_2, %add3A_26 : i32
    "tpu.region"() ({
      %run_scoped3A = tpu.sem_alloc : memref<!tpu.dma_semaphore, #tpu.memory_space<semaphore_mem>>
      %dma_start3A = arith.constant 0 : i32
      %dma_start3A_122 = tpu.memref_slice %arg10[%add3A_27, %dma_start3A] : memref<10000x128xf32, #tpu.memory_space<vmem_shared>> -> memref<40x128xf32, #tpu.memory_space<vmem_shared>>
      %dma_start3A_123 = arith.constant 0 : i32
      %dma_start3A_124 = tpu.memref_slice %arg10[%add3A_27, %dma_start3A_123] : memref<10000x128xf32, #tpu.memory_space<vmem_shared>> -> memref<40x128xf32, #tpu.memory_space<vmem_shared>>
      tpu.enqueue_dma source(%arg20 : memref<40x128xf32, #tpu.memory_space<vmem>>) target(%dma_start3A_124 : memref<40x128xf32, #tpu.memory_space<vmem_shared>>) target_semaphore(%run_scoped3A : memref<!tpu.dma_semaphore, #tpu.memory_space<semaphore_mem>>)
      %dma_wait3A = arith.constant 0 : i32
      %dma_wait3A_125 = tpu.memref_slice %arg10[%add3A_27, %dma_wait3A] : memref<10000x128xf32, #tpu.memory_space<vmem_shared>> -> memref<40x128xf32, #tpu.memory_space<vmem_shared>>
      %dma_wait3A_126 = arith.constant 0 : i32
      %dma_wait3A_127 = tpu.memref_slice %arg10[%add3A_27, %dma_wait3A_126] : memref<10000x128xf32, #tpu.memory_space<vmem_shared>> -> memref<40x128xf32, #tpu.memory_space<vmem_shared>>
      tpu.wait_dma2 semaphore(%run_scoped3A : memref<!tpu.dma_semaphore, #tpu.memory_space<semaphore_mem>>) src(%arg20 : memref<40x128xf32, #tpu.memory_space<vmem>>) dst(%dma_wait3A_127 : memref<40x128xf32, #tpu.memory_space<vmem_shared>>)
      tpu.yield
    }) : () -> ()
    %add3A_28 = arith.constant 400 : i32
    %add3A_29 = arith.addi %mul3A_2, %add3A_28 : i32
    "tpu.region"() ({
      %run_scoped3A = tpu.sem_alloc : memref<!tpu.dma_semaphore, #tpu.memory_space<semaphore_mem>>
      %dma_start3A = arith.constant 0 : i32
      %dma_start3A_122 = tpu.memref_slice %arg10[%add3A_29, %dma_start3A] : memref<10000x128xf32, #tpu.memory_space<vmem_shared>> -> memref<40x128xf32, #tpu.memory_space<vmem_shared>>
      %dma_start3A_123 = arith.constant 0 : i32
      %dma_start3A_124 = tpu.memref_slice %arg10[%add3A_29, %dma_start3A_123] : memref<10000x128xf32, #tpu.memory_space<vmem_shared>> -> memref<40x128xf32, #tpu.memory_space<vmem_shared>>
      tpu.enqueue_dma source(%arg20 : memref<40x128xf32, #tpu.memory_space<vmem>>) target(%dma_start3A_124 : memref<40x128xf32, #tpu.memory_space<vmem_shared>>) target_semaphore(%run_scoped3A : memref<!tpu.dma_semaphore, #tpu.memory_space<semaphore_mem>>)
      %dma_wait3A = arith.constant 0 : i32
      %dma_wait3A_125 = tpu.memref_slice %arg10[%add3A_29, %dma_wait3A] : memref<10000x128xf32, #tpu.memory_space<vmem_shared>> -> memref<40x128xf32, #tpu.memory_space<vmem_shared>>
      %dma_wait3A_126 = arith.constant 0 : i32
      %dma_wait3A_127 = tpu.memref_slice %arg10[%add3A_29, %dma_wait3A_126] : memref<10000x128xf32, #tpu.memory_space<vmem_shared>> -> memref<40x128xf32, #tpu.memory_space<vmem_shared>>
      tpu.wait_dma2 semaphore(%run_scoped3A : memref<!tpu.dma_semaphore, #tpu.memory_space<semaphore_mem>>) src(%arg20 : memref<40x128xf32, #tpu.memory_space<vmem>>) dst(%dma_wait3A_127 : memref<40x128xf32, #tpu.memory_space<vmem_shared>>)
      tpu.yield
    }) : () -> ()
    %add3A_30 = arith.constant 440 : i32
    %add3A_31 = arith.addi %mul3A_2, %add3A_30 : i32
    "tpu.region"() ({
      %run_scoped3A = tpu.sem_alloc : memref<!tpu.dma_semaphore, #tpu.memory_space<semaphore_mem>>
      %dma_start3A = arith.constant 0 : i32
      %dma_start3A_122 = tpu.memref_slice %arg10[%add3A_31, %dma_start3A] : memref<10000x128xf32, #tpu.memory_space<vmem_shared>> -> memref<40x128xf32, #tpu.memory_space<vmem_shared>>
      %dma_start3A_123 = arith.constant 0 : i32
      %dma_start3A_124 = tpu.memref_slice %arg10[%add3A_31, %dma_start3A_123] : memref<10000x128xf32, #tpu.memory_space<vmem_shared>> -> memref<40x128xf32, #tpu.memory_space<vmem_shared>>
      tpu.enqueue_dma source(%arg20 : memref<40x128xf32, #tpu.memory_space<vmem>>) target(%dma_start3A_124 : memref<40x128xf32, #tpu.memory_space<vmem_shared>>) target_semaphore(%run_scoped3A : memref<!tpu.dma_semaphore, #tpu.memory_space<semaphore_mem>>)
      %dma_wait3A = arith.constant 0 : i32
      %dma_wait3A_125 = tpu.memref_slice %arg10[%add3A_31, %dma_wait3A] : memref<10000x128xf32, #tpu.memory_space<vmem_shared>> -> memref<40x128xf32, #tpu.memory_space<vmem_shared>>
      %dma_wait3A_126 = arith.constant 0 : i32
      %dma_wait3A_127 = tpu.memref_slice %arg10[%add3A_31, %dma_wait3A_126] : memref<10000x128xf32, #tpu.memory_space<vmem_shared>> -> memref<40x128xf32, #tpu.memory_space<vmem_shared>>
      tpu.wait_dma2 semaphore(%run_scoped3A : memref<!tpu.dma_semaphore, #tpu.memory_space<semaphore_mem>>) src(%arg20 : memref<40x128xf32, #tpu.memory_space<vmem>>) dst(%dma_wait3A_127 : memref<40x128xf32, #tpu.memory_space<vmem_shared>>)
      tpu.yield
    }) : () -> ()
    %add3A_32 = arith.constant 480 : i32
    %add3A_33 = arith.addi %mul3A_2, %add3A_32 : i32
    "tpu.region"() ({
      %run_scoped3A = tpu.sem_alloc : memref<!tpu.dma_semaphore, #tpu.memory_space<semaphore_mem>>
      %dma_start3A = arith.constant 0 : i32
      %dma_start3A_122 = tpu.memref_slice %arg10[%add3A_33, %dma_start3A] : memref<10000x128xf32, #tpu.memory_space<vmem_shared>> -> memref<40x128xf32, #tpu.memory_space<vmem_shared>>
      %dma_start3A_123 = arith.constant 0 : i32
      %dma_start3A_124 = tpu.memref_slice %arg10[%add3A_33, %dma_start3A_123] : memref<10000x128xf32, #tpu.memory_space<vmem_shared>> -> memref<40x128xf32, #tpu.memory_space<vmem_shared>>
      tpu.enqueue_dma source(%arg20 : memref<40x128xf32, #tpu.memory_space<vmem>>) target(%dma_start3A_124 : memref<40x128xf32, #tpu.memory_space<vmem_shared>>) target_semaphore(%run_scoped3A : memref<!tpu.dma_semaphore, #tpu.memory_space<semaphore_mem>>)
      %dma_wait3A = arith.constant 0 : i32
      %dma_wait3A_125 = tpu.memref_slice %arg10[%add3A_33, %dma_wait3A] : memref<10000x128xf32, #tpu.memory_space<vmem_shared>> -> memref<40x128xf32, #tpu.memory_space<vmem_shared>>
      %dma_wait3A_126 = arith.constant 0 : i32
      %dma_wait3A_127 = tpu.memref_slice %arg10[%add3A_33, %dma_wait3A_126] : memref<10000x128xf32, #tpu.memory_space<vmem_shared>> -> memref<40x128xf32, #tpu.memory_space<vmem_shared>>
      tpu.wait_dma2 semaphore(%run_scoped3A : memref<!tpu.dma_semaphore, #tpu.memory_space<semaphore_mem>>) src(%arg20 : memref<40x128xf32, #tpu.memory_space<vmem>>) dst(%dma_wait3A_127 : memref<40x128xf32, #tpu.memory_space<vmem_shared>>)
      tpu.yield
    }) : () -> ()
    %add3A_34 = arith.constant 520 : i32
    %add3A_35 = arith.addi %mul3A_2, %add3A_34 : i32
    "tpu.region"() ({
      %run_scoped3A = tpu.sem_alloc : memref<!tpu.dma_semaphore, #tpu.memory_space<semaphore_mem>>
      %dma_start3A = arith.constant 0 : i32
      %dma_start3A_122 = tpu.memref_slice %arg10[%add3A_35, %dma_start3A] : memref<10000x128xf32, #tpu.memory_space<vmem_shared>> -> memref<40x128xf32, #tpu.memory_space<vmem_shared>>
      %dma_start3A_123 = arith.constant 0 : i32
      %dma_start3A_124 = tpu.memref_slice %arg10[%add3A_35, %dma_start3A_123] : memref<10000x128xf32, #tpu.memory_space<vmem_shared>> -> memref<40x128xf32, #tpu.memory_space<vmem_shared>>
      tpu.enqueue_dma source(%arg20 : memref<40x128xf32, #tpu.memory_space<vmem>>) target(%dma_start3A_124 : memref<40x128xf32, #tpu.memory_space<vmem_shared>>) target_semaphore(%run_scoped3A : memref<!tpu.dma_semaphore, #tpu.memory_space<semaphore_mem>>)
      %dma_wait3A = arith.constant 0 : i32
      %dma_wait3A_125 = tpu.memref_slice %arg10[%add3A_35, %dma_wait3A] : memref<10000x128xf32, #tpu.memory_space<vmem_shared>> -> memref<40x128xf32, #tpu.memory_space<vmem_shared>>
      %dma_wait3A_126 = arith.constant 0 : i32
      %dma_wait3A_127 = tpu.memref_slice %arg10[%add3A_35, %dma_wait3A_126] : memref<10000x128xf32, #tpu.memory_space<vmem_shared>> -> memref<40x128xf32, #tpu.memory_space<vmem_shared>>
      tpu.wait_dma2 semaphore(%run_scoped3A : memref<!tpu.dma_semaphore, #tpu.memory_space<semaphore_mem>>) src(%arg20 : memref<40x128xf32, #tpu.memory_space<vmem>>) dst(%dma_wait3A_127 : memref<40x128xf32, #tpu.memory_space<vmem_shared>>)
      tpu.yield
    }) : () -> ()
    %add3A_36 = arith.constant 560 : i32
    %add3A_37 = arith.addi %mul3A_2, %add3A_36 : i32
    "tpu.region"() ({
      %run_scoped3A = tpu.sem_alloc : memref<!tpu.dma_semaphore, #tpu.memory_space<semaphore_mem>>
      %dma_start3A = arith.constant 0 : i32
      %dma_start3A_122 = tpu.memref_slice %arg10[%add3A_37, %dma_start3A] : memref<10000x128xf32, #tpu.memory_space<vmem_shared>> -> memref<40x128xf32, #tpu.memory_space<vmem_shared>>
      %dma_start3A_123 = arith.constant 0 : i32
      %dma_start3A_124 = tpu.memref_slice %arg10[%add3A_37, %dma_start3A_123] : memref<10000x128xf32, #tpu.memory_space<vmem_shared>> -> memref<40x128xf32, #tpu.memory_space<vmem_shared>>
      tpu.enqueue_dma source(%arg20 : memref<40x128xf32, #tpu.memory_space<vmem>>) target(%dma_start3A_124 : memref<40x128xf32, #tpu.memory_space<vmem_shared>>) target_semaphore(%run_scoped3A : memref<!tpu.dma_semaphore, #tpu.memory_space<semaphore_mem>>)
      %dma_wait3A = arith.constant 0 : i32
      %dma_wait3A_125 = tpu.memref_slice %arg10[%add3A_37, %dma_wait3A] : memref<10000x128xf32, #tpu.memory_space<vmem_shared>> -> memref<40x128xf32, #tpu.memory_space<vmem_shared>>
      %dma_wait3A_126 = arith.constant 0 : i32
      %dma_wait3A_127 = tpu.memref_slice %arg10[%add3A_37, %dma_wait3A_126] : memref<10000x128xf32, #tpu.memory_space<vmem_shared>> -> memref<40x128xf32, #tpu.memory_space<vmem_shared>>
      tpu.wait_dma2 semaphore(%run_scoped3A : memref<!tpu.dma_semaphore, #tpu.memory_space<semaphore_mem>>) src(%arg20 : memref<40x128xf32, #tpu.memory_space<vmem>>) dst(%dma_wait3A_127 : memref<40x128xf32, #tpu.memory_space<vmem_shared>>)
      tpu.yield
    }) : () -> ()
    %add3A_38 = arith.constant 624 : i32
    %add3A_39 = arith.addi %mul3A_2, %add3A_38 : i32
    %sub3A = arith.constant 24 : i32
    %sub3A_40 = arith.subi %add3A_39, %sub3A : i32
    "tpu.region"() ({
      %run_scoped3A = tpu.sem_alloc : memref<!tpu.dma_semaphore, #tpu.memory_space<semaphore_mem>>
      %dma_start3A = arith.constant 0 : i32
      %dma_start3A_122 = arith.constant 0 : i32
      %dma_start3A_123 = tpu.memref_slice %arg20[%dma_start3A, %dma_start3A_122] : memref<40x128xf32, #tpu.memory_space<vmem>> -> memref<24x128xf32, #tpu.memory_space<vmem>>
      %dma_start3A_124 = arith.constant 0 : i32
      %dma_start3A_125 = tpu.memref_slice %arg10[%sub3A_40, %dma_start3A_124] : memref<10000x128xf32, #tpu.memory_space<vmem_shared>> -> memref<24x128xf32, #tpu.memory_space<vmem_shared>>
      %dma_start3A_126 = arith.constant 0 : i32
      %dma_start3A_127 = tpu.memref_slice %arg10[%sub3A_40, %dma_start3A_126] : memref<10000x128xf32, #tpu.memory_space<vmem_shared>> -> memref<24x128xf32, #tpu.memory_space<vmem_shared>>
      %dma_start3A_128 = arith.constant 0 : i32
      %dma_start3A_129 = arith.constant 0 : i32
      %dma_start3A_130 = tpu.memref_slice %arg20[%dma_start3A_128, %dma_start3A_129] : memref<40x128xf32, #tpu.memory_space<vmem>> -> memref<24x128xf32, #tpu.memory_space<vmem>>
      tpu.enqueue_dma source(%dma_start3A_130 : memref<24x128xf32, #tpu.memory_space<vmem>>) target(%dma_start3A_127 : memref<24x128xf32, #tpu.memory_space<vmem_shared>>) target_semaphore(%run_scoped3A : memref<!tpu.dma_semaphore, #tpu.memory_space<semaphore_mem>>)
      %dma_wait3A = arith.constant 0 : i32
      %dma_wait3A_131 = arith.constant 0 : i32
      %dma_wait3A_132 = tpu.memref_slice %arg20[%dma_wait3A, %dma_wait3A_131] : memref<40x128xf32, #tpu.memory_space<vmem>> -> memref<24x128xf32, #tpu.memory_space<vmem>>
      %dma_wait3A_133 = arith.constant 0 : i32
      %dma_wait3A_134 = tpu.memref_slice %arg10[%sub3A_40, %dma_wait3A_133] : memref<10000x128xf32, #tpu.memory_space<vmem_shared>> -> memref<24x128xf32, #tpu.memory_space<vmem_shared>>
      %dma_wait3A_135 = arith.constant 0 : i32
      %dma_wait3A_136 = tpu.memref_slice %arg10[%sub3A_40, %dma_wait3A_135] : memref<10000x128xf32, #tpu.memory_space<vmem_shared>> -> memref<24x128xf32, #tpu.memory_space<vmem_shared>>
      %dma_wait3A_137 = arith.constant 0 : i32
      %dma_wait3A_138 = arith.constant 0 : i32
      %dma_wait3A_139 = tpu.memref_slice %arg20[%dma_wait3A_137, %dma_wait3A_138] : memref<40x128xf32, #tpu.memory_space<vmem>> -> memref<24x128xf32, #tpu.memory_space<vmem>>
      tpu.wait_dma2 semaphore(%run_scoped3A : memref<!tpu.dma_semaphore, #tpu.memory_space<semaphore_mem>>) src(%dma_wait3A_139 : memref<24x128xf32, #tpu.memory_space<vmem>>) dst(%dma_wait3A_136 : memref<24x128xf32, #tpu.memory_space<vmem_shared>>)
      tpu.yield
    }) : () -> ()
    %eq3A = arith.constant 15 : i32
    %eq3A_41 = arith.cmpi eq, %arg1, %eq3A : i32
    %convert_element_type3A = arith.extui %eq3A_41 : i1 to i32
    %cond3A = arith.constant 0 : i32
    %cond3A_42 = arith.cmpi ne, %convert_element_type3A, %cond3A : i32
    scf.if %cond3A_42 {
      "tpu.region"() ({
        %run_scoped3A = tpu.sem_alloc : memref<!tpu.dma_semaphore, #tpu.memory_space<semaphore_mem>>
        %dma_start3A = arith.constant 0 : i32
        %dma_start3A_122 = arith.constant 0 : i32
        %dma_start3A_123 = tpu.memref_slice %arg20[%dma_start3A, %dma_start3A_122] : memref<40x128xf32, #tpu.memory_space<vmem>> -> memref<16x128xf32, #tpu.memory_space<vmem>>
        %dma_start3A_124 = arith.constant 9984 : i32
        %dma_start3A_125 = arith.constant 0 : i32
        %dma_start3A_126 = tpu.memref_slice %arg10[%dma_start3A_124, %dma_start3A_125] : memref<10000x128xf32, #tpu.memory_space<vmem_shared>> -> memref<16x128xf32, #tpu.memory_space<vmem_shared>>
        %dma_start3A_127 = arith.constant 9984 : i32
        %dma_start3A_128 = arith.constant 0 : i32
        %dma_start3A_129 = tpu.memref_slice %arg10[%dma_start3A_127, %dma_start3A_128] : memref<10000x128xf32, #tpu.memory_space<vmem_shared>> -> memref<16x128xf32, #tpu.memory_space<vmem_shared>>
        %dma_start3A_130 = arith.constant 0 : i32
        %dma_start3A_131 = arith.constant 0 : i32
        %dma_start3A_132 = tpu.memref_slice %arg20[%dma_start3A_130, %dma_start3A_131] : memref<40x128xf32, #tpu.memory_space<vmem>> -> memref<16x128xf32, #tpu.memory_space<vmem>>
        tpu.enqueue_dma source(%dma_start3A_132 : memref<16x128xf32, #tpu.memory_space<vmem>>) target(%dma_start3A_129 : memref<16x128xf32, #tpu.memory_space<vmem_shared>>) target_semaphore(%run_scoped3A : memref<!tpu.dma_semaphore, #tpu.memory_space<semaphore_mem>>)
        %dma_wait3A = arith.constant 0 : i32
        %dma_wait3A_133 = arith.constant 0 : i32
        %dma_wait3A_134 = tpu.memref_slice %arg20[%dma_wait3A, %dma_wait3A_133] : memref<40x128xf32, #tpu.memory_space<vmem>> -> memref<16x128xf32, #tpu.memory_space<vmem>>
        %dma_wait3A_135 = arith.constant 9984 : i32
        %dma_wait3A_136 = arith.constant 0 : i32
        %dma_wait3A_137 = tpu.memref_slice %arg10[%dma_wait3A_135, %dma_wait3A_136] : memref<10000x128xf32, #tpu.memory_space<vmem_shared>> -> memref<16x128xf32, #tpu.memory_space<vmem_shared>>
        %dma_wait3A_138 = arith.constant 9984 : i32
        %dma_wait3A_139 = arith.constant 0 : i32
        %dma_wait3A_140 = tpu.memref_slice %arg10[%dma_wait3A_138, %dma_wait3A_139] : memref<10000x128xf32, #tpu.memory_space<vmem_shared>> -> memref<16x128xf32, #tpu.memory_space<vmem_shared>>
        %dma_wait3A_141 = arith.constant 0 : i32
        %dma_wait3A_142 = arith.constant 0 : i32
        %dma_wait3A_143 = tpu.memref_slice %arg20[%dma_wait3A_141, %dma_wait3A_142] : memref<40x128xf32, #tpu.memory_space<vmem>> -> memref<16x128xf32, #tpu.memory_space<vmem>>
        tpu.wait_dma2 semaphore(%run_scoped3A : memref<!tpu.dma_semaphore, #tpu.memory_space<semaphore_mem>>) src(%dma_wait3A_143 : memref<16x128xf32, #tpu.memory_space<vmem>>) dst(%dma_wait3A_140 : memref<16x128xf32, #tpu.memory_space<vmem_shared>>)
        tpu.yield
      }) : () -> ()
    } else {
    }
    %barrier3A = arith.constant 0 : index
    tpu.barrier barrier_id(%barrier3A)
    %scan3A_43 = arith.constant 0 : i32
    %scan3A_44 = arith.constant 0 : i32
    %scan3A_45 = arith.constant 500 : i32
    %scan3A_46 = arith.addi %scan3A_44, %scan3A_45 : i32
    %scan3A_47 = arith.constant 1 : i32
    %scan3A_48 = scf.for %scan3A_122 = %scan3A_44 to %scan3A_46 step %scan3A_47 iter_args(%scan3A_123 = %scan3A_43) -> (i32)  : i32 {
      %mul3A_124 = arith.constant 40 : i32
      %mul3A_125 = arith.muli %scan3A_122, %mul3A_124 : i32
      %add3A_126 = arith.addi %mul3A_0, %mul3A_125 : i32
      %dma_start3A = tpu.memref_slice %arg6[%add3A_126] : memref<320000xi32, #tpu.memory_space<hbm>> -> memref<40xi32, #tpu.memory_space<hbm>>
      %dma_start3A_127 = tpu.memref_slice %arg6[%add3A_126] : memref<320000xi32, #tpu.memory_space<hbm>> -> memref<40xi32, #tpu.memory_space<hbm>>
      tpu.enqueue_dma source(%dma_start3A_127 : memref<40xi32, #tpu.memory_space<hbm>>) target(%arg11 : memref<40xi32, #tpu.memory_space<vmem>>) target_semaphore(%arg21 : memref<!tpu.dma_semaphore, #tpu.memory_space<semaphore_mem>>)
      %mul3A_128 = arith.constant 320000 : i32
      %mul3A_129 = arith.muli %arg0, %mul3A_128 : i32
      %add3A_130 = arith.addi %mul3A_129, %add3A_126 : i32
      %dma_start3A_131 = tpu.memref_slice %arg7[%add3A_130] : memref<640000xi32, #tpu.memory_space<hbm>> -> memref<40xi32, #tpu.memory_space<hbm>>
      %dma_start3A_132 = tpu.memref_slice %arg7[%add3A_130] : memref<640000xi32, #tpu.memory_space<hbm>> -> memref<40xi32, #tpu.memory_space<hbm>>
      tpu.enqueue_dma source(%dma_start3A_132 : memref<40xi32, #tpu.memory_space<hbm>>) target(%arg12 : memref<40xi32, #tpu.memory_space<vmem>>) target_semaphore(%arg22 : memref<!tpu.dma_semaphore, #tpu.memory_space<semaphore_mem>>)
      %dma_wait3A = tpu.memref_slice %arg7[%add3A_130] : memref<640000xi32, #tpu.memory_space<hbm>> -> memref<40xi32, #tpu.memory_space<hbm>>
      %dma_wait3A_133 = tpu.memref_slice %arg7[%add3A_130] : memref<640000xi32, #tpu.memory_space<hbm>> -> memref<40xi32, #tpu.memory_space<hbm>>
      tpu.wait_dma2 semaphore(%arg22 : memref<!tpu.dma_semaphore, #tpu.memory_space<semaphore_mem>>) src(%dma_wait3A_133 : memref<40xi32, #tpu.memory_space<hbm>>) dst(%arg12 : memref<40xi32, #tpu.memory_space<vmem>>)
      %dma_start3A_134 = arith.constant 0 : i32
      %dma_start3A_135 = arith.constant 0 : i32
      %dma_start3A_136 = tpu.memref_slice %arg3[%dma_start3A_134, %dma_start3A_135] : memref<20000x128xf32, #tpu.memory_space<hbm>> -> memref<20000x128xf32, #tpu.memory_space<hbm>>
      tpu.enqueue_indirect_dma source(%dma_start3A_136 : memref<20000x128xf32, #tpu.memory_space<hbm>>) target(%arg18 : memref<40x128xf32, #tpu.memory_space<vmem>>) offsets(%arg12 : memref<40xi32, #tpu.memory_space<vmem>>) semaphore(%arg21 : memref<!tpu.dma_semaphore, #tpu.memory_space<semaphore_mem>>)
      %add3A_137 = arith.constant 4 : i32
      %add3A_138 = arith.addi %add3A_137, %arg0 : i32
      %mul3A_139 = arith.constant 320000 : i32
      %mul3A_140 = arith.muli %add3A_138, %mul3A_139 : i32
      %add3A_141 = arith.addi %mul3A_140, %add3A_126 : i32
      %dma_start3A_142 = arith.constant 0 : i32
      %dma_start3A_143 = tpu.memref_slice %arg2[%add3A_141, %dma_start3A_142] : memref<1920000x64xf32, #tpu.memory_space<hbm>> -> memref<40x64xf32, #tpu.memory_space<hbm>>
      %dma_start3A_144 = arith.constant 0 : i32
      %dma_start3A_145 = tpu.memref_slice %arg2[%add3A_141, %dma_start3A_144] : memref<1920000x64xf32, #tpu.memory_space<hbm>> -> memref<40x64xf32, #tpu.memory_space<hbm>>
      tpu.enqueue_dma source(%dma_start3A_145 : memref<40x64xf32, #tpu.memory_space<hbm>>) target(%arg15 : memref<40x64xf32, #tpu.memory_space<vmem>>) target_semaphore(%arg21 : memref<!tpu.dma_semaphore, #tpu.memory_space<semaphore_mem>>)
      %add3A_146 = arith.constant 2 : i32
      %add3A_147 = arith.addi %add3A_146, %arg0 : i32
      %mul3A_148 = arith.constant 320000 : i32
      %mul3A_149 = arith.muli %add3A_147, %mul3A_148 : i32
      %add3A_150 = arith.addi %mul3A_149, %add3A_126 : i32
      %dma_start3A_151 = arith.constant 0 : i32
      %dma_start3A_152 = tpu.memref_slice %arg2[%add3A_150, %dma_start3A_151] : memref<1920000x64xf32, #tpu.memory_space<hbm>> -> memref<40x64xf32, #tpu.memory_space<hbm>>
      %dma_start3A_153 = arith.constant 0 : i32
      %dma_start3A_154 = tpu.memref_slice %arg2[%add3A_150, %dma_start3A_153] : memref<1920000x64xf32, #tpu.memory_space<hbm>> -> memref<40x64xf32, #tpu.memory_space<hbm>>
      tpu.enqueue_dma source(%dma_start3A_154 : memref<40x64xf32, #tpu.memory_space<hbm>>) target(%arg14 : memref<40x64xf32, #tpu.memory_space<vmem>>) target_semaphore(%arg21 : memref<!tpu.dma_semaphore, #tpu.memory_space<semaphore_mem>>)
      %mul3A_155 = arith.constant 320000 : i32
      %mul3A_156 = arith.muli %arg0, %mul3A_155 : i32
      %add3A_157 = arith.addi %mul3A_156, %add3A_126 : i32
      %dma_start3A_158 = arith.constant 0 : i32
      %dma_start3A_159 = tpu.memref_slice %arg2[%add3A_157, %dma_start3A_158] : memref<1920000x64xf32, #tpu.memory_space<hbm>> -> memref<40x64xf32, #tpu.memory_space<hbm>>
      %dma_start3A_160 = arith.constant 0 : i32
      %dma_start3A_161 = tpu.memref_slice %arg2[%add3A_157, %dma_start3A_160] : memref<1920000x64xf32, #tpu.memory_space<hbm>> -> memref<40x64xf32, #tpu.memory_space<hbm>>
      tpu.enqueue_dma source(%dma_start3A_161 : memref<40x64xf32, #tpu.memory_space<hbm>>) target(%arg13 : memref<40x64xf32, #tpu.memory_space<vmem>>) target_semaphore(%arg21 : memref<!tpu.dma_semaphore, #tpu.memory_space<semaphore_mem>>)
      %dma_start3A_162 = arith.constant 0 : i32
      %dma_start3A_163 = tpu.memref_slice %arg5[%add3A_126, %dma_start3A_162] : memref<960000x16xf32, #tpu.memory_space<hbm>> -> memref<40x16xf32, #tpu.memory_space<hbm>>
      %dma_start3A_164 = arith.constant 0 : i32
      %dma_start3A_165 = tpu.memref_slice %arg5[%add3A_126, %dma_start3A_164] : memref<960000x16xf32, #tpu.memory_space<hbm>> -> memref<40x16xf32, #tpu.memory_space<hbm>>
      tpu.enqueue_dma source(%dma_start3A_165 : memref<40x16xf32, #tpu.memory_space<hbm>>) target(%arg16 : memref<40x16xf32, #tpu.memory_space<vmem>>) target_semaphore(%arg21 : memref<!tpu.dma_semaphore, #tpu.memory_space<semaphore_mem>>)
      %dma_wait3A_166 = arith.constant 0 : i32
      %dma_wait3A_167 = arith.constant 0 : i32
      %dma_wait3A_168 = tpu.memref_slice %arg3[%dma_wait3A_166, %dma_wait3A_167] : memref<20000x128xf32, #tpu.memory_space<hbm>> -> memref<20000x128xf32, #tpu.memory_space<hbm>>
      tpu.wait_indirect_dma semaphore(%arg21 : memref<!tpu.dma_semaphore, #tpu.memory_space<semaphore_mem>>) src(%dma_wait3A_168 : memref<20000x128xf32, #tpu.memory_space<hbm>>) dst(%arg18 : memref<40x128xf32, #tpu.memory_space<vmem>>)
      %dma_wait3A_169 = arith.constant 0 : i32
      %dma_wait3A_170 = tpu.memref_slice %arg2[%add3A_141, %dma_wait3A_169] : memref<1920000x64xf32, #tpu.memory_space<hbm>> -> memref<40x64xf32, #tpu.memory_space<hbm>>
      %dma_wait3A_171 = arith.constant 0 : i32
      %dma_wait3A_172 = tpu.memref_slice %arg2[%add3A_141, %dma_wait3A_171] : memref<1920000x64xf32, #tpu.memory_space<hbm>> -> memref<40x64xf32, #tpu.memory_space<hbm>>
      tpu.wait_dma2 semaphore(%arg21 : memref<!tpu.dma_semaphore, #tpu.memory_space<semaphore_mem>>) src(%dma_wait3A_172 : memref<40x64xf32, #tpu.memory_space<hbm>>) dst(%arg15 : memref<40x64xf32, #tpu.memory_space<vmem>>)
      %dma_wait3A_173 = arith.constant 0 : i32
      %dma_wait3A_174 = tpu.memref_slice %arg2[%add3A_150, %dma_wait3A_173] : memref<1920000x64xf32, #tpu.memory_space<hbm>> -> memref<40x64xf32, #tpu.memory_space<hbm>>
      %dma_wait3A_175 = arith.constant 0 : i32
      %dma_wait3A_176 = tpu.memref_slice %arg2[%add3A_150, %dma_wait3A_175] : memref<1920000x64xf32, #tpu.memory_space<hbm>> -> memref<40x64xf32, #tpu.memory_space<hbm>>
      tpu.wait_dma2 semaphore(%arg21 : memref<!tpu.dma_semaphore, #tpu.memory_space<semaphore_mem>>) src(%dma_wait3A_176 : memref<40x64xf32, #tpu.memory_space<hbm>>) dst(%arg14 : memref<40x64xf32, #tpu.memory_space<vmem>>)
      %dma_wait3A_177 = arith.constant 0 : i32
      %dma_wait3A_178 = tpu.memref_slice %arg2[%add3A_157, %dma_wait3A_177] : memref<1920000x64xf32, #tpu.memory_space<hbm>> -> memref<40x64xf32, #tpu.memory_space<hbm>>
      %dma_wait3A_179 = arith.constant 0 : i32
      %dma_wait3A_180 = tpu.memref_slice %arg2[%add3A_157, %dma_wait3A_179] : memref<1920000x64xf32, #tpu.memory_space<hbm>> -> memref<40x64xf32, #tpu.memory_space<hbm>>
      tpu.wait_dma2 semaphore(%arg21 : memref<!tpu.dma_semaphore, #tpu.memory_space<semaphore_mem>>) src(%dma_wait3A_180 : memref<40x64xf32, #tpu.memory_space<hbm>>) dst(%arg13 : memref<40x64xf32, #tpu.memory_space<vmem>>)
      %dma_wait3A_181 = arith.constant 0 : i32
      %dma_wait3A_182 = tpu.memref_slice %arg5[%add3A_126, %dma_wait3A_181] : memref<960000x16xf32, #tpu.memory_space<hbm>> -> memref<40x16xf32, #tpu.memory_space<hbm>>
      %dma_wait3A_183 = arith.constant 0 : i32
      %dma_wait3A_184 = tpu.memref_slice %arg5[%add3A_126, %dma_wait3A_183] : memref<960000x16xf32, #tpu.memory_space<hbm>> -> memref<40x16xf32, #tpu.memory_space<hbm>>
      tpu.wait_dma2 semaphore(%arg21 : memref<!tpu.dma_semaphore, #tpu.memory_space<semaphore_mem>>) src(%dma_wait3A_184 : memref<40x16xf32, #tpu.memory_space<hbm>>) dst(%arg16 : memref<40x16xf32, #tpu.memory_space<vmem>>)
      %dma_wait3A_185 = tpu.memref_slice %arg6[%add3A_126] : memref<320000xi32, #tpu.memory_space<hbm>> -> memref<40xi32, #tpu.memory_space<hbm>>
      %dma_wait3A_186 = tpu.memref_slice %arg6[%add3A_126] : memref<320000xi32, #tpu.memory_space<hbm>> -> memref<40xi32, #tpu.memory_space<hbm>>
      tpu.wait_dma2 semaphore(%arg21 : memref<!tpu.dma_semaphore, #tpu.memory_space<semaphore_mem>>) src(%dma_wait3A_186 : memref<40xi32, #tpu.memory_space<hbm>>) dst(%arg11 : memref<40xi32, #tpu.memory_space<vmem>>)
      %scan3A_187 = arith.constant 0 : i32
      %scan3A_188 = arith.constant 0 : i32
      %scan3A_189 = arith.constant 40 : i32
      %scan3A_190 = arith.addi %scan3A_188, %scan3A_189 : i32
      %scan3A_191 = arith.constant 1 : i32
      %scan3A_192 = scf.for %scan3A_195 = %scan3A_188 to %scan3A_190 step %scan3A_191 iter_args(%scan3A_196 = %scan3A_187) -> (i32)  : i32 {
        %get3A = arith.index_cast %scan3A_195 : i32 to index
        %get3A_197 = arith.constant 0 : index
        %get3A_198 = tpu.vector_load %arg16[%get3A, %get3A_197] {strides = array<i32>} : memref<40x16xf32, #tpu.memory_space<vmem>>, vector<1x16xf32>,
        %get3A_199 = vector.shape_cast %get3A_198 : vector<1x16xf32> to vector<16xf32>
        %get3A_200 = arith.index_cast %scan3A_195 : i32 to index
        %get3A_201 = arith.constant 0 : index
        %get3A_202 = tpu.vector_load %arg18[%get3A_200, %get3A_201] {strides = array<i32>} : memref<40x128xf32, #tpu.memory_space<vmem>>, vector<1x16xf32>,
        %get3A_203 = vector.shape_cast %get3A_202 : vector<1x16xf32> to vector<16xf32>
        %get3A_204 = arith.index_cast %scan3A_195 : i32 to index
        %get3A_205 = arith.constant 0 : index
        %get3A_206 = tpu.vector_load %arg15[%get3A_204, %get3A_205] {strides = array<i32>} : memref<40x64xf32, #tpu.memory_space<vmem>>, vector<1x16xf32>,
        %get3A_207 = vector.shape_cast %get3A_206 : vector<1x16xf32> to vector<16xf32>
        %mul3A_208 = arith.mulf %get3A_207, %get3A_203 : vector<16xf32>
        %get3A_209 = arith.index_cast %scan3A_195 : i32 to index
        %get3A_210 = arith.constant 0 : index
        %get3A_211 = tpu.vector_load %arg13[%get3A_209, %get3A_210] {strides = array<i32>} : memref<40x64xf32, #tpu.memory_space<vmem>>, vector<1x16xf32>,
        %get3A_212 = vector.shape_cast %get3A_211 : vector<1x16xf32> to vector<16xf32>
        %mul3A_213 = arith.mulf %get3A_212, %get3A_203 : vector<16xf32>
        %swap3A = arith.index_cast %scan3A_195 : i32 to index
        %swap3A_214 = arith.constant 0 : index
        %swap3A_215 = tpu.vector_load %arg20[%swap3A, %swap3A_214] {strides = array<i32>} : memref<40x128xf32, #tpu.memory_space<vmem>>, vector<1x16xf32>,
        %swap3A_216 = vector.shape_cast %swap3A_215 : vector<1x16xf32> to vector<16xf32>
        %swap3A_217 = vector.shape_cast %mul3A_213 : vector<16xf32> to vector<1x16xf32>
        tpu.vector_store %arg20[%swap3A, %swap3A_214], %swap3A_217 {strides = array<i32>} : memref<40x128xf32, #tpu.memory_space<vmem>>, vector<1x16xf32>,
        %get3A_218 = arith.index_cast %scan3A_195 : i32 to index
        %get3A_219 = arith.constant 0 : index
        %get3A_220 = tpu.vector_load %arg14[%get3A_218, %get3A_219] {strides = array<i32>} : memref<40x64xf32, #tpu.memory_space<vmem>>, vector<1x16xf32>,
        %get3A_221 = vector.shape_cast %get3A_220 : vector<1x16xf32> to vector<16xf32>
        %get3A_222 = arith.index_cast %scan3A_195 : i32 to index
        %get3A_223 = arith.constant 64 : index
        %get3A_224 = tpu.vector_load %arg18[%get3A_222, %get3A_223] {strides = array<i32>} : memref<40x128xf32, #tpu.memory_space<vmem>>, vector<1x16xf32>,
        %get3A_225 = vector.shape_cast %get3A_224 : vector<1x16xf32> to vector<16xf32>
        %mul3A_226 = arith.mulf %get3A_221, %get3A_225 : vector<16xf32>
        %mul3A_227 = arith.mulf %get3A_199, %mul3A_208 : vector<16xf32>
        %add3A_228 = arith.addf %mul3A_226, %mul3A_227 : vector<16xf32>
        %swap3A_229 = arith.index_cast %scan3A_195 : i32 to index
        %swap3A_230 = arith.constant 64 : index
        %swap3A_231 = tpu.vector_load %arg20[%swap3A_229, %swap3A_230] {strides = array<i32>} : memref<40x128xf32, #tpu.memory_space<vmem>>, vector<1x16xf32>,
        %swap3A_232 = vector.shape_cast %swap3A_231 : vector<1x16xf32> to vector<16xf32>
        %swap3A_233 = vector.shape_cast %add3A_228 : vector<16xf32> to vector<1x16xf32>
        tpu.vector_store %arg20[%swap3A_229, %swap3A_230], %swap3A_233 {strides = array<i32>} : memref<40x128xf32, #tpu.memory_space<vmem>>, vector<1x16xf32>,
        %get3A_234 = arith.index_cast %scan3A_195 : i32 to index
        %get3A_235 = arith.constant 16 : index
        %get3A_236 = tpu.vector_load %arg18[%get3A_234, %get3A_235] {strides = array<i32>} : memref<40x128xf32, #tpu.memory_space<vmem>>, vector<1x16xf32>,
        %get3A_237 = vector.shape_cast %get3A_236 : vector<1x16xf32> to vector<16xf32>
        %get3A_238 = arith.index_cast %scan3A_195 : i32 to index
        %get3A_239 = arith.constant 16 : index
        %get3A_240 = tpu.vector_load %arg15[%get3A_238, %get3A_239] {strides = array<i32>} : memref<40x64xf32, #tpu.memory_space<vmem>>, vector<1x16xf32>,
        %get3A_241 = vector.shape_cast %get3A_240 : vector<1x16xf32> to vector<16xf32>
        %mul3A_242 = arith.mulf %get3A_241, %get3A_237 : vector<16xf32>
        %get3A_243 = arith.index_cast %scan3A_195 : i32 to index
        %get3A_244 = arith.constant 16 : index
        %get3A_245 = tpu.vector_load %arg13[%get3A_243, %get3A_244] {strides = array<i32>} : memref<40x64xf32, #tpu.memory_space<vmem>>, vector<1x16xf32>,
        %get3A_246 = vector.shape_cast %get3A_245 : vector<1x16xf32> to vector<16xf32>
        %mul3A_247 = arith.mulf %get3A_246, %get3A_237 : vector<16xf32>
        %swap3A_248 = arith.index_cast %scan3A_195 : i32 to index
        %swap3A_249 = arith.constant 16 : index
        %swap3A_250 = tpu.vector_load %arg20[%swap3A_248, %swap3A_249] {strides = array<i32>} : memref<40x128xf32, #tpu.memory_space<vmem>>, vector<1x16xf32>,
        %swap3A_251 = vector.shape_cast %swap3A_250 : vector<1x16xf32> to vector<16xf32>
        %swap3A_252 = vector.shape_cast %mul3A_247 : vector<16xf32> to vector<1x16xf32>
        tpu.vector_store %arg20[%swap3A_248, %swap3A_249], %swap3A_252 {strides = array<i32>} : memref<40x128xf32, #tpu.memory_space<vmem>>, vector<1x16xf32>,
        %get3A_253 = arith.index_cast %scan3A_195 : i32 to index
        %get3A_254 = arith.constant 16 : index
        %get3A_255 = tpu.vector_load %arg14[%get3A_253, %get3A_254] {strides = array<i32>} : memref<40x64xf32, #tpu.memory_space<vmem>>, vector<1x16xf32>,
        %get3A_256 = vector.shape_cast %get3A_255 : vector<1x16xf32> to vector<16xf32>
        %get3A_257 = arith.index_cast %scan3A_195 : i32 to index
        %get3A_258 = arith.constant 80 : index
        %get3A_259 = tpu.vector_load %arg18[%get3A_257, %get3A_258] {strides = array<i32>} : memref<40x128xf32, #tpu.memory_space<vmem>>, vector<1x16xf32>,
        %get3A_260 = vector.shape_cast %get3A_259 : vector<1x16xf32> to vector<16xf32>
        %mul3A_261 = arith.mulf %get3A_256, %get3A_260 : vector<16xf32>
        %mul3A_262 = arith.mulf %get3A_199, %mul3A_242 : vector<16xf32>
        %add3A_263 = arith.addf %mul3A_261, %mul3A_262 : vector<16xf32>
        %swap3A_264 = arith.index_cast %scan3A_195 : i32 to index
        %swap3A_265 = arith.constant 80 : index
        %swap3A_266 = tpu.vector_load %arg20[%swap3A_264, %swap3A_265] {strides = array<i32>} : memref<40x128xf32, #tpu.memory_space<vmem>>, vector<1x16xf32>,
        %swap3A_267 = vector.shape_cast %swap3A_266 : vector<1x16xf32> to vector<16xf32>
        %swap3A_268 = vector.shape_cast %add3A_263 : vector<16xf32> to vector<1x16xf32>
        tpu.vector_store %arg20[%swap3A_264, %swap3A_265], %swap3A_268 {strides = array<i32>} : memref<40x128xf32, #tpu.memory_space<vmem>>, vector<1x16xf32>,
        %get3A_269 = arith.index_cast %scan3A_195 : i32 to index
        %get3A_270 = arith.constant 32 : index
        %get3A_271 = tpu.vector_load %arg18[%get3A_269, %get3A_270] {strides = array<i32>} : memref<40x128xf32, #tpu.memory_space<vmem>>, vector<1x16xf32>,
        %get3A_272 = vector.shape_cast %get3A_271 : vector<1x16xf32> to vector<16xf32>
        %get3A_273 = arith.index_cast %scan3A_195 : i32 to index
        %get3A_274 = arith.constant 32 : index
        %get3A_275 = tpu.vector_load %arg15[%get3A_273, %get3A_274] {strides = array<i32>} : memref<40x64xf32, #tpu.memory_space<vmem>>, vector<1x16xf32>,
        %get3A_276 = vector.shape_cast %get3A_275 : vector<1x16xf32> to vector<16xf32>
        %mul3A_277 = arith.mulf %get3A_276, %get3A_272 : vector<16xf32>
        %get3A_278 = arith.index_cast %scan3A_195 : i32 to index
        %get3A_279 = arith.constant 32 : index
        %get3A_280 = tpu.vector_load %arg13[%get3A_278, %get3A_279] {strides = array<i32>} : memref<40x64xf32, #tpu.memory_space<vmem>>, vector<1x16xf32>,
        %get3A_281 = vector.shape_cast %get3A_280 : vector<1x16xf32> to vector<16xf32>
        %mul3A_282 = arith.mulf %get3A_281, %get3A_272 : vector<16xf32>
        %swap3A_283 = arith.index_cast %scan3A_195 : i32 to index
        %swap3A_284 = arith.constant 32 : index
        %swap3A_285 = tpu.vector_load %arg20[%swap3A_283, %swap3A_284] {strides = array<i32>} : memref<40x128xf32, #tpu.memory_space<vmem>>, vector<1x16xf32>,
        %swap3A_286 = vector.shape_cast %swap3A_285 : vector<1x16xf32> to vector<16xf32>
        %swap3A_287 = vector.shape_cast %mul3A_282 : vector<16xf32> to vector<1x16xf32>
        tpu.vector_store %arg20[%swap3A_283, %swap3A_284], %swap3A_287 {strides = array<i32>} : memref<40x128xf32, #tpu.memory_space<vmem>>, vector<1x16xf32>,
        %get3A_288 = arith.index_cast %scan3A_195 : i32 to index
        %get3A_289 = arith.constant 32 : index
        %get3A_290 = tpu.vector_load %arg14[%get3A_288, %get3A_289] {strides = array<i32>} : memref<40x64xf32, #tpu.memory_space<vmem>>, vector<1x16xf32>,
        %get3A_291 = vector.shape_cast %get3A_290 : vector<1x16xf32> to vector<16xf32>
        %get3A_292 = arith.index_cast %scan3A_195 : i32 to index
        %get3A_293 = arith.constant 96 : index
        %get3A_294 = tpu.vector_load %arg18[%get3A_292, %get3A_293] {strides = array<i32>} : memref<40x128xf32, #tpu.memory_space<vmem>>, vector<1x16xf32>,
        %get3A_295 = vector.shape_cast %get3A_294 : vector<1x16xf32> to vector<16xf32>
        %mul3A_296 = arith.mulf %get3A_291, %get3A_295 : vector<16xf32>
        %mul3A_297 = arith.mulf %get3A_199, %mul3A_277 : vector<16xf32>
        %add3A_298 = arith.addf %mul3A_296, %mul3A_297 : vector<16xf32>
        %swap3A_299 = arith.index_cast %scan3A_195 : i32 to index
        %swap3A_300 = arith.constant 96 : index
        %swap3A_301 = tpu.vector_load %arg20[%swap3A_299, %swap3A_300] {strides = array<i32>} : memref<40x128xf32, #tpu.memory_space<vmem>>, vector<1x16xf32>,
        %swap3A_302 = vector.shape_cast %swap3A_301 : vector<1x16xf32> to vector<16xf32>
        %swap3A_303 = vector.shape_cast %add3A_298 : vector<16xf32> to vector<1x16xf32>
        tpu.vector_store %arg20[%swap3A_299, %swap3A_300], %swap3A_303 {strides = array<i32>} : memref<40x128xf32, #tpu.memory_space<vmem>>, vector<1x16xf32>,
        %get3A_304 = arith.index_cast %scan3A_195 : i32 to index
        %get3A_305 = arith.constant 48 : index
        %get3A_306 = tpu.vector_load %arg18[%get3A_304, %get3A_305] {strides = array<i32>} : memref<40x128xf32, #tpu.memory_space<vmem>>, vector<1x16xf32>,
        %get3A_307 = vector.shape_cast %get3A_306 : vector<1x16xf32> to vector<16xf32>
        %get3A_308 = arith.index_cast %scan3A_195 : i32 to index
        %get3A_309 = arith.constant 48 : index
        %get3A_310 = tpu.vector_load %arg15[%get3A_308, %get3A_309] {strides = array<i32>} : memref<40x64xf32, #tpu.memory_space<vmem>>, vector<1x16xf32>,
        %get3A_311 = vector.shape_cast %get3A_310 : vector<1x16xf32> to vector<16xf32>
        %mul3A_312 = arith.mulf %get3A_311, %get3A_307 : vector<16xf32>
        %get3A_313 = arith.index_cast %scan3A_195 : i32 to index
        %get3A_314 = arith.constant 48 : index
        %get3A_315 = tpu.vector_load %arg13[%get3A_313, %get3A_314] {strides = array<i32>} : memref<40x64xf32, #tpu.memory_space<vmem>>, vector<1x16xf32>,
        %get3A_316 = vector.shape_cast %get3A_315 : vector<1x16xf32> to vector<16xf32>
        %mul3A_317 = arith.mulf %get3A_316, %get3A_307 : vector<16xf32>
        %swap3A_318 = arith.index_cast %scan3A_195 : i32 to index
        %swap3A_319 = arith.constant 48 : index
        %swap3A_320 = tpu.vector_load %arg20[%swap3A_318, %swap3A_319] {strides = array<i32>} : memref<40x128xf32, #tpu.memory_space<vmem>>, vector<1x16xf32>,
        %swap3A_321 = vector.shape_cast %swap3A_320 : vector<1x16xf32> to vector<16xf32>
        %swap3A_322 = vector.shape_cast %mul3A_317 : vector<16xf32> to vector<1x16xf32>
        tpu.vector_store %arg20[%swap3A_318, %swap3A_319], %swap3A_322 {strides = array<i32>} : memref<40x128xf32, #tpu.memory_space<vmem>>, vector<1x16xf32>,
        %get3A_323 = arith.index_cast %scan3A_195 : i32 to index
        %get3A_324 = arith.constant 48 : index
        %get3A_325 = tpu.vector_load %arg14[%get3A_323, %get3A_324] {strides = array<i32>} : memref<40x64xf32, #tpu.memory_space<vmem>>, vector<1x16xf32>,
        %get3A_326 = vector.shape_cast %get3A_325 : vector<1x16xf32> to vector<16xf32>
        %get3A_327 = arith.index_cast %scan3A_195 : i32 to index
        %get3A_328 = arith.constant 112 : index
        %get3A_329 = tpu.vector_load %arg18[%get3A_327, %get3A_328] {strides = array<i32>} : memref<40x128xf32, #tpu.memory_space<vmem>>, vector<1x16xf32>,
        %get3A_330 = vector.shape_cast %get3A_329 : vector<1x16xf32> to vector<16xf32>
        %mul3A_331 = arith.mulf %get3A_326, %get3A_330 : vector<16xf32>
        %mul3A_332 = arith.mulf %get3A_199, %mul3A_312 : vector<16xf32>
        %add3A_333 = arith.addf %mul3A_331, %mul3A_332 : vector<16xf32>
        %swap3A_334 = arith.index_cast %scan3A_195 : i32 to index
        %swap3A_335 = arith.constant 112 : index
        %swap3A_336 = tpu.vector_load %arg20[%swap3A_334, %swap3A_335] {strides = array<i32>} : memref<40x128xf32, #tpu.memory_space<vmem>>, vector<1x16xf32>,
        %swap3A_337 = vector.shape_cast %swap3A_336 : vector<1x16xf32> to vector<16xf32>
        %swap3A_338 = vector.shape_cast %add3A_333 : vector<16xf32> to vector<1x16xf32>
        tpu.vector_store %arg20[%swap3A_334, %swap3A_335], %swap3A_338 {strides = array<i32>} : memref<40x128xf32, #tpu.memory_space<vmem>>, vector<1x16xf32>,
        %scan3A_339 = arith.constant 0 : i32
        scf.yield %scan3A_339 : i32
      }
      %scan3A_193 = arith.constant 40 : i32
      "tpu.region"() ({
        %run_scoped3A = tpu.sem_alloc : memref<!tpu.dma_semaphore, #tpu.memory_space<semaphore_mem>>
        %dma_start3A_195 = arith.constant 0 : i32
        %dma_start3A_196 = arith.constant 0 : i32
        %dma_start3A_197 = tpu.memref_slice %arg10[%dma_start3A_195, %dma_start3A_196] : memref<10000x128xf32, #tpu.memory_space<vmem_shared>> -> memref<10000x128xf32, #tpu.memory_space<vmem_shared>>
        tpu.enqueue_indirect_dma source(%arg20 : memref<40x128xf32, #tpu.memory_space<vmem>>) target(%dma_start3A_197 : memref<10000x128xf32, #tpu.memory_space<vmem_shared>>) offsets(%arg11 : memref<40xi32, #tpu.memory_space<vmem>>) semaphore(%run_scoped3A : memref<!tpu.dma_semaphore, #tpu.memory_space<semaphore_mem>>) {add = true}
        %dma_wait3A_198 = arith.constant 0 : i32
        %dma_wait3A_199 = arith.constant 0 : i32
        %dma_wait3A_200 = tpu.memref_slice %arg10[%dma_wait3A_198, %dma_wait3A_199] : memref<10000x128xf32, #tpu.memory_space<vmem_shared>> -> memref<10000x128xf32, #tpu.memory_space<vmem_shared>>
        tpu.wait_indirect_dma semaphore(%run_scoped3A : memref<!tpu.dma_semaphore, #tpu.memory_space<semaphore_mem>>) src(%arg20 : memref<40x128xf32, #tpu.memory_space<vmem>>) dst(%dma_wait3A_200 : memref<10000x128xf32, #tpu.memory_space<vmem_shared>>)
        tpu.yield
      }) : () -> ()
      %scan3A_194 = arith.constant 0 : i32
      scf.yield %scan3A_194 : i32
    }
    %scan3A_49 = arith.constant 500 : i32
    %barrier3A_50 = arith.constant 0 : index
    tpu.barrier barrier_id(%barrier3A_50)
    %mul3A_51 = arith.constant 10000 : i32
    %mul3A_52 = arith.muli %arg0, %mul3A_51 : i32
    %add3A_53 = arith.addi %mul3A_52, %mul3A_2 : i32
    "tpu.region"() ({
      %run_scoped3A = tpu.sem_alloc : memref<!tpu.dma_semaphore, #tpu.memory_space<semaphore_mem>>
      %dma_start3A = arith.constant 0 : i32
      %dma_start3A_122 = tpu.memref_slice %arg8[%add3A_53, %dma_start3A] : memref<20000x128xf32, #tpu.memory_space<hbm>> -> memref<624x128xf32, #tpu.memory_space<hbm>>
      %dma_start3A_123 = arith.constant 0 : i32
      %dma_start3A_124 = tpu.memref_slice %arg10[%mul3A_2, %dma_start3A_123] : memref<10000x128xf32, #tpu.memory_space<vmem_shared>> -> memref<624x128xf32, #tpu.memory_space<vmem_shared>>
      tpu.enqueue_dma source(%dma_start3A_124 : memref<624x128xf32, #tpu.memory_space<vmem_shared>>) target(%dma_start3A_122 : memref<624x128xf32, #tpu.memory_space<hbm>>) target_semaphore(%run_scoped3A : memref<!tpu.dma_semaphore, #tpu.memory_space<semaphore_mem>>)
      %dma_wait3A = arith.constant 0 : i32
      %dma_wait3A_125 = tpu.memref_slice %arg8[%add3A_53, %dma_wait3A] : memref<20000x128xf32, #tpu.memory_space<hbm>> -> memref<624x128xf32, #tpu.memory_space<hbm>>
      %dma_wait3A_126 = arith.constant 0 : i32
      %dma_wait3A_127 = tpu.memref_slice %arg10[%mul3A_2, %dma_wait3A_126] : memref<10000x128xf32, #tpu.memory_space<vmem_shared>> -> memref<624x128xf32, #tpu.memory_space<vmem_shared>>
      tpu.wait_dma2 semaphore(%run_scoped3A : memref<!tpu.dma_semaphore, #tpu.memory_space<semaphore_mem>>) src(%dma_wait3A_127 : memref<624x128xf32, #tpu.memory_space<vmem_shared>>) dst(%dma_wait3A_125 : memref<624x128xf32, #tpu.memory_space<hbm>>)
      tpu.yield
    }) : () -> ()
    %eq3A_54 = arith.constant 15 : i32
    %eq3A_55 = arith.cmpi eq, %arg1, %eq3A_54 : i32
    %convert_element_type3A_56 = arith.extui %eq3A_55 : i1 to i32
    %cond3A_57 = arith.constant 0 : i32
    %cond3A_58 = arith.cmpi ne, %convert_element_type3A_56, %cond3A_57 : i32
    scf.if %cond3A_58 {
      %mul3A_122 = arith.constant 10000 : i32
      %mul3A_123 = arith.muli %arg0, %mul3A_122 : i32
      %add3A_124 = arith.constant 9984 : i32
      %add3A_125 = arith.addi %mul3A_123, %add3A_124 : i32
      "tpu.region"() ({
        %run_scoped3A = tpu.sem_alloc : memref<!tpu.dma_semaphore, #tpu.memory_space<semaphore_mem>>
        %dma_start3A = arith.constant 0 : i32
        %dma_start3A_126 = tpu.memref_slice %arg8[%add3A_125, %dma_start3A] : memref<20000x128xf32, #tpu.memory_space<hbm>> -> memref<16x128xf32, #tpu.memory_space<hbm>>
        %dma_start3A_127 = arith.constant 9984 : i32
        %dma_start3A_128 = arith.constant 0 : i32
        %dma_start3A_129 = tpu.memref_slice %arg10[%dma_start3A_127, %dma_start3A_128] : memref<10000x128xf32, #tpu.memory_space<vmem_shared>> -> memref<16x128xf32, #tpu.memory_space<vmem_shared>>
        tpu.enqueue_dma source(%dma_start3A_129 : memref<16x128xf32, #tpu.memory_space<vmem_shared>>) target(%dma_start3A_126 : memref<16x128xf32, #tpu.memory_space<hbm>>) target_semaphore(%run_scoped3A : memref<!tpu.dma_semaphore, #tpu.memory_space<semaphore_mem>>)
        %dma_wait3A = arith.constant 0 : i32
        %dma_wait3A_130 = tpu.memref_slice %arg8[%add3A_125, %dma_wait3A] : memref<20000x128xf32, #tpu.memory_space<hbm>> -> memref<16x128xf32, #tpu.memory_space<hbm>>
        %dma_wait3A_131 = arith.constant 9984 : i32
        %dma_wait3A_132 = arith.constant 0 : i32
        %dma_wait3A_133 = tpu.memref_slice %arg10[%dma_wait3A_131, %dma_wait3A_132] : memref<10000x128xf32, #tpu.memory_space<vmem_shared>> -> memref<16x128xf32, #tpu.memory_space<vmem_shared>>
        tpu.wait_dma2 semaphore(%run_scoped3A : memref<!tpu.dma_semaphore, #tpu.memory_space<semaphore_mem>>) src(%dma_wait3A_133 : memref<16x128xf32, #tpu.memory_space<vmem_shared>>) dst(%dma_wait3A_130 : memref<16x128xf32, #tpu.memory_space<hbm>>)
        tpu.yield
      }) : () -> ()
    } else {
    }
    %scan3A_59 = arith.constant 0 : i32
    %scan3A_60 = arith.constant 0 : i32
    %scan3A_61 = arith.constant 320 : i32
    %scan3A_62 = arith.addi %scan3A_60, %scan3A_61 : i32
    %scan3A_63 = arith.constant 1 : i32
    %scan3A_64 = scf.for %scan3A_122 = %scan3A_60 to %scan3A_62 step %scan3A_63 iter_args(%scan3A_123 = %scan3A_59) -> (i32)  : i32 {
      %jit3A = arith.constant 8 : i32
      %div3A = arith.divsi %scan3A_122, %jit3A : i32
      %sign3A = arith.constant 0 : i32
      %sign3A_124 = arith.cmpi sgt, %scan3A_122, %sign3A : i32
      %sign3A_125 = arith.extui %sign3A_124 : i1 to i32
      %sign3A_126 = arith.constant 0 : i32
      %sign3A_127 = arith.cmpi slt, %scan3A_122, %sign3A_126 : i32
      %sign3A_128 = arith.extui %sign3A_127 : i1 to i32
      %sign3A_129 = arith.subi %sign3A_125, %sign3A_128 : i32
      %sign3A_130 = arith.constant 0 : i32
      %sign3A_131 = arith.cmpi sgt, %jit3A, %sign3A_130 : i32
      %sign3A_132 = arith.extui %sign3A_131 : i1 to i32
      %sign3A_133 = arith.constant 0 : i32
      %sign3A_134 = arith.cmpi slt, %jit3A, %sign3A_133 : i32
      %sign3A_135 = arith.extui %sign3A_134 : i1 to i32
      %sign3A_136 = arith.subi %sign3A_132, %sign3A_135 : i32
      %ne3A = arith.cmpi ne, %sign3A_129, %sign3A_136 : i32
      %rem3A = arith.remsi %scan3A_122, %jit3A : i32
      %ne3A_137 = arith.constant 0 : i32
      %ne3A_138 = arith.cmpi ne, %rem3A, %ne3A_137 : i32
      %and3A = arith.andi %ne3A, %ne3A_138 : i1
      %sub3A_139 = arith.constant 1 : i32
      %sub3A_140 = arith.subi %div3A, %sub3A_139 : i32
      %select_n3A = arith.select %and3A, %sub3A_140, %div3A : i32
      %jit3A_141 = arith.constant 8 : i32
      %eq3A_142 = arith.constant 0 : i32
      %eq3A_143 = arith.cmpi eq, %jit3A_141, %eq3A_142 : i32
      %jit3A_144 = arith.constant 1 : i32
      %select_n3A_145 = arith.select %eq3A_143, %jit3A_144, %jit3A_141 : i32
      %rem3A_146 = arith.remsi %scan3A_122, %select_n3A_145 : i32
      %ne3A_147 = arith.constant 0 : i32
      %ne3A_148 = arith.cmpi ne, %rem3A_146, %ne3A_147 : i32
      %lt3A = arith.constant 0 : i32
      %lt3A_149 = arith.cmpi slt, %rem3A_146, %lt3A : i32
      %lt3A_150 = arith.constant 0 : i32
      %lt3A_151 = arith.cmpi slt, %select_n3A_145, %lt3A_150 : i32
      %ne3A_152 = arith.xori %lt3A_149, %lt3A_151 : i1
      %and3A_153 = arith.andi %ne3A_152, %ne3A_148 : i1
      %add3A_154 = arith.addi %rem3A_146, %select_n3A_145 : i32
      %select_n3A_155 = arith.select %and3A_153, %add3A_154, %rem3A_146 : i32
      %mul3A_156 = arith.constant 16 : i32
      %mul3A_157 = arith.muli %select_n3A_155, %mul3A_156 : i32
      %broadcast_in_dim3A = arith.constant 0.000000e+00 : f32
      %broadcast_in_dim3A_158 = vector.broadcast %broadcast_in_dim3A : f32 to vector<16xf32>
      %swap3A = arith.index_cast %select_n3A : i32 to index
      %swap3A_159 = arith.index_cast %mul3A_157 : i32 to index
      %swap3A_160 = tpu.vector_load %arg20[%swap3A, %swap3A_159] {strides = array<i32>} : memref<40x128xf32, #tpu.memory_space<vmem>>, vector<1x16xf32>,
      %swap3A_161 = vector.shape_cast %swap3A_160 : vector<1x16xf32> to vector<16xf32>
      %swap3A_162 = vector.shape_cast %broadcast_in_dim3A_158 : vector<16xf32> to vector<1x16xf32>
      tpu.vector_store %arg20[%swap3A, %swap3A_159], %swap3A_162 {strides = array<i32>} : memref<40x128xf32, #tpu.memory_space<vmem>>, vector<1x16xf32>,
      %scan3A_163 = arith.constant 0 : i32
      scf.yield %scan3A_163 : i32
    }
    %scan3A_65 = arith.constant 320 : i32
    %add3A_66 = arith.constant 0 : i32
    %add3A_67 = arith.addi %mul3A_2, %add3A_66 : i32
    "tpu.region"() ({
      %run_scoped3A = tpu.sem_alloc : memref<!tpu.dma_semaphore, #tpu.memory_space<semaphore_mem>>
      %dma_start3A = arith.constant 0 : i32
      %dma_start3A_122 = tpu.memref_slice %arg10[%add3A_67, %dma_start3A] : memref<10000x128xf32, #tpu.memory_space<vmem_shared>> -> memref<40x128xf32, #tpu.memory_space<vmem_shared>>
      %dma_start3A_123 = arith.constant 0 : i32
      %dma_start3A_124 = tpu.memref_slice %arg10[%add3A_67, %dma_start3A_123] : memref<10000x128xf32, #tpu.memory_space<vmem_shared>> -> memref<40x128xf32, #tpu.memory_space<vmem_shared>>
      tpu.enqueue_dma source(%arg20 : memref<40x128xf32, #tpu.memory_space<vmem>>) target(%dma_start3A_124 : memref<40x128xf32, #tpu.memory_space<vmem_shared>>) target_semaphore(%run_scoped3A : memref<!tpu.dma_semaphore, #tpu.memory_space<semaphore_mem>>)
      %dma_wait3A = arith.constant 0 : i32
      %dma_wait3A_125 = tpu.memref_slice %arg10[%add3A_67, %dma_wait3A] : memref<10000x128xf32, #tpu.memory_space<vmem_shared>> -> memref<40x128xf32, #tpu.memory_space<vmem_shared>>
      %dma_wait3A_126 = arith.constant 0 : i32
      %dma_wait3A_127 = tpu.memref_slice %arg10[%add3A_67, %dma_wait3A_126] : memref<10000x128xf32, #tpu.memory_space<vmem_shared>> -> memref<40x128xf32, #tpu.memory_space<vmem_shared>>
      tpu.wait_dma2 semaphore(%run_scoped3A : memref<!tpu.dma_semaphore, #tpu.memory_space<semaphore_mem>>) src(%arg20 : memref<40x128xf32, #tpu.memory_space<vmem>>) dst(%dma_wait3A_127 : memref<40x128xf32, #tpu.memory_space<vmem_shared>>)
      tpu.yield
    }) : () -> ()
    %add3A_68 = arith.constant 40 : i32
    %add3A_69 = arith.addi %mul3A_2, %add3A_68 : i32
    "tpu.region"() ({
      %run_scoped3A = tpu.sem_alloc : memref<!tpu.dma_semaphore, #tpu.memory_space<semaphore_mem>>
      %dma_start3A = arith.constant 0 : i32
      %dma_start3A_122 = tpu.memref_slice %arg10[%add3A_69, %dma_start3A] : memref<10000x128xf32, #tpu.memory_space<vmem_shared>> -> memref<40x128xf32, #tpu.memory_space<vmem_shared>>
      %dma_start3A_123 = arith.constant 0 : i32
      %dma_start3A_124 = tpu.memref_slice %arg10[%add3A_69, %dma_start3A_123] : memref<10000x128xf32, #tpu.memory_space<vmem_shared>> -> memref<40x128xf32, #tpu.memory_space<vmem_shared>>
      tpu.enqueue_dma source(%arg20 : memref<40x128xf32, #tpu.memory_space<vmem>>) target(%dma_start3A_124 : memref<40x128xf32, #tpu.memory_space<vmem_shared>>) target_semaphore(%run_scoped3A : memref<!tpu.dma_semaphore, #tpu.memory_space<semaphore_mem>>)
      %dma_wait3A = arith.constant 0 : i32
      %dma_wait3A_125 = tpu.memref_slice %arg10[%add3A_69, %dma_wait3A] : memref<10000x128xf32, #tpu.memory_space<vmem_shared>> -> memref<40x128xf32, #tpu.memory_space<vmem_shared>>
      %dma_wait3A_126 = arith.constant 0 : i32
      %dma_wait3A_127 = tpu.memref_slice %arg10[%add3A_69, %dma_wait3A_126] : memref<10000x128xf32, #tpu.memory_space<vmem_shared>> -> memref<40x128xf32, #tpu.memory_space<vmem_shared>>
      tpu.wait_dma2 semaphore(%run_scoped3A : memref<!tpu.dma_semaphore, #tpu.memory_space<semaphore_mem>>) src(%arg20 : memref<40x128xf32, #tpu.memory_space<vmem>>) dst(%dma_wait3A_127 : memref<40x128xf32, #tpu.memory_space<vmem_shared>>)
      tpu.yield
    }) : () -> ()
    %add3A_70 = arith.constant 80 : i32
    %add3A_71 = arith.addi %mul3A_2, %add3A_70 : i32
    "tpu.region"() ({
      %run_scoped3A = tpu.sem_alloc : memref<!tpu.dma_semaphore, #tpu.memory_space<semaphore_mem>>
      %dma_start3A = arith.constant 0 : i32
      %dma_start3A_122 = tpu.memref_slice %arg10[%add3A_71, %dma_start3A] : memref<10000x128xf32, #tpu.memory_space<vmem_shared>> -> memref<40x128xf32, #tpu.memory_space<vmem_shared>>
      %dma_start3A_123 = arith.constant 0 : i32
      %dma_start3A_124 = tpu.memref_slice %arg10[%add3A_71, %dma_start3A_123] : memref<10000x128xf32, #tpu.memory_space<vmem_shared>> -> memref<40x128xf32, #tpu.memory_space<vmem_shared>>
      tpu.enqueue_dma source(%arg20 : memref<40x128xf32, #tpu.memory_space<vmem>>) target(%dma_start3A_124 : memref<40x128xf32, #tpu.memory_space<vmem_shared>>) target_semaphore(%run_scoped3A : memref<!tpu.dma_semaphore, #tpu.memory_space<semaphore_mem>>)
      %dma_wait3A = arith.constant 0 : i32
      %dma_wait3A_125 = tpu.memref_slice %arg10[%add3A_71, %dma_wait3A] : memref<10000x128xf32, #tpu.memory_space<vmem_shared>> -> memref<40x128xf32, #tpu.memory_space<vmem_shared>>
      %dma_wait3A_126 = arith.constant 0 : i32
      %dma_wait3A_127 = tpu.memref_slice %arg10[%add3A_71, %dma_wait3A_126] : memref<10000x128xf32, #tpu.memory_space<vmem_shared>> -> memref<40x128xf32, #tpu.memory_space<vmem_shared>>
      tpu.wait_dma2 semaphore(%run_scoped3A : memref<!tpu.dma_semaphore, #tpu.memory_space<semaphore_mem>>) src(%arg20 : memref<40x128xf32, #tpu.memory_space<vmem>>) dst(%dma_wait3A_127 : memref<40x128xf32, #tpu.memory_space<vmem_shared>>)
      tpu.yield
    }) : () -> ()
    %add3A_72 = arith.constant 120 : i32
    %add3A_73 = arith.addi %mul3A_2, %add3A_72 : i32
    "tpu.region"() ({
      %run_scoped3A = tpu.sem_alloc : memref<!tpu.dma_semaphore, #tpu.memory_space<semaphore_mem>>
      %dma_start3A = arith.constant 0 : i32
      %dma_start3A_122 = tpu.memref_slice %arg10[%add3A_73, %dma_start3A] : memref<10000x128xf32, #tpu.memory_space<vmem_shared>> -> memref<40x128xf32, #tpu.memory_space<vmem_shared>>
      %dma_start3A_123 = arith.constant 0 : i32
      %dma_start3A_124 = tpu.memref_slice %arg10[%add3A_73, %dma_start3A_123] : memref<10000x128xf32, #tpu.memory_space<vmem_shared>> -> memref<40x128xf32, #tpu.memory_space<vmem_shared>>
      tpu.enqueue_dma source(%arg20 : memref<40x128xf32, #tpu.memory_space<vmem>>) target(%dma_start3A_124 : memref<40x128xf32, #tpu.memory_space<vmem_shared>>) target_semaphore(%run_scoped3A : memref<!tpu.dma_semaphore, #tpu.memory_space<semaphore_mem>>)
      %dma_wait3A = arith.constant 0 : i32
      %dma_wait3A_125 = tpu.memref_slice %arg10[%add3A_73, %dma_wait3A] : memref<10000x128xf32, #tpu.memory_space<vmem_shared>> -> memref<40x128xf32, #tpu.memory_space<vmem_shared>>
      %dma_wait3A_126 = arith.constant 0 : i32
      %dma_wait3A_127 = tpu.memref_slice %arg10[%add3A_73, %dma_wait3A_126] : memref<10000x128xf32, #tpu.memory_space<vmem_shared>> -> memref<40x128xf32, #tpu.memory_space<vmem_shared>>
      tpu.wait_dma2 semaphore(%run_scoped3A : memref<!tpu.dma_semaphore, #tpu.memory_space<semaphore_mem>>) src(%arg20 : memref<40x128xf32, #tpu.memory_space<vmem>>) dst(%dma_wait3A_127 : memref<40x128xf32, #tpu.memory_space<vmem_shared>>)
      tpu.yield
    }) : () -> ()
    %add3A_74 = arith.constant 160 : i32
    %add3A_75 = arith.addi %mul3A_2, %add3A_74 : i32
    "tpu.region"() ({
      %run_scoped3A = tpu.sem_alloc : memref<!tpu.dma_semaphore, #tpu.memory_space<semaphore_mem>>
      %dma_start3A = arith.constant 0 : i32
      %dma_start3A_122 = tpu.memref_slice %arg10[%add3A_75, %dma_start3A] : memref<10000x128xf32, #tpu.memory_space<vmem_shared>> -> memref<40x128xf32, #tpu.memory_space<vmem_shared>>
      %dma_start3A_123 = arith.constant 0 : i32
      %dma_start3A_124 = tpu.memref_slice %arg10[%add3A_75, %dma_start3A_123] : memref<10000x128xf32, #tpu.memory_space<vmem_shared>> -> memref<40x128xf32, #tpu.memory_space<vmem_shared>>
      tpu.enqueue_dma source(%arg20 : memref<40x128xf32, #tpu.memory_space<vmem>>) target(%dma_start3A_124 : memref<40x128xf32, #tpu.memory_space<vmem_shared>>) target_semaphore(%run_scoped3A : memref<!tpu.dma_semaphore, #tpu.memory_space<semaphore_mem>>)
      %dma_wait3A = arith.constant 0 : i32
      %dma_wait3A_125 = tpu.memref_slice %arg10[%add3A_75, %dma_wait3A] : memref<10000x128xf32, #tpu.memory_space<vmem_shared>> -> memref<40x128xf32, #tpu.memory_space<vmem_shared>>
      %dma_wait3A_126 = arith.constant 0 : i32
      %dma_wait3A_127 = tpu.memref_slice %arg10[%add3A_75, %dma_wait3A_126] : memref<10000x128xf32, #tpu.memory_space<vmem_shared>> -> memref<40x128xf32, #tpu.memory_space<vmem_shared>>
      tpu.wait_dma2 semaphore(%run_scoped3A : memref<!tpu.dma_semaphore, #tpu.memory_space<semaphore_mem>>) src(%arg20 : memref<40x128xf32, #tpu.memory_space<vmem>>) dst(%dma_wait3A_127 : memref<40x128xf32, #tpu.memory_space<vmem_shared>>)
      tpu.yield
    }) : () -> ()
    %add3A_76 = arith.constant 200 : i32
    %add3A_77 = arith.addi %mul3A_2, %add3A_76 : i32
    "tpu.region"() ({
      %run_scoped3A = tpu.sem_alloc : memref<!tpu.dma_semaphore, #tpu.memory_space<semaphore_mem>>
      %dma_start3A = arith.constant 0 : i32
      %dma_start3A_122 = tpu.memref_slice %arg10[%add3A_77, %dma_start3A] : memref<10000x128xf32, #tpu.memory_space<vmem_shared>> -> memref<40x128xf32, #tpu.memory_space<vmem_shared>>
      %dma_start3A_123 = arith.constant 0 : i32
      %dma_start3A_124 = tpu.memref_slice %arg10[%add3A_77, %dma_start3A_123] : memref<10000x128xf32, #tpu.memory_space<vmem_shared>> -> memref<40x128xf32, #tpu.memory_space<vmem_shared>>
      tpu.enqueue_dma source(%arg20 : memref<40x128xf32, #tpu.memory_space<vmem>>) target(%dma_start3A_124 : memref<40x128xf32, #tpu.memory_space<vmem_shared>>) target_semaphore(%run_scoped3A : memref<!tpu.dma_semaphore, #tpu.memory_space<semaphore_mem>>)
      %dma_wait3A = arith.constant 0 : i32
      %dma_wait3A_125 = tpu.memref_slice %arg10[%add3A_77, %dma_wait3A] : memref<10000x128xf32, #tpu.memory_space<vmem_shared>> -> memref<40x128xf32, #tpu.memory_space<vmem_shared>>
      %dma_wait3A_126 = arith.constant 0 : i32
      %dma_wait3A_127 = tpu.memref_slice %arg10[%add3A_77, %dma_wait3A_126] : memref<10000x128xf32, #tpu.memory_space<vmem_shared>> -> memref<40x128xf32, #tpu.memory_space<vmem_shared>>
      tpu.wait_dma2 semaphore(%run_scoped3A : memref<!tpu.dma_semaphore, #tpu.memory_space<semaphore_mem>>) src(%arg20 : memref<40x128xf32, #tpu.memory_space<vmem>>) dst(%dma_wait3A_127 : memref<40x128xf32, #tpu.memory_space<vmem_shared>>)
      tpu.yield
    }) : () -> ()
    %add3A_78 = arith.constant 240 : i32
    %add3A_79 = arith.addi %mul3A_2, %add3A_78 : i32
    "tpu.region"() ({
      %run_scoped3A = tpu.sem_alloc : memref<!tpu.dma_semaphore, #tpu.memory_space<semaphore_mem>>
      %dma_start3A = arith.constant 0 : i32
      %dma_start3A_122 = tpu.memref_slice %arg10[%add3A_79, %dma_start3A] : memref<10000x128xf32, #tpu.memory_space<vmem_shared>> -> memref<40x128xf32, #tpu.memory_space<vmem_shared>>
      %dma_start3A_123 = arith.constant 0 : i32
      %dma_start3A_124 = tpu.memref_slice %arg10[%add3A_79, %dma_start3A_123] : memref<10000x128xf32, #tpu.memory_space<vmem_shared>> -> memref<40x128xf32, #tpu.memory_space<vmem_shared>>
      tpu.enqueue_dma source(%arg20 : memref<40x128xf32, #tpu.memory_space<vmem>>) target(%dma_start3A_124 : memref<40x128xf32, #tpu.memory_space<vmem_shared>>) target_semaphore(%run_scoped3A : memref<!tpu.dma_semaphore, #tpu.memory_space<semaphore_mem>>)
      %dma_wait3A = arith.constant 0 : i32
      %dma_wait3A_125 = tpu.memref_slice %arg10[%add3A_79, %dma_wait3A] : memref<10000x128xf32, #tpu.memory_space<vmem_shared>> -> memref<40x128xf32, #tpu.memory_space<vmem_shared>>
      %dma_wait3A_126 = arith.constant 0 : i32
      %dma_wait3A_127 = tpu.memref_slice %arg10[%add3A_79, %dma_wait3A_126] : memref<10000x128xf32, #tpu.memory_space<vmem_shared>> -> memref<40x128xf32, #tpu.memory_space<vmem_shared>>
      tpu.wait_dma2 semaphore(%run_scoped3A : memref<!tpu.dma_semaphore, #tpu.memory_space<semaphore_mem>>) src(%arg20 : memref<40x128xf32, #tpu.memory_space<vmem>>) dst(%dma_wait3A_127 : memref<40x128xf32, #tpu.memory_space<vmem_shared>>)
      tpu.yield
    }) : () -> ()
    %add3A_80 = arith.constant 280 : i32
    %add3A_81 = arith.addi %mul3A_2, %add3A_80 : i32
    "tpu.region"() ({
      %run_scoped3A = tpu.sem_alloc : memref<!tpu.dma_semaphore, #tpu.memory_space<semaphore_mem>>
      %dma_start3A = arith.constant 0 : i32
      %dma_start3A_122 = tpu.memref_slice %arg10[%add3A_81, %dma_start3A] : memref<10000x128xf32, #tpu.memory_space<vmem_shared>> -> memref<40x128xf32, #tpu.memory_space<vmem_shared>>
      %dma_start3A_123 = arith.constant 0 : i32
      %dma_start3A_124 = tpu.memref_slice %arg10[%add3A_81, %dma_start3A_123] : memref<10000x128xf32, #tpu.memory_space<vmem_shared>> -> memref<40x128xf32, #tpu.memory_space<vmem_shared>>
      tpu.enqueue_dma source(%arg20 : memref<40x128xf32, #tpu.memory_space<vmem>>) target(%dma_start3A_124 : memref<40x128xf32, #tpu.memory_space<vmem_shared>>) target_semaphore(%run_scoped3A : memref<!tpu.dma_semaphore, #tpu.memory_space<semaphore_mem>>)
      %dma_wait3A = arith.constant 0 : i32
      %dma_wait3A_125 = tpu.memref_slice %arg10[%add3A_81, %dma_wait3A] : memref<10000x128xf32, #tpu.memory_space<vmem_shared>> -> memref<40x128xf32, #tpu.memory_space<vmem_shared>>
      %dma_wait3A_126 = arith.constant 0 : i32
      %dma_wait3A_127 = tpu.memref_slice %arg10[%add3A_81, %dma_wait3A_126] : memref<10000x128xf32, #tpu.memory_space<vmem_shared>> -> memref<40x128xf32, #tpu.memory_space<vmem_shared>>
      tpu.wait_dma2 semaphore(%run_scoped3A : memref<!tpu.dma_semaphore, #tpu.memory_space<semaphore_mem>>) src(%arg20 : memref<40x128xf32, #tpu.memory_space<vmem>>) dst(%dma_wait3A_127 : memref<40x128xf32, #tpu.memory_space<vmem_shared>>)
      tpu.yield
    }) : () -> ()
    %add3A_82 = arith.constant 320 : i32
    %add3A_83 = arith.addi %mul3A_2, %add3A_82 : i32
    "tpu.region"() ({
      %run_scoped3A = tpu.sem_alloc : memref<!tpu.dma_semaphore, #tpu.memory_space<semaphore_mem>>
      %dma_start3A = arith.constant 0 : i32
      %dma_start3A_122 = tpu.memref_slice %arg10[%add3A_83, %dma_start3A] : memref<10000x128xf32, #tpu.memory_space<vmem_shared>> -> memref<40x128xf32, #tpu.memory_space<vmem_shared>>
      %dma_start3A_123 = arith.constant 0 : i32
      %dma_start3A_124 = tpu.memref_slice %arg10[%add3A_83, %dma_start3A_123] : memref<10000x128xf32, #tpu.memory_space<vmem_shared>> -> memref<40x128xf32, #tpu.memory_space<vmem_shared>>
      tpu.enqueue_dma source(%arg20 : memref<40x128xf32, #tpu.memory_space<vmem>>) target(%dma_start3A_124 : memref<40x128xf32, #tpu.memory_space<vmem_shared>>) target_semaphore(%run_scoped3A : memref<!tpu.dma_semaphore, #tpu.memory_space<semaphore_mem>>)
      %dma_wait3A = arith.constant 0 : i32
      %dma_wait3A_125 = tpu.memref_slice %arg10[%add3A_83, %dma_wait3A] : memref<10000x128xf32, #tpu.memory_space<vmem_shared>> -> memref<40x128xf32, #tpu.memory_space<vmem_shared>>
      %dma_wait3A_126 = arith.constant 0 : i32
      %dma_wait3A_127 = tpu.memref_slice %arg10[%add3A_83, %dma_wait3A_126] : memref<10000x128xf32, #tpu.memory_space<vmem_shared>> -> memref<40x128xf32, #tpu.memory_space<vmem_shared>>
      tpu.wait_dma2 semaphore(%run_scoped3A : memref<!tpu.dma_semaphore, #tpu.memory_space<semaphore_mem>>) src(%arg20 : memref<40x128xf32, #tpu.memory_space<vmem>>) dst(%dma_wait3A_127 : memref<40x128xf32, #tpu.memory_space<vmem_shared>>)
      tpu.yield
    }) : () -> ()
    %add3A_84 = arith.constant 360 : i32
    %add3A_85 = arith.addi %mul3A_2, %add3A_84 : i32
    "tpu.region"() ({
      %run_scoped3A = tpu.sem_alloc : memref<!tpu.dma_semaphore, #tpu.memory_space<semaphore_mem>>
      %dma_start3A = arith.constant 0 : i32
      %dma_start3A_122 = tpu.memref_slice %arg10[%add3A_85, %dma_start3A] : memref<10000x128xf32, #tpu.memory_space<vmem_shared>> -> memref<40x128xf32, #tpu.memory_space<vmem_shared>>
      %dma_start3A_123 = arith.constant 0 : i32
      %dma_start3A_124 = tpu.memref_slice %arg10[%add3A_85, %dma_start3A_123] : memref<10000x128xf32, #tpu.memory_space<vmem_shared>> -> memref<40x128xf32, #tpu.memory_space<vmem_shared>>
      tpu.enqueue_dma source(%arg20 : memref<40x128xf32, #tpu.memory_space<vmem>>) target(%dma_start3A_124 : memref<40x128xf32, #tpu.memory_space<vmem_shared>>) target_semaphore(%run_scoped3A : memref<!tpu.dma_semaphore, #tpu.memory_space<semaphore_mem>>)
      %dma_wait3A = arith.constant 0 : i32
      %dma_wait3A_125 = tpu.memref_slice %arg10[%add3A_85, %dma_wait3A] : memref<10000x128xf32, #tpu.memory_space<vmem_shared>> -> memref<40x128xf32, #tpu.memory_space<vmem_shared>>
      %dma_wait3A_126 = arith.constant 0 : i32
      %dma_wait3A_127 = tpu.memref_slice %arg10[%add3A_85, %dma_wait3A_126] : memref<10000x128xf32, #tpu.memory_space<vmem_shared>> -> memref<40x128xf32, #tpu.memory_space<vmem_shared>>
      tpu.wait_dma2 semaphore(%run_scoped3A : memref<!tpu.dma_semaphore, #tpu.memory_space<semaphore_mem>>) src(%arg20 : memref<40x128xf32, #tpu.memory_space<vmem>>) dst(%dma_wait3A_127 : memref<40x128xf32, #tpu.memory_space<vmem_shared>>)
      tpu.yield
    }) : () -> ()
    %add3A_86 = arith.constant 400 : i32
    %add3A_87 = arith.addi %mul3A_2, %add3A_86 : i32
    "tpu.region"() ({
      %run_scoped3A = tpu.sem_alloc : memref<!tpu.dma_semaphore, #tpu.memory_space<semaphore_mem>>
      %dma_start3A = arith.constant 0 : i32
      %dma_start3A_122 = tpu.memref_slice %arg10[%add3A_87, %dma_start3A] : memref<10000x128xf32, #tpu.memory_space<vmem_shared>> -> memref<40x128xf32, #tpu.memory_space<vmem_shared>>
      %dma_start3A_123 = arith.constant 0 : i32
      %dma_start3A_124 = tpu.memref_slice %arg10[%add3A_87, %dma_start3A_123] : memref<10000x128xf32, #tpu.memory_space<vmem_shared>> -> memref<40x128xf32, #tpu.memory_space<vmem_shared>>
      tpu.enqueue_dma source(%arg20 : memref<40x128xf32, #tpu.memory_space<vmem>>) target(%dma_start3A_124 : memref<40x128xf32, #tpu.memory_space<vmem_shared>>) target_semaphore(%run_scoped3A : memref<!tpu.dma_semaphore, #tpu.memory_space<semaphore_mem>>)
      %dma_wait3A = arith.constant 0 : i32
      %dma_wait3A_125 = tpu.memref_slice %arg10[%add3A_87, %dma_wait3A] : memref<10000x128xf32, #tpu.memory_space<vmem_shared>> -> memref<40x128xf32, #tpu.memory_space<vmem_shared>>
      %dma_wait3A_126 = arith.constant 0 : i32
      %dma_wait3A_127 = tpu.memref_slice %arg10[%add3A_87, %dma_wait3A_126] : memref<10000x128xf32, #tpu.memory_space<vmem_shared>> -> memref<40x128xf32, #tpu.memory_space<vmem_shared>>
      tpu.wait_dma2 semaphore(%run_scoped3A : memref<!tpu.dma_semaphore, #tpu.memory_space<semaphore_mem>>) src(%arg20 : memref<40x128xf32, #tpu.memory_space<vmem>>) dst(%dma_wait3A_127 : memref<40x128xf32, #tpu.memory_space<vmem_shared>>)
      tpu.yield
    }) : () -> ()
    %add3A_88 = arith.constant 440 : i32
    %add3A_89 = arith.addi %mul3A_2, %add3A_88 : i32
    "tpu.region"() ({
      %run_scoped3A = tpu.sem_alloc : memref<!tpu.dma_semaphore, #tpu.memory_space<semaphore_mem>>
      %dma_start3A = arith.constant 0 : i32
      %dma_start3A_122 = tpu.memref_slice %arg10[%add3A_89, %dma_start3A] : memref<10000x128xf32, #tpu.memory_space<vmem_shared>> -> memref<40x128xf32, #tpu.memory_space<vmem_shared>>
      %dma_start3A_123 = arith.constant 0 : i32
      %dma_start3A_124 = tpu.memref_slice %arg10[%add3A_89, %dma_start3A_123] : memref<10000x128xf32, #tpu.memory_space<vmem_shared>> -> memref<40x128xf32, #tpu.memory_space<vmem_shared>>
      tpu.enqueue_dma source(%arg20 : memref<40x128xf32, #tpu.memory_space<vmem>>) target(%dma_start3A_124 : memref<40x128xf32, #tpu.memory_space<vmem_shared>>) target_semaphore(%run_scoped3A : memref<!tpu.dma_semaphore, #tpu.memory_space<semaphore_mem>>)
      %dma_wait3A = arith.constant 0 : i32
      %dma_wait3A_125 = tpu.memref_slice %arg10[%add3A_89, %dma_wait3A] : memref<10000x128xf32, #tpu.memory_space<vmem_shared>> -> memref<40x128xf32, #tpu.memory_space<vmem_shared>>
      %dma_wait3A_126 = arith.constant 0 : i32
      %dma_wait3A_127 = tpu.memref_slice %arg10[%add3A_89, %dma_wait3A_126] : memref<10000x128xf32, #tpu.memory_space<vmem_shared>> -> memref<40x128xf32, #tpu.memory_space<vmem_shared>>
      tpu.wait_dma2 semaphore(%run_scoped3A : memref<!tpu.dma_semaphore, #tpu.memory_space<semaphore_mem>>) src(%arg20 : memref<40x128xf32, #tpu.memory_space<vmem>>) dst(%dma_wait3A_127 : memref<40x128xf32, #tpu.memory_space<vmem_shared>>)
      tpu.yield
    }) : () -> ()
    %add3A_90 = arith.constant 480 : i32
    %add3A_91 = arith.addi %mul3A_2, %add3A_90 : i32
    "tpu.region"() ({
      %run_scoped3A = tpu.sem_alloc : memref<!tpu.dma_semaphore, #tpu.memory_space<semaphore_mem>>
      %dma_start3A = arith.constant 0 : i32
      %dma_start3A_122 = tpu.memref_slice %arg10[%add3A_91, %dma_start3A] : memref<10000x128xf32, #tpu.memory_space<vmem_shared>> -> memref<40x128xf32, #tpu.memory_space<vmem_shared>>
      %dma_start3A_123 = arith.constant 0 : i32
      %dma_start3A_124 = tpu.memref_slice %arg10[%add3A_91, %dma_start3A_123] : memref<10000x128xf32, #tpu.memory_space<vmem_shared>> -> memref<40x128xf32, #tpu.memory_space<vmem_shared>>
      tpu.enqueue_dma source(%arg20 : memref<40x128xf32, #tpu.memory_space<vmem>>) target(%dma_start3A_124 : memref<40x128xf32, #tpu.memory_space<vmem_shared>>) target_semaphore(%run_scoped3A : memref<!tpu.dma_semaphore, #tpu.memory_space<semaphore_mem>>)
      %dma_wait3A = arith.constant 0 : i32
      %dma_wait3A_125 = tpu.memref_slice %arg10[%add3A_91, %dma_wait3A] : memref<10000x128xf32, #tpu.memory_space<vmem_shared>> -> memref<40x128xf32, #tpu.memory_space<vmem_shared>>
      %dma_wait3A_126 = arith.constant 0 : i32
      %dma_wait3A_127 = tpu.memref_slice %arg10[%add3A_91, %dma_wait3A_126] : memref<10000x128xf32, #tpu.memory_space<vmem_shared>> -> memref<40x128xf32, #tpu.memory_space<vmem_shared>>
      tpu.wait_dma2 semaphore(%run_scoped3A : memref<!tpu.dma_semaphore, #tpu.memory_space<semaphore_mem>>) src(%arg20 : memref<40x128xf32, #tpu.memory_space<vmem>>) dst(%dma_wait3A_127 : memref<40x128xf32, #tpu.memory_space<vmem_shared>>)
      tpu.yield
    }) : () -> ()
    %add3A_92 = arith.constant 520 : i32
    %add3A_93 = arith.addi %mul3A_2, %add3A_92 : i32
    "tpu.region"() ({
      %run_scoped3A = tpu.sem_alloc : memref<!tpu.dma_semaphore, #tpu.memory_space<semaphore_mem>>
      %dma_start3A = arith.constant 0 : i32
      %dma_start3A_122 = tpu.memref_slice %arg10[%add3A_93, %dma_start3A] : memref<10000x128xf32, #tpu.memory_space<vmem_shared>> -> memref<40x128xf32, #tpu.memory_space<vmem_shared>>
      %dma_start3A_123 = arith.constant 0 : i32
      %dma_start3A_124 = tpu.memref_slice %arg10[%add3A_93, %dma_start3A_123] : memref<10000x128xf32, #tpu.memory_space<vmem_shared>> -> memref<40x128xf32, #tpu.memory_space<vmem_shared>>
      tpu.enqueue_dma source(%arg20 : memref<40x128xf32, #tpu.memory_space<vmem>>) target(%dma_start3A_124 : memref<40x128xf32, #tpu.memory_space<vmem_shared>>) target_semaphore(%run_scoped3A : memref<!tpu.dma_semaphore, #tpu.memory_space<semaphore_mem>>)
      %dma_wait3A = arith.constant 0 : i32
      %dma_wait3A_125 = tpu.memref_slice %arg10[%add3A_93, %dma_wait3A] : memref<10000x128xf32, #tpu.memory_space<vmem_shared>> -> memref<40x128xf32, #tpu.memory_space<vmem_shared>>
      %dma_wait3A_126 = arith.constant 0 : i32
      %dma_wait3A_127 = tpu.memref_slice %arg10[%add3A_93, %dma_wait3A_126] : memref<10000x128xf32, #tpu.memory_space<vmem_shared>> -> memref<40x128xf32, #tpu.memory_space<vmem_shared>>
      tpu.wait_dma2 semaphore(%run_scoped3A : memref<!tpu.dma_semaphore, #tpu.memory_space<semaphore_mem>>) src(%arg20 : memref<40x128xf32, #tpu.memory_space<vmem>>) dst(%dma_wait3A_127 : memref<40x128xf32, #tpu.memory_space<vmem_shared>>)
      tpu.yield
    }) : () -> ()
    %add3A_94 = arith.constant 560 : i32
    %add3A_95 = arith.addi %mul3A_2, %add3A_94 : i32
    "tpu.region"() ({
      %run_scoped3A = tpu.sem_alloc : memref<!tpu.dma_semaphore, #tpu.memory_space<semaphore_mem>>
      %dma_start3A = arith.constant 0 : i32
      %dma_start3A_122 = tpu.memref_slice %arg10[%add3A_95, %dma_start3A] : memref<10000x128xf32, #tpu.memory_space<vmem_shared>> -> memref<40x128xf32, #tpu.memory_space<vmem_shared>>
      %dma_start3A_123 = arith.constant 0 : i32
      %dma_start3A_124 = tpu.memref_slice %arg10[%add3A_95, %dma_start3A_123] : memref<10000x128xf32, #tpu.memory_space<vmem_shared>> -> memref<40x128xf32, #tpu.memory_space<vmem_shared>>
      tpu.enqueue_dma source(%arg20 : memref<40x128xf32, #tpu.memory_space<vmem>>) target(%dma_start3A_124 : memref<40x128xf32, #tpu.memory_space<vmem_shared>>) target_semaphore(%run_scoped3A : memref<!tpu.dma_semaphore, #tpu.memory_space<semaphore_mem>>)
      %dma_wait3A = arith.constant 0 : i32
      %dma_wait3A_125 = tpu.memref_slice %arg10[%add3A_95, %dma_wait3A] : memref<10000x128xf32, #tpu.memory_space<vmem_shared>> -> memref<40x128xf32, #tpu.memory_space<vmem_shared>>
      %dma_wait3A_126 = arith.constant 0 : i32
      %dma_wait3A_127 = tpu.memref_slice %arg10[%add3A_95, %dma_wait3A_126] : memref<10000x128xf32, #tpu.memory_space<vmem_shared>> -> memref<40x128xf32, #tpu.memory_space<vmem_shared>>
      tpu.wait_dma2 semaphore(%run_scoped3A : memref<!tpu.dma_semaphore, #tpu.memory_space<semaphore_mem>>) src(%arg20 : memref<40x128xf32, #tpu.memory_space<vmem>>) dst(%dma_wait3A_127 : memref<40x128xf32, #tpu.memory_space<vmem_shared>>)
      tpu.yield
    }) : () -> ()
    %add3A_96 = arith.constant 624 : i32
    %add3A_97 = arith.addi %mul3A_2, %add3A_96 : i32
    %sub3A_98 = arith.constant 24 : i32
    %sub3A_99 = arith.subi %add3A_97, %sub3A_98 : i32
    "tpu.region"() ({
      %run_scoped3A = tpu.sem_alloc : memref<!tpu.dma_semaphore, #tpu.memory_space<semaphore_mem>>
      %dma_start3A = arith.constant 0 : i32
      %dma_start3A_122 = arith.constant 0 : i32
      %dma_start3A_123 = tpu.memref_slice %arg20[%dma_start3A, %dma_start3A_122] : memref<40x128xf32, #tpu.memory_space<vmem>> -> memref<24x128xf32, #tpu.memory_space<vmem>>
      %dma_start3A_124 = arith.constant 0 : i32
      %dma_start3A_125 = tpu.memref_slice %arg10[%sub3A_99, %dma_start3A_124] : memref<10000x128xf32, #tpu.memory_space<vmem_shared>> -> memref<24x128xf32, #tpu.memory_space<vmem_shared>>
      %dma_start3A_126 = arith.constant 0 : i32
      %dma_start3A_127 = tpu.memref_slice %arg10[%sub3A_99, %dma_start3A_126] : memref<10000x128xf32, #tpu.memory_space<vmem_shared>> -> memref<24x128xf32, #tpu.memory_space<vmem_shared>>
      %dma_start3A_128 = arith.constant 0 : i32
      %dma_start3A_129 = arith.constant 0 : i32
      %dma_start3A_130 = tpu.memref_slice %arg20[%dma_start3A_128, %dma_start3A_129] : memref<40x128xf32, #tpu.memory_space<vmem>> -> memref<24x128xf32, #tpu.memory_space<vmem>>
      tpu.enqueue_dma source(%dma_start3A_130 : memref<24x128xf32, #tpu.memory_space<vmem>>) target(%dma_start3A_127 : memref<24x128xf32, #tpu.memory_space<vmem_shared>>) target_semaphore(%run_scoped3A : memref<!tpu.dma_semaphore, #tpu.memory_space<semaphore_mem>>)
      %dma_wait3A = arith.constant 0 : i32
      %dma_wait3A_131 = arith.constant 0 : i32
      %dma_wait3A_132 = tpu.memref_slice %arg20[%dma_wait3A, %dma_wait3A_131] : memref<40x128xf32, #tpu.memory_space<vmem>> -> memref<24x128xf32, #tpu.memory_space<vmem>>
      %dma_wait3A_133 = arith.constant 0 : i32
      %dma_wait3A_134 = tpu.memref_slice %arg10[%sub3A_99, %dma_wait3A_133] : memref<10000x128xf32, #tpu.memory_space<vmem_shared>> -> memref<24x128xf32, #tpu.memory_space<vmem_shared>>
      %dma_wait3A_135 = arith.constant 0 : i32
      %dma_wait3A_136 = tpu.memref_slice %arg10[%sub3A_99, %dma_wait3A_135] : memref<10000x128xf32, #tpu.memory_space<vmem_shared>> -> memref<24x128xf32, #tpu.memory_space<vmem_shared>>
      %dma_wait3A_137 = arith.constant 0 : i32
      %dma_wait3A_138 = arith.constant 0 : i32
      %dma_wait3A_139 = tpu.memref_slice %arg20[%dma_wait3A_137, %dma_wait3A_138] : memref<40x128xf32, #tpu.memory_space<vmem>> -> memref<24x128xf32, #tpu.memory_space<vmem>>
      tpu.wait_dma2 semaphore(%run_scoped3A : memref<!tpu.dma_semaphore, #tpu.memory_space<semaphore_mem>>) src(%dma_wait3A_139 : memref<24x128xf32, #tpu.memory_space<vmem>>) dst(%dma_wait3A_136 : memref<24x128xf32, #tpu.memory_space<vmem_shared>>)
      tpu.yield
    }) : () -> ()
    %eq3A_100 = arith.constant 15 : i32
    %eq3A_101 = arith.cmpi eq, %arg1, %eq3A_100 : i32
    %convert_element_type3A_102 = arith.extui %eq3A_101 : i1 to i32
    %cond3A_103 = arith.constant 0 : i32
    %cond3A_104 = arith.cmpi ne, %convert_element_type3A_102, %cond3A_103 : i32
    scf.if %cond3A_104 {
      "tpu.region"() ({
        %run_scoped3A = tpu.sem_alloc : memref<!tpu.dma_semaphore, #tpu.memory_space<semaphore_mem>>
        %dma_start3A = arith.constant 0 : i32
        %dma_start3A_122 = arith.constant 0 : i32
        %dma_start3A_123 = tpu.memref_slice %arg20[%dma_start3A, %dma_start3A_122] : memref<40x128xf32, #tpu.memory_space<vmem>> -> memref<16x128xf32, #tpu.memory_space<vmem>>
        %dma_start3A_124 = arith.constant 9984 : i32
        %dma_start3A_125 = arith.constant 0 : i32
        %dma_start3A_126 = tpu.memref_slice %arg10[%dma_start3A_124, %dma_start3A_125] : memref<10000x128xf32, #tpu.memory_space<vmem_shared>> -> memref<16x128xf32, #tpu.memory_space<vmem_shared>>
        %dma_start3A_127 = arith.constant 9984 : i32
        %dma_start3A_128 = arith.constant 0 : i32
        %dma_start3A_129 = tpu.memref_slice %arg10[%dma_start3A_127, %dma_start3A_128] : memref<10000x128xf32, #tpu.memory_space<vmem_shared>> -> memref<16x128xf32, #tpu.memory_space<vmem_shared>>
        %dma_start3A_130 = arith.constant 0 : i32
        %dma_start3A_131 = arith.constant 0 : i32
        %dma_start3A_132 = tpu.memref_slice %arg20[%dma_start3A_130, %dma_start3A_131] : memref<40x128xf32, #tpu.memory_space<vmem>> -> memref<16x128xf32, #tpu.memory_space<vmem>>
        tpu.enqueue_dma source(%dma_start3A_132 : memref<16x128xf32, #tpu.memory_space<vmem>>) target(%dma_start3A_129 : memref<16x128xf32, #tpu.memory_space<vmem_shared>>) target_semaphore(%run_scoped3A : memref<!tpu.dma_semaphore, #tpu.memory_space<semaphore_mem>>)
        %dma_wait3A = arith.constant 0 : i32
        %dma_wait3A_133 = arith.constant 0 : i32
        %dma_wait3A_134 = tpu.memref_slice %arg20[%dma_wait3A, %dma_wait3A_133] : memref<40x128xf32, #tpu.memory_space<vmem>> -> memref<16x128xf32, #tpu.memory_space<vmem>>
        %dma_wait3A_135 = arith.constant 9984 : i32
        %dma_wait3A_136 = arith.constant 0 : i32
        %dma_wait3A_137 = tpu.memref_slice %arg10[%dma_wait3A_135, %dma_wait3A_136] : memref<10000x128xf32, #tpu.memory_space<vmem_shared>> -> memref<16x128xf32, #tpu.memory_space<vmem_shared>>
        %dma_wait3A_138 = arith.constant 9984 : i32
        %dma_wait3A_139 = arith.constant 0 : i32
        %dma_wait3A_140 = tpu.memref_slice %arg10[%dma_wait3A_138, %dma_wait3A_139] : memref<10000x128xf32, #tpu.memory_space<vmem_shared>> -> memref<16x128xf32, #tpu.memory_space<vmem_shared>>
        %dma_wait3A_141 = arith.constant 0 : i32
        %dma_wait3A_142 = arith.constant 0 : i32
        %dma_wait3A_143 = tpu.memref_slice %arg20[%dma_wait3A_141, %dma_wait3A_142] : memref<40x128xf32, #tpu.memory_space<vmem>> -> memref<16x128xf32, #tpu.memory_space<vmem>>
        tpu.wait_dma2 semaphore(%run_scoped3A : memref<!tpu.dma_semaphore, #tpu.memory_space<semaphore_mem>>) src(%dma_wait3A_143 : memref<16x128xf32, #tpu.memory_space<vmem>>) dst(%dma_wait3A_140 : memref<16x128xf32, #tpu.memory_space<vmem_shared>>)
        tpu.yield
      }) : () -> ()
    } else {
    }
    %barrier3A_105 = arith.constant 0 : index
    tpu.barrier barrier_id(%barrier3A_105)
    %scan3A_106 = arith.constant 0 : i32
    %scan3A_107 = arith.constant 0 : i32
    %scan3A_108 = arith.constant 500 : i32
    %scan3A_109 = arith.addi %scan3A_107, %scan3A_108 : i32
    %scan3A_110 = arith.constant 1 : i32
    %scan3A_111 = scf.for %scan3A_122 = %scan3A_107 to %scan3A_109 step %scan3A_110 iter_args(%scan3A_123 = %scan3A_106) -> (i32)  : i32 {
      %mul3A_124 = arith.constant 40 : i32
      %mul3A_125 = arith.muli %scan3A_122, %mul3A_124 : i32
      %add3A_126 = arith.addi %mul3A_0, %mul3A_125 : i32
      %dma_start3A = tpu.memref_slice %arg6[%add3A_126] : memref<320000xi32, #tpu.memory_space<hbm>> -> memref<40xi32, #tpu.memory_space<hbm>>
      %dma_start3A_127 = tpu.memref_slice %arg6[%add3A_126] : memref<320000xi32, #tpu.memory_space<hbm>> -> memref<40xi32, #tpu.memory_space<hbm>>
      tpu.enqueue_dma source(%dma_start3A_127 : memref<40xi32, #tpu.memory_space<hbm>>) target(%arg11 : memref<40xi32, #tpu.memory_space<vmem>>) target_semaphore(%arg21 : memref<!tpu.dma_semaphore, #tpu.memory_space<semaphore_mem>>)
      %mul3A_128 = arith.constant 320000 : i32
      %mul3A_129 = arith.muli %arg0, %mul3A_128 : i32
      %add3A_130 = arith.addi %mul3A_129, %add3A_126 : i32
      %dma_start3A_131 = tpu.memref_slice %arg7[%add3A_130] : memref<640000xi32, #tpu.memory_space<hbm>> -> memref<40xi32, #tpu.memory_space<hbm>>
      %dma_start3A_132 = tpu.memref_slice %arg7[%add3A_130] : memref<640000xi32, #tpu.memory_space<hbm>> -> memref<40xi32, #tpu.memory_space<hbm>>
      tpu.enqueue_dma source(%dma_start3A_132 : memref<40xi32, #tpu.memory_space<hbm>>) target(%arg12 : memref<40xi32, #tpu.memory_space<vmem>>) target_semaphore(%arg22 : memref<!tpu.dma_semaphore, #tpu.memory_space<semaphore_mem>>)
      %dma_wait3A = tpu.memref_slice %arg7[%add3A_130] : memref<640000xi32, #tpu.memory_space<hbm>> -> memref<40xi32, #tpu.memory_space<hbm>>
      %dma_wait3A_133 = tpu.memref_slice %arg7[%add3A_130] : memref<640000xi32, #tpu.memory_space<hbm>> -> memref<40xi32, #tpu.memory_space<hbm>>
      tpu.wait_dma2 semaphore(%arg22 : memref<!tpu.dma_semaphore, #tpu.memory_space<semaphore_mem>>) src(%dma_wait3A_133 : memref<40xi32, #tpu.memory_space<hbm>>) dst(%arg12 : memref<40xi32, #tpu.memory_space<vmem>>)
      %dma_start3A_134 = arith.constant 0 : i32
      %dma_start3A_135 = arith.constant 0 : i32
      %dma_start3A_136 = tpu.memref_slice %arg3[%dma_start3A_134, %dma_start3A_135] : memref<20000x128xf32, #tpu.memory_space<hbm>> -> memref<20000x128xf32, #tpu.memory_space<hbm>>
      tpu.enqueue_indirect_dma source(%dma_start3A_136 : memref<20000x128xf32, #tpu.memory_space<hbm>>) target(%arg18 : memref<40x128xf32, #tpu.memory_space<vmem>>) offsets(%arg12 : memref<40xi32, #tpu.memory_space<vmem>>) semaphore(%arg21 : memref<!tpu.dma_semaphore, #tpu.memory_space<semaphore_mem>>)
      %add3A_137 = arith.constant 4 : i32
      %add3A_138 = arith.addi %add3A_137, %arg0 : i32
      %mul3A_139 = arith.constant 320000 : i32
      %mul3A_140 = arith.muli %add3A_138, %mul3A_139 : i32
      %add3A_141 = arith.addi %mul3A_140, %add3A_126 : i32
      %dma_start3A_142 = arith.constant 0 : i32
      %dma_start3A_143 = tpu.memref_slice %arg2[%add3A_141, %dma_start3A_142] : memref<1920000x64xf32, #tpu.memory_space<hbm>> -> memref<40x64xf32, #tpu.memory_space<hbm>>
      %dma_start3A_144 = arith.constant 0 : i32
      %dma_start3A_145 = tpu.memref_slice %arg2[%add3A_141, %dma_start3A_144] : memref<1920000x64xf32, #tpu.memory_space<hbm>> -> memref<40x64xf32, #tpu.memory_space<hbm>>
      tpu.enqueue_dma source(%dma_start3A_145 : memref<40x64xf32, #tpu.memory_space<hbm>>) target(%arg15 : memref<40x64xf32, #tpu.memory_space<vmem>>) target_semaphore(%arg21 : memref<!tpu.dma_semaphore, #tpu.memory_space<semaphore_mem>>)
      %add3A_146 = arith.constant 2 : i32
      %add3A_147 = arith.addi %add3A_146, %arg0 : i32
      %mul3A_148 = arith.constant 320000 : i32
      %mul3A_149 = arith.muli %add3A_147, %mul3A_148 : i32
      %add3A_150 = arith.addi %mul3A_149, %add3A_126 : i32
      %dma_start3A_151 = arith.constant 0 : i32
      %dma_start3A_152 = tpu.memref_slice %arg2[%add3A_150, %dma_start3A_151] : memref<1920000x64xf32, #tpu.memory_space<hbm>> -> memref<40x64xf32, #tpu.memory_space<hbm>>
      %dma_start3A_153 = arith.constant 0 : i32
      %dma_start3A_154 = tpu.memref_slice %arg2[%add3A_150, %dma_start3A_153] : memref<1920000x64xf32, #tpu.memory_space<hbm>> -> memref<40x64xf32, #tpu.memory_space<hbm>>
      tpu.enqueue_dma source(%dma_start3A_154 : memref<40x64xf32, #tpu.memory_space<hbm>>) target(%arg14 : memref<40x64xf32, #tpu.memory_space<vmem>>) target_semaphore(%arg21 : memref<!tpu.dma_semaphore, #tpu.memory_space<semaphore_mem>>)
      %dma_start3A_155 = arith.constant 0 : i32
      %dma_start3A_156 = arith.constant 0 : i32
      %dma_start3A_157 = tpu.memref_slice %arg4[%dma_start3A_155, %dma_start3A_156] : memref<20000x128xf32, #tpu.memory_space<hbm>> -> memref<20000x128xf32, #tpu.memory_space<hbm>>
      tpu.enqueue_indirect_dma source(%dma_start3A_157 : memref<20000x128xf32, #tpu.memory_space<hbm>>) target(%arg19 : memref<40x128xf32, #tpu.memory_space<vmem>>) offsets(%arg12 : memref<40xi32, #tpu.memory_space<vmem>>) semaphore(%arg21 : memref<!tpu.dma_semaphore, #tpu.memory_space<semaphore_mem>>)
      %add3A_158 = arith.constant 320000 : i32
      %add3A_159 = arith.addi %add3A_158, %add3A_126 : i32
      %dma_start3A_160 = arith.constant 0 : i32
      %dma_start3A_161 = tpu.memref_slice %arg5[%add3A_159, %dma_start3A_160] : memref<960000x16xf32, #tpu.memory_space<hbm>> -> memref<40x16xf32, #tpu.memory_space<hbm>>
      %dma_start3A_162 = arith.constant 0 : i32
      %dma_start3A_163 = tpu.memref_slice %arg5[%add3A_159, %dma_start3A_162] : memref<960000x16xf32, #tpu.memory_space<hbm>> -> memref<40x16xf32, #tpu.memory_space<hbm>>
      tpu.enqueue_dma source(%dma_start3A_163 : memref<40x16xf32, #tpu.memory_space<hbm>>) target(%arg16 : memref<40x16xf32, #tpu.memory_space<vmem>>) target_semaphore(%arg21 : memref<!tpu.dma_semaphore, #tpu.memory_space<semaphore_mem>>)
      %add3A_164 = arith.constant 640000 : i32
      %add3A_165 = arith.addi %add3A_164, %add3A_126 : i32
      %dma_start3A_166 = arith.constant 0 : i32
      %dma_start3A_167 = tpu.memref_slice %arg5[%add3A_165, %dma_start3A_166] : memref<960000x16xf32, #tpu.memory_space<hbm>> -> memref<40x16xf32, #tpu.memory_space<hbm>>
      %dma_start3A_168 = arith.constant 0 : i32
      %dma_start3A_169 = tpu.memref_slice %arg5[%add3A_165, %dma_start3A_168] : memref<960000x16xf32, #tpu.memory_space<hbm>> -> memref<40x16xf32, #tpu.memory_space<hbm>>
      tpu.enqueue_dma source(%dma_start3A_169 : memref<40x16xf32, #tpu.memory_space<hbm>>) target(%arg17 : memref<40x16xf32, #tpu.memory_space<vmem>>) target_semaphore(%arg21 : memref<!tpu.dma_semaphore, #tpu.memory_space<semaphore_mem>>)
      %dma_wait3A_170 = arith.constant 0 : i32
      %dma_wait3A_171 = arith.constant 0 : i32
      %dma_wait3A_172 = tpu.memref_slice %arg3[%dma_wait3A_170, %dma_wait3A_171] : memref<20000x128xf32, #tpu.memory_space<hbm>> -> memref<20000x128xf32, #tpu.memory_space<hbm>>
      tpu.wait_indirect_dma semaphore(%arg21 : memref<!tpu.dma_semaphore, #tpu.memory_space<semaphore_mem>>) src(%dma_wait3A_172 : memref<20000x128xf32, #tpu.memory_space<hbm>>) dst(%arg18 : memref<40x128xf32, #tpu.memory_space<vmem>>)
      %dma_wait3A_173 = arith.constant 0 : i32
      %dma_wait3A_174 = tpu.memref_slice %arg2[%add3A_141, %dma_wait3A_173] : memref<1920000x64xf32, #tpu.memory_space<hbm>> -> memref<40x64xf32, #tpu.memory_space<hbm>>
      %dma_wait3A_175 = arith.constant 0 : i32
      %dma_wait3A_176 = tpu.memref_slice %arg2[%add3A_141, %dma_wait3A_175] : memref<1920000x64xf32, #tpu.memory_space<hbm>> -> memref<40x64xf32, #tpu.memory_space<hbm>>
      tpu.wait_dma2 semaphore(%arg21 : memref<!tpu.dma_semaphore, #tpu.memory_space<semaphore_mem>>) src(%dma_wait3A_176 : memref<40x64xf32, #tpu.memory_space<hbm>>) dst(%arg15 : memref<40x64xf32, #tpu.memory_space<vmem>>)
      %dma_wait3A_177 = arith.constant 0 : i32
      %dma_wait3A_178 = tpu.memref_slice %arg2[%add3A_150, %dma_wait3A_177] : memref<1920000x64xf32, #tpu.memory_space<hbm>> -> memref<40x64xf32, #tpu.memory_space<hbm>>
      %dma_wait3A_179 = arith.constant 0 : i32
      %dma_wait3A_180 = tpu.memref_slice %arg2[%add3A_150, %dma_wait3A_179] : memref<1920000x64xf32, #tpu.memory_space<hbm>> -> memref<40x64xf32, #tpu.memory_space<hbm>>
      tpu.wait_dma2 semaphore(%arg21 : memref<!tpu.dma_semaphore, #tpu.memory_space<semaphore_mem>>) src(%dma_wait3A_180 : memref<40x64xf32, #tpu.memory_space<hbm>>) dst(%arg14 : memref<40x64xf32, #tpu.memory_space<vmem>>)
      %dma_wait3A_181 = arith.constant 0 : i32
      %dma_wait3A_182 = arith.constant 0 : i32
      %dma_wait3A_183 = tpu.memref_slice %arg4[%dma_wait3A_181, %dma_wait3A_182] : memref<20000x128xf32, #tpu.memory_space<hbm>> -> memref<20000x128xf32, #tpu.memory_space<hbm>>
      tpu.wait_indirect_dma semaphore(%arg21 : memref<!tpu.dma_semaphore, #tpu.memory_space<semaphore_mem>>) src(%dma_wait3A_183 : memref<20000x128xf32, #tpu.memory_space<hbm>>) dst(%arg19 : memref<40x128xf32, #tpu.memory_space<vmem>>)
      %dma_wait3A_184 = arith.constant 0 : i32
      %dma_wait3A_185 = tpu.memref_slice %arg5[%add3A_159, %dma_wait3A_184] : memref<960000x16xf32, #tpu.memory_space<hbm>> -> memref<40x16xf32, #tpu.memory_space<hbm>>
      %dma_wait3A_186 = arith.constant 0 : i32
      %dma_wait3A_187 = tpu.memref_slice %arg5[%add3A_159, %dma_wait3A_186] : memref<960000x16xf32, #tpu.memory_space<hbm>> -> memref<40x16xf32, #tpu.memory_space<hbm>>
      tpu.wait_dma2 semaphore(%arg21 : memref<!tpu.dma_semaphore, #tpu.memory_space<semaphore_mem>>) src(%dma_wait3A_187 : memref<40x16xf32, #tpu.memory_space<hbm>>) dst(%arg16 : memref<40x16xf32, #tpu.memory_space<vmem>>)
      %dma_wait3A_188 = arith.constant 0 : i32
      %dma_wait3A_189 = tpu.memref_slice %arg5[%add3A_165, %dma_wait3A_188] : memref<960000x16xf32, #tpu.memory_space<hbm>> -> memref<40x16xf32, #tpu.memory_space<hbm>>
      %dma_wait3A_190 = arith.constant 0 : i32
      %dma_wait3A_191 = tpu.memref_slice %arg5[%add3A_165, %dma_wait3A_190] : memref<960000x16xf32, #tpu.memory_space<hbm>> -> memref<40x16xf32, #tpu.memory_space<hbm>>
      tpu.wait_dma2 semaphore(%arg21 : memref<!tpu.dma_semaphore, #tpu.memory_space<semaphore_mem>>) src(%dma_wait3A_191 : memref<40x16xf32, #tpu.memory_space<hbm>>) dst(%arg17 : memref<40x16xf32, #tpu.memory_space<vmem>>)
      %dma_wait3A_192 = tpu.memref_slice %arg6[%add3A_126] : memref<320000xi32, #tpu.memory_space<hbm>> -> memref<40xi32, #tpu.memory_space<hbm>>
      %dma_wait3A_193 = tpu.memref_slice %arg6[%add3A_126] : memref<320000xi32, #tpu.memory_space<hbm>> -> memref<40xi32, #tpu.memory_space<hbm>>
      tpu.wait_dma2 semaphore(%arg21 : memref<!tpu.dma_semaphore, #tpu.memory_space<semaphore_mem>>) src(%dma_wait3A_193 : memref<40xi32, #tpu.memory_space<hbm>>) dst(%arg11 : memref<40xi32, #tpu.memory_space<vmem>>)
      %scan3A_194 = arith.constant 0 : i32
      %scan3A_195 = arith.constant 0 : i32
      %scan3A_196 = arith.constant 40 : i32
      %scan3A_197 = arith.addi %scan3A_195, %scan3A_196 : i32
      %scan3A_198 = arith.constant 1 : i32
      %scan3A_199 = scf.for %scan3A_202 = %scan3A_195 to %scan3A_197 step %scan3A_198 iter_args(%scan3A_203 = %scan3A_194) -> (i32)  : i32 {
        %get3A = arith.index_cast %scan3A_202 : i32 to index
        %get3A_204 = arith.constant 0 : index
        %get3A_205 = tpu.vector_load %arg16[%get3A, %get3A_204] {strides = array<i32>} : memref<40x16xf32, #tpu.memory_space<vmem>>, vector<1x16xf32>,
        %get3A_206 = vector.shape_cast %get3A_205 : vector<1x16xf32> to vector<16xf32>
        %get3A_207 = arith.index_cast %scan3A_202 : i32 to index
        %get3A_208 = arith.constant 0 : index
        %get3A_209 = tpu.vector_load %arg17[%get3A_207, %get3A_208] {strides = array<i32>} : memref<40x16xf32, #tpu.memory_space<vmem>>, vector<1x16xf32>,
        %get3A_210 = vector.shape_cast %get3A_209 : vector<1x16xf32> to vector<16xf32>
        %get3A_211 = arith.index_cast %scan3A_202 : i32 to index
        %get3A_212 = arith.constant 0 : index
        %get3A_213 = tpu.vector_load %arg18[%get3A_211, %get3A_212] {strides = array<i32>} : memref<40x128xf32, #tpu.memory_space<vmem>>, vector<1x16xf32>,
        %get3A_214 = vector.shape_cast %get3A_213 : vector<1x16xf32> to vector<16xf32>
        %get3A_215 = arith.index_cast %scan3A_202 : i32 to index
        %get3A_216 = arith.constant 0 : index
        %get3A_217 = tpu.vector_load %arg15[%get3A_215, %get3A_216] {strides = array<i32>} : memref<40x64xf32, #tpu.memory_space<vmem>>, vector<1x16xf32>,
        %get3A_218 = vector.shape_cast %get3A_217 : vector<1x16xf32> to vector<16xf32>
        %mul3A_219 = arith.mulf %get3A_218, %get3A_214 : vector<16xf32>
        %get3A_220 = arith.index_cast %scan3A_202 : i32 to index
        %get3A_221 = arith.constant 0 : index
        %get3A_222 = tpu.vector_load %arg14[%get3A_220, %get3A_221] {strides = array<i32>} : memref<40x64xf32, #tpu.memory_space<vmem>>, vector<1x16xf32>,
        %get3A_223 = vector.shape_cast %get3A_222 : vector<1x16xf32> to vector<16xf32>
        %get3A_224 = arith.index_cast %scan3A_202 : i32 to index
        %get3A_225 = arith.constant 0 : index
        %get3A_226 = tpu.vector_load %arg19[%get3A_224, %get3A_225] {strides = array<i32>} : memref<40x128xf32, #tpu.memory_space<vmem>>, vector<1x16xf32>,
        %get3A_227 = vector.shape_cast %get3A_226 : vector<1x16xf32> to vector<16xf32>
        %mul3A_228 = arith.mulf %get3A_223, %get3A_227 : vector<16xf32>
        %mul3A_229 = arith.mulf %get3A_206, %mul3A_219 : vector<16xf32>
        %add3A_230 = arith.addf %mul3A_228, %mul3A_229 : vector<16xf32>
        %swap3A = arith.index_cast %scan3A_202 : i32 to index
        %swap3A_231 = arith.constant 0 : index
        %swap3A_232 = tpu.vector_load %arg20[%swap3A, %swap3A_231] {strides = array<i32>} : memref<40x128xf32, #tpu.memory_space<vmem>>, vector<1x16xf32>,
        %swap3A_233 = vector.shape_cast %swap3A_232 : vector<1x16xf32> to vector<16xf32>
        %swap3A_234 = vector.shape_cast %add3A_230 : vector<16xf32> to vector<1x16xf32>
        tpu.vector_store %arg20[%swap3A, %swap3A_231], %swap3A_234 {strides = array<i32>} : memref<40x128xf32, #tpu.memory_space<vmem>>, vector<1x16xf32>,
        %get3A_235 = arith.index_cast %scan3A_202 : i32 to index
        %get3A_236 = arith.constant 0 : index
        %get3A_237 = tpu.vector_load %arg14[%get3A_235, %get3A_236] {strides = array<i32>} : memref<40x64xf32, #tpu.memory_space<vmem>>, vector<1x16xf32>,
        %get3A_238 = vector.shape_cast %get3A_237 : vector<1x16xf32> to vector<16xf32>
        %get3A_239 = arith.index_cast %scan3A_202 : i32 to index
        %get3A_240 = arith.constant 64 : index
        %get3A_241 = tpu.vector_load %arg19[%get3A_239, %get3A_240] {strides = array<i32>} : memref<40x128xf32, #tpu.memory_space<vmem>>, vector<1x16xf32>,
        %get3A_242 = vector.shape_cast %get3A_241 : vector<1x16xf32> to vector<16xf32>
        %mul3A_243 = arith.mulf %get3A_238, %get3A_242 : vector<16xf32>
        %mul3A_244 = arith.mulf %get3A_210, %mul3A_219 : vector<16xf32>
        %add3A_245 = arith.addf %mul3A_243, %mul3A_244 : vector<16xf32>
        %swap3A_246 = arith.index_cast %scan3A_202 : i32 to index
        %swap3A_247 = arith.constant 64 : index
        %swap3A_248 = tpu.vector_load %arg20[%swap3A_246, %swap3A_247] {strides = array<i32>} : memref<40x128xf32, #tpu.memory_space<vmem>>, vector<1x16xf32>,
        %swap3A_249 = vector.shape_cast %swap3A_248 : vector<1x16xf32> to vector<16xf32>
        %swap3A_250 = vector.shape_cast %add3A_245 : vector<16xf32> to vector<1x16xf32>
        tpu.vector_store %arg20[%swap3A_246, %swap3A_247], %swap3A_250 {strides = array<i32>} : memref<40x128xf32, #tpu.memory_space<vmem>>, vector<1x16xf32>,
        %get3A_251 = arith.index_cast %scan3A_202 : i32 to index
        %get3A_252 = arith.constant 16 : index
        %get3A_253 = tpu.vector_load %arg18[%get3A_251, %get3A_252] {strides = array<i32>} : memref<40x128xf32, #tpu.memory_space<vmem>>, vector<1x16xf32>,
        %get3A_254 = vector.shape_cast %get3A_253 : vector<1x16xf32> to vector<16xf32>
        %get3A_255 = arith.index_cast %scan3A_202 : i32 to index
        %get3A_256 = arith.constant 16 : index
        %get3A_257 = tpu.vector_load %arg15[%get3A_255, %get3A_256] {strides = array<i32>} : memref<40x64xf32, #tpu.memory_space<vmem>>, vector<1x16xf32>,
        %get3A_258 = vector.shape_cast %get3A_257 : vector<1x16xf32> to vector<16xf32>
        %mul3A_259 = arith.mulf %get3A_258, %get3A_254 : vector<16xf32>
        %get3A_260 = arith.index_cast %scan3A_202 : i32 to index
        %get3A_261 = arith.constant 16 : index
        %get3A_262 = tpu.vector_load %arg14[%get3A_260, %get3A_261] {strides = array<i32>} : memref<40x64xf32, #tpu.memory_space<vmem>>, vector<1x16xf32>,
        %get3A_263 = vector.shape_cast %get3A_262 : vector<1x16xf32> to vector<16xf32>
        %get3A_264 = arith.index_cast %scan3A_202 : i32 to index
        %get3A_265 = arith.constant 16 : index
        %get3A_266 = tpu.vector_load %arg19[%get3A_264, %get3A_265] {strides = array<i32>} : memref<40x128xf32, #tpu.memory_space<vmem>>, vector<1x16xf32>,
        %get3A_267 = vector.shape_cast %get3A_266 : vector<1x16xf32> to vector<16xf32>
        %mul3A_268 = arith.mulf %get3A_263, %get3A_267 : vector<16xf32>
        %mul3A_269 = arith.mulf %get3A_206, %mul3A_259 : vector<16xf32>
        %add3A_270 = arith.addf %mul3A_268, %mul3A_269 : vector<16xf32>
        %swap3A_271 = arith.index_cast %scan3A_202 : i32 to index
        %swap3A_272 = arith.constant 16 : index
        %swap3A_273 = tpu.vector_load %arg20[%swap3A_271, %swap3A_272] {strides = array<i32>} : memref<40x128xf32, #tpu.memory_space<vmem>>, vector<1x16xf32>,
        %swap3A_274 = vector.shape_cast %swap3A_273 : vector<1x16xf32> to vector<16xf32>
        %swap3A_275 = vector.shape_cast %add3A_270 : vector<16xf32> to vector<1x16xf32>
        tpu.vector_store %arg20[%swap3A_271, %swap3A_272], %swap3A_275 {strides = array<i32>} : memref<40x128xf32, #tpu.memory_space<vmem>>, vector<1x16xf32>,
        %get3A_276 = arith.index_cast %scan3A_202 : i32 to index
        %get3A_277 = arith.constant 16 : index
        %get3A_278 = tpu.vector_load %arg14[%get3A_276, %get3A_277] {strides = array<i32>} : memref<40x64xf32, #tpu.memory_space<vmem>>, vector<1x16xf32>,
        %get3A_279 = vector.shape_cast %get3A_278 : vector<1x16xf32> to vector<16xf32>
        %get3A_280 = arith.index_cast %scan3A_202 : i32 to index
        %get3A_281 = arith.constant 80 : index
        %get3A_282 = tpu.vector_load %arg19[%get3A_280, %get3A_281] {strides = array<i32>} : memref<40x128xf32, #tpu.memory_space<vmem>>, vector<1x16xf32>,
        %get3A_283 = vector.shape_cast %get3A_282 : vector<1x16xf32> to vector<16xf32>
        %mul3A_284 = arith.mulf %get3A_279, %get3A_283 : vector<16xf32>
        %mul3A_285 = arith.mulf %get3A_210, %mul3A_259 : vector<16xf32>
        %add3A_286 = arith.addf %mul3A_284, %mul3A_285 : vector<16xf32>
        %swap3A_287 = arith.index_cast %scan3A_202 : i32 to index
        %swap3A_288 = arith.constant 80 : index
        %swap3A_289 = tpu.vector_load %arg20[%swap3A_287, %swap3A_288] {strides = array<i32>} : memref<40x128xf32, #tpu.memory_space<vmem>>, vector<1x16xf32>,
        %swap3A_290 = vector.shape_cast %swap3A_289 : vector<1x16xf32> to vector<16xf32>
        %swap3A_291 = vector.shape_cast %add3A_286 : vector<16xf32> to vector<1x16xf32>
        tpu.vector_store %arg20[%swap3A_287, %swap3A_288], %swap3A_291 {strides = array<i32>} : memref<40x128xf32, #tpu.memory_space<vmem>>, vector<1x16xf32>,
        %get3A_292 = arith.index_cast %scan3A_202 : i32 to index
        %get3A_293 = arith.constant 32 : index
        %get3A_294 = tpu.vector_load %arg18[%get3A_292, %get3A_293] {strides = array<i32>} : memref<40x128xf32, #tpu.memory_space<vmem>>, vector<1x16xf32>,
        %get3A_295 = vector.shape_cast %get3A_294 : vector<1x16xf32> to vector<16xf32>
        %get3A_296 = arith.index_cast %scan3A_202 : i32 to index
        %get3A_297 = arith.constant 32 : index
        %get3A_298 = tpu.vector_load %arg15[%get3A_296, %get3A_297] {strides = array<i32>} : memref<40x64xf32, #tpu.memory_space<vmem>>, vector<1x16xf32>,
        %get3A_299 = vector.shape_cast %get3A_298 : vector<1x16xf32> to vector<16xf32>
        %mul3A_300 = arith.mulf %get3A_299, %get3A_295 : vector<16xf32>
        %get3A_301 = arith.index_cast %scan3A_202 : i32 to index
        %get3A_302 = arith.constant 32 : index
        %get3A_303 = tpu.vector_load %arg14[%get3A_301, %get3A_302] {strides = array<i32>} : memref<40x64xf32, #tpu.memory_space<vmem>>, vector<1x16xf32>,
        %get3A_304 = vector.shape_cast %get3A_303 : vector<1x16xf32> to vector<16xf32>
        %get3A_305 = arith.index_cast %scan3A_202 : i32 to index
        %get3A_306 = arith.constant 32 : index
        %get3A_307 = tpu.vector_load %arg19[%get3A_305, %get3A_306] {strides = array<i32>} : memref<40x128xf32, #tpu.memory_space<vmem>>, vector<1x16xf32>,
        %get3A_308 = vector.shape_cast %get3A_307 : vector<1x16xf32> to vector<16xf32>
        %mul3A_309 = arith.mulf %get3A_304, %get3A_308 : vector<16xf32>
        %mul3A_310 = arith.mulf %get3A_206, %mul3A_300 : vector<16xf32>
        %add3A_311 = arith.addf %mul3A_309, %mul3A_310 : vector<16xf32>
        %swap3A_312 = arith.index_cast %scan3A_202 : i32 to index
        %swap3A_313 = arith.constant 32 : index
        %swap3A_314 = tpu.vector_load %arg20[%swap3A_312, %swap3A_313] {strides = array<i32>} : memref<40x128xf32, #tpu.memory_space<vmem>>, vector<1x16xf32>,
        %swap3A_315 = vector.shape_cast %swap3A_314 : vector<1x16xf32> to vector<16xf32>
        %swap3A_316 = vector.shape_cast %add3A_311 : vector<16xf32> to vector<1x16xf32>
        tpu.vector_store %arg20[%swap3A_312, %swap3A_313], %swap3A_316 {strides = array<i32>} : memref<40x128xf32, #tpu.memory_space<vmem>>, vector<1x16xf32>,
        %get3A_317 = arith.index_cast %scan3A_202 : i32 to index
        %get3A_318 = arith.constant 32 : index
        %get3A_319 = tpu.vector_load %arg14[%get3A_317, %get3A_318] {strides = array<i32>} : memref<40x64xf32, #tpu.memory_space<vmem>>, vector<1x16xf32>,
        %get3A_320 = vector.shape_cast %get3A_319 : vector<1x16xf32> to vector<16xf32>
        %get3A_321 = arith.index_cast %scan3A_202 : i32 to index
        %get3A_322 = arith.constant 96 : index
        %get3A_323 = tpu.vector_load %arg19[%get3A_321, %get3A_322] {strides = array<i32>} : memref<40x128xf32, #tpu.memory_space<vmem>>, vector<1x16xf32>,
        %get3A_324 = vector.shape_cast %get3A_323 : vector<1x16xf32> to vector<16xf32>
        %mul3A_325 = arith.mulf %get3A_320, %get3A_324 : vector<16xf32>
        %mul3A_326 = arith.mulf %get3A_210, %mul3A_300 : vector<16xf32>
        %add3A_327 = arith.addf %mul3A_325, %mul3A_326 : vector<16xf32>
        %swap3A_328 = arith.index_cast %scan3A_202 : i32 to index
        %swap3A_329 = arith.constant 96 : index
        %swap3A_330 = tpu.vector_load %arg20[%swap3A_328, %swap3A_329] {strides = array<i32>} : memref<40x128xf32, #tpu.memory_space<vmem>>, vector<1x16xf32>,
        %swap3A_331 = vector.shape_cast %swap3A_330 : vector<1x16xf32> to vector<16xf32>
        %swap3A_332 = vector.shape_cast %add3A_327 : vector<16xf32> to vector<1x16xf32>
        tpu.vector_store %arg20[%swap3A_328, %swap3A_329], %swap3A_332 {strides = array<i32>} : memref<40x128xf32, #tpu.memory_space<vmem>>, vector<1x16xf32>,
        %get3A_333 = arith.index_cast %scan3A_202 : i32 to index
        %get3A_334 = arith.constant 48 : index
        %get3A_335 = tpu.vector_load %arg18[%get3A_333, %get3A_334] {strides = array<i32>} : memref<40x128xf32, #tpu.memory_space<vmem>>, vector<1x16xf32>,
        %get3A_336 = vector.shape_cast %get3A_335 : vector<1x16xf32> to vector<16xf32>
        %get3A_337 = arith.index_cast %scan3A_202 : i32 to index
        %get3A_338 = arith.constant 48 : index
        %get3A_339 = tpu.vector_load %arg15[%get3A_337, %get3A_338] {strides = array<i32>} : memref<40x64xf32, #tpu.memory_space<vmem>>, vector<1x16xf32>,
        %get3A_340 = vector.shape_cast %get3A_339 : vector<1x16xf32> to vector<16xf32>
        %mul3A_341 = arith.mulf %get3A_340, %get3A_336 : vector<16xf32>
        %get3A_342 = arith.index_cast %scan3A_202 : i32 to index
        %get3A_343 = arith.constant 48 : index
        %get3A_344 = tpu.vector_load %arg14[%get3A_342, %get3A_343] {strides = array<i32>} : memref<40x64xf32, #tpu.memory_space<vmem>>, vector<1x16xf32>,
        %get3A_345 = vector.shape_cast %get3A_344 : vector<1x16xf32> to vector<16xf32>
        %get3A_346 = arith.index_cast %scan3A_202 : i32 to index
        %get3A_347 = arith.constant 48 : index
        %get3A_348 = tpu.vector_load %arg19[%get3A_346, %get3A_347] {strides = array<i32>} : memref<40x128xf32, #tpu.memory_space<vmem>>, vector<1x16xf32>,
        %get3A_349 = vector.shape_cast %get3A_348 : vector<1x16xf32> to vector<16xf32>
        %mul3A_350 = arith.mulf %get3A_345, %get3A_349 : vector<16xf32>
        %mul3A_351 = arith.mulf %get3A_206, %mul3A_341 : vector<16xf32>
        %add3A_352 = arith.addf %mul3A_350, %mul3A_351 : vector<16xf32>
        %swap3A_353 = arith.index_cast %scan3A_202 : i32 to index
        %swap3A_354 = arith.constant 48 : index
        %swap3A_355 = tpu.vector_load %arg20[%swap3A_353, %swap3A_354] {strides = array<i32>} : memref<40x128xf32, #tpu.memory_space<vmem>>, vector<1x16xf32>,
        %swap3A_356 = vector.shape_cast %swap3A_355 : vector<1x16xf32> to vector<16xf32>
        %swap3A_357 = vector.shape_cast %add3A_352 : vector<16xf32> to vector<1x16xf32>
        tpu.vector_store %arg20[%swap3A_353, %swap3A_354], %swap3A_357 {strides = array<i32>} : memref<40x128xf32, #tpu.memory_space<vmem>>, vector<1x16xf32>,
        %get3A_358 = arith.index_cast %scan3A_202 : i32 to index
        %get3A_359 = arith.constant 48 : index
        %get3A_360 = tpu.vector_load %arg14[%get3A_358, %get3A_359] {strides = array<i32>} : memref<40x64xf32, #tpu.memory_space<vmem>>, vector<1x16xf32>,
        %get3A_361 = vector.shape_cast %get3A_360 : vector<1x16xf32> to vector<16xf32>
        %get3A_362 = arith.index_cast %scan3A_202 : i32 to index
        %get3A_363 = arith.constant 112 : index
        %get3A_364 = tpu.vector_load %arg19[%get3A_362, %get3A_363] {strides = array<i32>} : memref<40x128xf32, #tpu.memory_space<vmem>>, vector<1x16xf32>,
        %get3A_365 = vector.shape_cast %get3A_364 : vector<1x16xf32> to vector<16xf32>
        %mul3A_366 = arith.mulf %get3A_361, %get3A_365 : vector<16xf32>
        %mul3A_367 = arith.mulf %get3A_210, %mul3A_341 : vector<16xf32>
        %add3A_368 = arith.addf %mul3A_366, %mul3A_367 : vector<16xf32>
        %swap3A_369 = arith.index_cast %scan3A_202 : i32 to index
        %swap3A_370 = arith.constant 112 : index
        %swap3A_371 = tpu.vector_load %arg20[%swap3A_369, %swap3A_370] {strides = array<i32>} : memref<40x128xf32, #tpu.memory_space<vmem>>, vector<1x16xf32>,
        %swap3A_372 = vector.shape_cast %swap3A_371 : vector<1x16xf32> to vector<16xf32>
        %swap3A_373 = vector.shape_cast %add3A_368 : vector<16xf32> to vector<1x16xf32>
        tpu.vector_store %arg20[%swap3A_369, %swap3A_370], %swap3A_373 {strides = array<i32>} : memref<40x128xf32, #tpu.memory_space<vmem>>, vector<1x16xf32>,
        %scan3A_374 = arith.constant 0 : i32
        scf.yield %scan3A_374 : i32
      }
      %scan3A_200 = arith.constant 40 : i32
      "tpu.region"() ({
        %run_scoped3A = tpu.sem_alloc : memref<!tpu.dma_semaphore, #tpu.memory_space<semaphore_mem>>
        %dma_start3A_202 = arith.constant 0 : i32
        %dma_start3A_203 = arith.constant 0 : i32
        %dma_start3A_204 = tpu.memref_slice %arg10[%dma_start3A_202, %dma_start3A_203] : memref<10000x128xf32, #tpu.memory_space<vmem_shared>> -> memref<10000x128xf32, #tpu.memory_space<vmem_shared>>
        tpu.enqueue_indirect_dma source(%arg20 : memref<40x128xf32, #tpu.memory_space<vmem>>) target(%dma_start3A_204 : memref<10000x128xf32, #tpu.memory_space<vmem_shared>>) offsets(%arg11 : memref<40xi32, #tpu.memory_space<vmem>>) semaphore(%run_scoped3A : memref<!tpu.dma_semaphore, #tpu.memory_space<semaphore_mem>>) {add = true}
        %dma_wait3A_205 = arith.constant 0 : i32
        %dma_wait3A_206 = arith.constant 0 : i32
        %dma_wait3A_207 = tpu.memref_slice %arg10[%dma_wait3A_205, %dma_wait3A_206] : memref<10000x128xf32, #tpu.memory_space<vmem_shared>> -> memref<10000x128xf32, #tpu.memory_space<vmem_shared>>
        tpu.wait_indirect_dma semaphore(%run_scoped3A : memref<!tpu.dma_semaphore, #tpu.memory_space<semaphore_mem>>) src(%arg20 : memref<40x128xf32, #tpu.memory_space<vmem>>) dst(%dma_wait3A_207 : memref<10000x128xf32, #tpu.memory_space<vmem_shared>>)
        tpu.yield
      }) : () -> ()
      %scan3A_201 = arith.constant 0 : i32
      scf.yield %scan3A_201 : i32
    }
    %scan3A_112 = arith.constant 500 : i32
    %barrier3A_113 = arith.constant 0 : index
    tpu.barrier barrier_id(%barrier3A_113)
    %mul3A_114 = arith.constant 10000 : i32
    %mul3A_115 = arith.muli %arg0, %mul3A_114 : i32
    %add3A_116 = arith.addi %mul3A_115, %mul3A_2 : i32
    "tpu.region"() ({
      %run_scoped3A = tpu.sem_alloc : memref<!tpu.dma_semaphore, #tpu.memory_space<semaphore_mem>>
      %dma_start3A = arith.constant 0 : i32
      %dma_start3A_122 = tpu.memref_slice %arg9[%add3A_116, %dma_start3A] : memref<20000x128xf32, #tpu.memory_space<hbm>> -> memref<624x128xf32, #tpu.memory_space<hbm>>
      %dma_start3A_123 = arith.constant 0 : i32
      %dma_start3A_124 = tpu.memref_slice %arg10[%mul3A_2, %dma_start3A_123] : memref<10000x128xf32, #tpu.memory_space<vmem_shared>> -> memref<624x128xf32, #tpu.memory_space<vmem_shared>>
      tpu.enqueue_dma source(%dma_start3A_124 : memref<624x128xf32, #tpu.memory_space<vmem_shared>>) target(%dma_start3A_122 : memref<624x128xf32, #tpu.memory_space<hbm>>) target_semaphore(%run_scoped3A : memref<!tpu.dma_semaphore, #tpu.memory_space<semaphore_mem>>)
      %dma_wait3A = arith.constant 0 : i32
      %dma_wait3A_125 = tpu.memref_slice %arg9[%add3A_116, %dma_wait3A] : memref<20000x128xf32, #tpu.memory_space<hbm>> -> memref<624x128xf32, #tpu.memory_space<hbm>>
      %dma_wait3A_126 = arith.constant 0 : i32
      %dma_wait3A_127 = tpu.memref_slice %arg10[%mul3A_2, %dma_wait3A_126] : memref<10000x128xf32, #tpu.memory_space<vmem_shared>> -> memref<624x128xf32, #tpu.memory_space<vmem_shared>>
      tpu.wait_dma2 semaphore(%run_scoped3A : memref<!tpu.dma_semaphore, #tpu.memory_space<semaphore_mem>>) src(%dma_wait3A_127 : memref<624x128xf32, #tpu.memory_space<vmem_shared>>) dst(%dma_wait3A_125 : memref<624x128xf32, #tpu.memory_space<hbm>>)
      tpu.yield
    }) : () -> ()
    %eq3A_117 = arith.constant 15 : i32
    %eq3A_118 = arith.cmpi eq, %arg1, %eq3A_117 : i32
    %convert_element_type3A_119 = arith.extui %eq3A_118 : i1 to i32
    %cond3A_120 = arith.constant 0 : i32
    %cond3A_121 = arith.cmpi ne, %convert_element_type3A_119, %cond3A_120 : i32
    scf.if %cond3A_121 {
      %mul3A_122 = arith.constant 10000 : i32
      %mul3A_123 = arith.muli %arg0, %mul3A_122 : i32
      %add3A_124 = arith.constant 9984 : i32
      %add3A_125 = arith.addi %mul3A_123, %add3A_124 : i32
      "tpu.region"() ({
        %run_scoped3A = tpu.sem_alloc : memref<!tpu.dma_semaphore, #tpu.memory_space<semaphore_mem>>
        %dma_start3A = arith.constant 0 : i32
        %dma_start3A_126 = tpu.memref_slice %arg9[%add3A_125, %dma_start3A] : memref<20000x128xf32, #tpu.memory_space<hbm>> -> memref<16x128xf32, #tpu.memory_space<hbm>>
        %dma_start3A_127 = arith.constant 9984 : i32
        %dma_start3A_128 = arith.constant 0 : i32
        %dma_start3A_129 = tpu.memref_slice %arg10[%dma_start3A_127, %dma_start3A_128] : memref<10000x128xf32, #tpu.memory_space<vmem_shared>> -> memref<16x128xf32, #tpu.memory_space<vmem_shared>>
        tpu.enqueue_dma source(%dma_start3A_129 : memref<16x128xf32, #tpu.memory_space<vmem_shared>>) target(%dma_start3A_126 : memref<16x128xf32, #tpu.memory_space<hbm>>) target_semaphore(%run_scoped3A : memref<!tpu.dma_semaphore, #tpu.memory_space<semaphore_mem>>)
        %dma_wait3A = arith.constant 0 : i32
        %dma_wait3A_130 = tpu.memref_slice %arg9[%add3A_125, %dma_wait3A] : memref<20000x128xf32, #tpu.memory_space<hbm>> -> memref<16x128xf32, #tpu.memory_space<hbm>>
        %dma_wait3A_131 = arith.constant 9984 : i32
        %dma_wait3A_132 = arith.constant 0 : i32
        %dma_wait3A_133 = tpu.memref_slice %arg10[%dma_wait3A_131, %dma_wait3A_132] : memref<10000x128xf32, #tpu.memory_space<vmem_shared>> -> memref<16x128xf32, #tpu.memory_space<vmem_shared>>
        tpu.wait_dma2 semaphore(%run_scoped3A : memref<!tpu.dma_semaphore, #tpu.memory_space<semaphore_mem>>) src(%dma_wait3A_133 : memref<16x128xf32, #tpu.memory_space<vmem_shared>>) dst(%dma_wait3A_130 : memref<16x128xf32, #tpu.memory_space<hbm>>)
        tpu.yield
      }) : () -> ()
    } else {
    }
    return
  }
}

module attributes {stable_mosaic.version = 14 : i64} {
  func.func @_phi_body(%arg0: i32, %arg1: memref<2000x20xf32, #tpu.memory_space<vmem>>, %arg2: memref<20x128xf32, #tpu.memory_space<vmem>>, %arg3: memref<128xf32, #tpu.memory_space<vmem>>, %arg4: memref<128x384xf32, #tpu.memory_space<vmem>>, %arg5: memref<384xf32, #tpu.memory_space<vmem>>, %arg6: memref<6x2000x64xf32, #tpu.memory_space<vmem>>) attributes {dimension_semantics = [#tpu.dimension_semantics<arbitrary>], iteration_bounds = array<i64: 160>, scalar_prefetch = 0 : i64, scratch_operands = 0 : i64, tpu.core_type = #tpu.core_type<tc>, window_params = [{transform_indices = @transform_0, window_bounds = array<i64: 2000, 20>}, {pipeline_mode = #tpu.pipeline_mode<synchronous>, transform_indices = @transform_1, window_bounds = array<i64: 20, 128>}, {pipeline_mode = #tpu.pipeline_mode<synchronous>, transform_indices = @transform_2, window_bounds = array<i64: 128>}, {pipeline_mode = #tpu.pipeline_mode<synchronous>, transform_indices = @transform_3, window_bounds = array<i64: 128, 384>}, {pipeline_mode = #tpu.pipeline_mode<synchronous>, transform_indices = @transform_4, window_bounds = array<i64: 384>}, {transform_indices = @transform_5, window_bounds = array<i64: 6, 2000, 64>}]} {
    %get3A = arith.constant 0 : index
    %get3A_0 = arith.constant 0 : index
    %get3A_1 = vector.load %arg1[%get3A, %get3A_0] : memref<2000x20xf32, #tpu.memory_space<vmem>>, vector<2000x20xf32>
    %get3A_2 = arith.constant 0 : index
    %get3A_3 = arith.constant 0 : index
    %get3A_4 = vector.load %arg2[%get3A_2, %get3A_3] : memref<20x128xf32, #tpu.memory_space<vmem>>, vector<20x128xf32>
    %dot_general3A = arith.constant dense<0.000000e+00> : vector<2000x128xf32>
    %dot_general3A_5 = tpu.matmul %get3A_1, %get3A_4, %dot_general3A {dimension_numbers = #tpu.dot_dimension_numbers<[1], [0], [0], [1], [0, 0, 1, 1], [], []>, transpose_lhs_hint = false} : vector<2000x20xf32>, vector<20x128xf32>, vector<2000x128xf32> -> vector<2000x128xf32>
    %get3A_6 = arith.constant 0 : index
    %get3A_7 = vector.load %arg3[%get3A_6] : memref<128xf32, #tpu.memory_space<vmem>>, vector<128xf32>
    %broadcast_in_dim3A = vector.shape_cast %get3A_7 : vector<128xf32> to vector<1x128xf32>
    %add3A = vector.broadcast %broadcast_in_dim3A : vector<1x128xf32> to vector<2000x128xf32>
    %add3A_8 = arith.addf %dot_general3A_5, %add3A : vector<2000x128xf32>
    %logistic3A = arith.negf %add3A_8 : vector<2000x128xf32>
    %logistic3A_9 = math.exp %logistic3A : vector<2000x128xf32>
    %logistic3A_10 = arith.constant 1.000000e+00 : f32
    %logistic3A_11 = vector.broadcast %logistic3A_10 : f32 to vector<2000x128xf32>
    %logistic3A_12 = arith.addf %logistic3A_11, %logistic3A_9 : vector<2000x128xf32>
    %logistic3A_13 = arith.divf %logistic3A_11, %logistic3A_12 : vector<2000x128xf32>
    %mul3A = arith.mulf %add3A_8, %logistic3A_13 : vector<2000x128xf32>
    %get3A_14 = arith.constant 0 : index
    %get3A_15 = arith.constant 0 : index
    %get3A_16 = vector.load %arg4[%get3A_14, %get3A_15] : memref<128x384xf32, #tpu.memory_space<vmem>>, vector<128x384xf32>
    %dot_general3A_17 = arith.constant dense<0.000000e+00> : vector<2000x384xf32>
    %dot_general3A_18 = tpu.matmul %mul3A, %get3A_16, %dot_general3A_17 {dimension_numbers = #tpu.dot_dimension_numbers<[1], [0], [0], [1], [0, 0, 1, 1], [], []>, transpose_lhs_hint = false} : vector<2000x128xf32>, vector<128x384xf32>, vector<2000x384xf32> -> vector<2000x384xf32>
    %get3A_19 = arith.constant 0 : index
    %get3A_20 = vector.load %arg5[%get3A_19] : memref<384xf32, #tpu.memory_space<vmem>>, vector<384xf32>
    %broadcast_in_dim3A_21 = vector.shape_cast %get3A_20 : vector<384xf32> to vector<1x384xf32>
    %add3A_22 = vector.broadcast %broadcast_in_dim3A_21 : vector<1x384xf32> to vector<2000x384xf32>
    %add3A_23 = arith.addf %dot_general3A_18, %add3A_22 : vector<2000x384xf32>
    %slice3A = vector.extract_strided_slice %add3A_23 {offsets = [0, 0], sizes = [2000, 64], strides = [1, 1]} : vector<2000x384xf32> to vector<2000x64xf32>
    %swap3A = arith.constant 0 : index
    %swap3A_24 = arith.constant 0 : index
    %swap3A_25 = arith.constant 0 : index
    %swap3A_26 = vector.load %arg6[%swap3A, %swap3A_24, %swap3A_25] : memref<6x2000x64xf32, #tpu.memory_space<vmem>>, vector<1x2000x64xf32>
    %swap3A_27 = vector.shape_cast %swap3A_26 : vector<1x2000x64xf32> to vector<2000x64xf32>
    %swap3A_28 = vector.shape_cast %slice3A : vector<2000x64xf32> to vector<1x2000x64xf32>
    tpu.vector_store %arg6[%swap3A, %swap3A_24, %swap3A_25], %swap3A_28 {strides = array<i32>} : memref<6x2000x64xf32, #tpu.memory_space<vmem>>, vector<1x2000x64xf32>,
    %slice3A_29 = vector.extract_strided_slice %add3A_23 {offsets = [0, 64], sizes = [2000, 64], strides = [1, 1]} : vector<2000x384xf32> to vector<2000x64xf32>
    %swap3A_30 = arith.constant 1 : index
    %swap3A_31 = arith.constant 0 : index
    %swap3A_32 = arith.constant 0 : index
    %swap3A_33 = vector.load %arg6[%swap3A_30, %swap3A_31, %swap3A_32] : memref<6x2000x64xf32, #tpu.memory_space<vmem>>, vector<1x2000x64xf32>
    %swap3A_34 = vector.shape_cast %swap3A_33 : vector<1x2000x64xf32> to vector<2000x64xf32>
    %swap3A_35 = vector.shape_cast %slice3A_29 : vector<2000x64xf32> to vector<1x2000x64xf32>
    tpu.vector_store %arg6[%swap3A_30, %swap3A_31, %swap3A_32], %swap3A_35 {strides = array<i32>} : memref<6x2000x64xf32, #tpu.memory_space<vmem>>, vector<1x2000x64xf32>,
    %slice3A_36 = vector.extract_strided_slice %add3A_23 {offsets = [0, 128], sizes = [2000, 64], strides = [1, 1]} : vector<2000x384xf32> to vector<2000x64xf32>
    %swap3A_37 = arith.constant 2 : index
    %swap3A_38 = arith.constant 0 : index
    %swap3A_39 = arith.constant 0 : index
    %swap3A_40 = vector.load %arg6[%swap3A_37, %swap3A_38, %swap3A_39] : memref<6x2000x64xf32, #tpu.memory_space<vmem>>, vector<1x2000x64xf32>
    %swap3A_41 = vector.shape_cast %swap3A_40 : vector<1x2000x64xf32> to vector<2000x64xf32>
    %swap3A_42 = vector.shape_cast %slice3A_36 : vector<2000x64xf32> to vector<1x2000x64xf32>
    tpu.vector_store %arg6[%swap3A_37, %swap3A_38, %swap3A_39], %swap3A_42 {strides = array<i32>} : memref<6x2000x64xf32, #tpu.memory_space<vmem>>, vector<1x2000x64xf32>,
    %slice3A_43 = vector.extract_strided_slice %add3A_23 {offsets = [0, 192], sizes = [2000, 64], strides = [1, 1]} : vector<2000x384xf32> to vector<2000x64xf32>
    %swap3A_44 = arith.constant 3 : index
    %swap3A_45 = arith.constant 0 : index
    %swap3A_46 = arith.constant 0 : index
    %swap3A_47 = vector.load %arg6[%swap3A_44, %swap3A_45, %swap3A_46] : memref<6x2000x64xf32, #tpu.memory_space<vmem>>, vector<1x2000x64xf32>
    %swap3A_48 = vector.shape_cast %swap3A_47 : vector<1x2000x64xf32> to vector<2000x64xf32>
    %swap3A_49 = vector.shape_cast %slice3A_43 : vector<2000x64xf32> to vector<1x2000x64xf32>
    tpu.vector_store %arg6[%swap3A_44, %swap3A_45, %swap3A_46], %swap3A_49 {strides = array<i32>} : memref<6x2000x64xf32, #tpu.memory_space<vmem>>, vector<1x2000x64xf32>,
    %slice3A_50 = vector.extract_strided_slice %add3A_23 {offsets = [0, 256], sizes = [2000, 64], strides = [1, 1]} : vector<2000x384xf32> to vector<2000x64xf32>
    %swap3A_51 = arith.constant 4 : index
    %swap3A_52 = arith.constant 0 : index
    %swap3A_53 = arith.constant 0 : index
    %swap3A_54 = vector.load %arg6[%swap3A_51, %swap3A_52, %swap3A_53] : memref<6x2000x64xf32, #tpu.memory_space<vmem>>, vector<1x2000x64xf32>
    %swap3A_55 = vector.shape_cast %swap3A_54 : vector<1x2000x64xf32> to vector<2000x64xf32>
    %swap3A_56 = vector.shape_cast %slice3A_50 : vector<2000x64xf32> to vector<1x2000x64xf32>
    tpu.vector_store %arg6[%swap3A_51, %swap3A_52, %swap3A_53], %swap3A_56 {strides = array<i32>} : memref<6x2000x64xf32, #tpu.memory_space<vmem>>, vector<1x2000x64xf32>,
    %slice3A_57 = vector.extract_strided_slice %add3A_23 {offsets = [0, 320], sizes = [2000, 64], strides = [1, 1]} : vector<2000x384xf32> to vector<2000x64xf32>
    %swap3A_58 = arith.constant 5 : index
    %swap3A_59 = arith.constant 0 : index
    %swap3A_60 = arith.constant 0 : index
    %swap3A_61 = vector.load %arg6[%swap3A_58, %swap3A_59, %swap3A_60] : memref<6x2000x64xf32, #tpu.memory_space<vmem>>, vector<1x2000x64xf32>
    %swap3A_62 = vector.shape_cast %swap3A_61 : vector<1x2000x64xf32> to vector<2000x64xf32>
    %swap3A_63 = vector.shape_cast %slice3A_57 : vector<2000x64xf32> to vector<1x2000x64xf32>
    tpu.vector_store %arg6[%swap3A_58, %swap3A_59, %swap3A_60], %swap3A_63 {strides = array<i32>} : memref<6x2000x64xf32, #tpu.memory_space<vmem>>, vector<1x2000x64xf32>,
    return
  }
  func.func @transform_0(%arg0: i32) -> (i32, i32) {
    %c0_i32 = arith.constant 0 : i32
    %c0_i32_0 = arith.constant 0 : i32
    return %arg0, %c0_i32 : i32, i32
  }
  func.func @transform_1(%arg0: i32) -> (i32, i32) {
    %c0_i32 = arith.constant 0 : i32
    %c0_i32_0 = arith.constant 0 : i32
    %c0_i32_1 = arith.constant 0 : i32
    return %c0_i32, %c0_i32_0 : i32, i32
  }
  func.func @transform_2(%arg0: i32) -> i32 {
    %c0_i32 = arith.constant 0 : i32
    %c0_i32_0 = arith.constant 0 : i32
    return %c0_i32 : i32
  }
  func.func @transform_3(%arg0: i32) -> (i32, i32) {
    %c0_i32 = arith.constant 0 : i32
    %c0_i32_0 = arith.constant 0 : i32
    %c0_i32_1 = arith.constant 0 : i32
    return %c0_i32, %c0_i32_0 : i32, i32
  }
  func.func @transform_4(%arg0: i32) -> i32 {
    %c0_i32 = arith.constant 0 : i32
    %c0_i32_0 = arith.constant 0 : i32
    return %c0_i32 : i32
  }
  func.func @transform_5(%arg0: i32) -> (i32, i32, i32) {
    %c0_i32 = arith.constant 0 : i32
    %c0_i32_0 = arith.constant 0 : i32
    %c0_i32_1 = arith.constant 0 : i32
    return %c0_i32, %arg0, %c0_i32_0 : i32, i32, i32
  }
}

module attributes {stable_mosaic.version = 14 : i64} {
  func.func @_upd_body(%arg0: i32, %arg1: memref<1000x128xf32, #tpu.memory_space<vmem>>, %arg2: memref<3x1000x128xf32, #tpu.memory_space<vmem>>, %arg3: memref<2x1000x128xf32, #tpu.memory_space<vmem>>, %arg4: memref<2x1000x128xf32, #tpu.memory_space<vmem>>, %arg5: memref<384x128xf32, #tpu.memory_space<vmem>>, %arg6: memref<128xf32, #tpu.memory_space<vmem>>, %arg7: memref<128x384xf32, #tpu.memory_space<vmem>>, %arg8: memref<384xf32, #tpu.memory_space<vmem>>, %arg9: memref<1000x128xf32, #tpu.memory_space<vmem>>, %arg10: memref<3x1000x128xf32, #tpu.memory_space<vmem>>) attributes {dimension_semantics = [#tpu.dimension_semantics<arbitrary>], iteration_bounds = array<i64: 10>, scalar_prefetch = 0 : i64, scratch_operands = 0 : i64, tpu.core_type = #tpu.core_type<tc>, window_params = [{transform_indices = @transform_0, window_bounds = array<i64: 1000, 128>}, {transform_indices = @transform_1, window_bounds = array<i64: 3, 1000, 128>}, {transform_indices = @transform_2, window_bounds = array<i64: 2, 1000, 128>}, {transform_indices = @transform_3, window_bounds = array<i64: 2, 1000, 128>}, {pipeline_mode = #tpu.pipeline_mode<synchronous>, transform_indices = @transform_4, window_bounds = array<i64: 384, 128>}, {pipeline_mode = #tpu.pipeline_mode<synchronous>, transform_indices = @transform_5, window_bounds = array<i64: 128>}, {pipeline_mode = #tpu.pipeline_mode<synchronous>, transform_indices = @transform_6, window_bounds = array<i64: 128, 384>}, {pipeline_mode = #tpu.pipeline_mode<synchronous>, transform_indices = @transform_7, window_bounds = array<i64: 384>}, {transform_indices = @transform_8, window_bounds = array<i64: 1000, 128>}, {transform_indices = @transform_9, window_bounds = array<i64: 3, 1000, 128>}]} {
    %get3A = arith.constant 0 : index
    %get3A_0 = arith.constant 0 : index
    %get3A_1 = vector.load %arg1[%get3A, %get3A_0] : memref<1000x128xf32, #tpu.memory_space<vmem>>, vector<1000x128xf32>
    %get3A_2 = arith.constant 0 : index
    %get3A_3 = arith.constant 0 : index
    %get3A_4 = arith.constant 0 : index
    %get3A_5 = vector.load %arg3[%get3A_2, %get3A_3, %get3A_4] : memref<2x1000x128xf32, #tpu.memory_space<vmem>>, vector<1x1000x64xf32>
    %get3A_6 = vector.shape_cast %get3A_5 : vector<1x1000x64xf32> to vector<1000x64xf32>
    %get3A_7 = arith.constant 1 : index
    %get3A_8 = arith.constant 0 : index
    %get3A_9 = arith.constant 0 : index
    %get3A_10 = vector.load %arg3[%get3A_7, %get3A_8, %get3A_9] : memref<2x1000x128xf32, #tpu.memory_space<vmem>>, vector<1x1000x64xf32>
    %get3A_11 = vector.shape_cast %get3A_10 : vector<1x1000x64xf32> to vector<1000x64xf32>
    %concatenate3A = tpu.concatenate %get3A_6, %get3A_11 in 1 : vector<1000x64xf32>, vector<1000x64xf32> -> vector<1000x128xf32>
    %get3A_12 = arith.constant 0 : index
    %get3A_13 = arith.constant 0 : index
    %get3A_14 = arith.constant 64 : index
    %get3A_15 = vector.load %arg3[%get3A_12, %get3A_13, %get3A_14] : memref<2x1000x128xf32, #tpu.memory_space<vmem>>, vector<1x1000x64xf32>
    %get3A_16 = vector.shape_cast %get3A_15 : vector<1x1000x64xf32> to vector<1000x64xf32>
    %get3A_17 = arith.constant 1 : index
    %get3A_18 = arith.constant 0 : index
    %get3A_19 = arith.constant 64 : index
    %get3A_20 = vector.load %arg3[%get3A_17, %get3A_18, %get3A_19] : memref<2x1000x128xf32, #tpu.memory_space<vmem>>, vector<1x1000x64xf32>
    %get3A_21 = vector.shape_cast %get3A_20 : vector<1x1000x64xf32> to vector<1000x64xf32>
    %concatenate3A_22 = tpu.concatenate %get3A_16, %get3A_21 in 1 : vector<1000x64xf32>, vector<1000x64xf32> -> vector<1000x128xf32>
    %get3A_23 = arith.constant 0 : index
    %get3A_24 = arith.constant 0 : index
    %get3A_25 = arith.constant 0 : index
    %get3A_26 = vector.load %arg4[%get3A_23, %get3A_24, %get3A_25] : memref<2x1000x128xf32, #tpu.memory_space<vmem>>, vector<1x1000x64xf32>
    %get3A_27 = vector.shape_cast %get3A_26 : vector<1x1000x64xf32> to vector<1000x64xf32>
    %get3A_28 = arith.constant 1 : index
    %get3A_29 = arith.constant 0 : index
    %get3A_30 = arith.constant 0 : index
    %get3A_31 = vector.load %arg4[%get3A_28, %get3A_29, %get3A_30] : memref<2x1000x128xf32, #tpu.memory_space<vmem>>, vector<1x1000x64xf32>
    %get3A_32 = vector.shape_cast %get3A_31 : vector<1x1000x64xf32> to vector<1000x64xf32>
    %concatenate3A_33 = tpu.concatenate %get3A_27, %get3A_32 in 1 : vector<1000x64xf32>, vector<1000x64xf32> -> vector<1000x128xf32>
    %get3A_34 = arith.constant 0 : index
    %get3A_35 = arith.constant 0 : index
    %get3A_36 = arith.constant 64 : index
    %get3A_37 = vector.load %arg4[%get3A_34, %get3A_35, %get3A_36] : memref<2x1000x128xf32, #tpu.memory_space<vmem>>, vector<1x1000x64xf32>
    %get3A_38 = vector.shape_cast %get3A_37 : vector<1x1000x64xf32> to vector<1000x64xf32>
    %get3A_39 = arith.constant 1 : index
    %get3A_40 = arith.constant 0 : index
    %get3A_41 = arith.constant 64 : index
    %get3A_42 = vector.load %arg4[%get3A_39, %get3A_40, %get3A_41] : memref<2x1000x128xf32, #tpu.memory_space<vmem>>, vector<1x1000x64xf32>
    %get3A_43 = vector.shape_cast %get3A_42 : vector<1x1000x64xf32> to vector<1000x64xf32>
    %concatenate3A_44 = tpu.concatenate %get3A_38, %get3A_43 in 1 : vector<1000x64xf32>, vector<1000x64xf32> -> vector<1000x128xf32>
    %mul3A = arith.mulf %concatenate3A_22, %concatenate3A_22 : vector<1000x128xf32>
    %mul3A_45 = arith.mulf %concatenate3A_33, %concatenate3A_33 : vector<1000x128xf32>
    %add3A = arith.addf %mul3A, %mul3A_45 : vector<1000x128xf32>
    %mul3A_46 = arith.mulf %concatenate3A_44, %concatenate3A_44 : vector<1000x128xf32>
    %add3A_47 = arith.addf %add3A, %mul3A_46 : vector<1000x128xf32>
    %sqrt3A = math.sqrt %add3A_47 : vector<1000x128xf32>
    %get3A_48 = arith.constant 0 : index
    %get3A_49 = arith.constant 0 : index
    %get3A_50 = vector.load %arg5[%get3A_48, %get3A_49] : memref<384x128xf32, #tpu.memory_space<vmem>>, vector<384x128xf32>
    %slice3A = vector.extract_strided_slice %get3A_50 {offsets = [0, 0], sizes = [128, 128], strides = [1, 1]} : vector<384x128xf32> to vector<128x128xf32>
    %dot_general3A = arith.constant dense<0.000000e+00> : vector<1000x128xf32>
    %dot_general3A_51 = tpu.matmul %get3A_1, %slice3A, %dot_general3A {dimension_numbers = #tpu.dot_dimension_numbers<[1], [0], [0], [1], [0, 0, 1, 1], [], []>, transpose_lhs_hint = false} : vector<1000x128xf32>, vector<128x128xf32>, vector<1000x128xf32> -> vector<1000x128xf32>
    %slice3A_52 = vector.extract_strided_slice %get3A_50 {offsets = [128, 0], sizes = [128, 128], strides = [1, 1]} : vector<384x128xf32> to vector<128x128xf32>
    %dot_general3A_53 = arith.constant dense<0.000000e+00> : vector<1000x128xf32>
    %dot_general3A_54 = tpu.matmul %concatenate3A, %slice3A_52, %dot_general3A_53 {dimension_numbers = #tpu.dot_dimension_numbers<[1], [0], [0], [1], [0, 0, 1, 1], [], []>, transpose_lhs_hint = false} : vector<1000x128xf32>, vector<128x128xf32>, vector<1000x128xf32> -> vector<1000x128xf32>
    %add3A_55 = arith.addf %dot_general3A_51, %dot_general3A_54 : vector<1000x128xf32>
    %slice3A_56 = vector.extract_strided_slice %get3A_50 {offsets = [256, 0], sizes = [128, 128], strides = [1, 1]} : vector<384x128xf32> to vector<128x128xf32>
    %dot_general3A_57 = arith.constant dense<0.000000e+00> : vector<1000x128xf32>
    %dot_general3A_58 = tpu.matmul %sqrt3A, %slice3A_56, %dot_general3A_57 {dimension_numbers = #tpu.dot_dimension_numbers<[1], [0], [0], [1], [0, 0, 1, 1], [], []>, transpose_lhs_hint = false} : vector<1000x128xf32>, vector<128x128xf32>, vector<1000x128xf32> -> vector<1000x128xf32>
    %add3A_59 = arith.addf %add3A_55, %dot_general3A_58 : vector<1000x128xf32>
    %get3A_60 = arith.constant 0 : index
    %get3A_61 = vector.load %arg6[%get3A_60] : memref<128xf32, #tpu.memory_space<vmem>>, vector<128xf32>
    %broadcast_in_dim3A = vector.shape_cast %get3A_61 : vector<128xf32> to vector<1x128xf32>
    %add3A_62 = vector.broadcast %broadcast_in_dim3A : vector<1x128xf32> to vector<1000x128xf32>
    %add3A_63 = arith.addf %add3A_59, %add3A_62 : vector<1000x128xf32>
    %logistic3A = arith.negf %add3A_63 : vector<1000x128xf32>
    %logistic3A_64 = math.exp %logistic3A : vector<1000x128xf32>
    %logistic3A_65 = arith.constant 1.000000e+00 : f32
    %logistic3A_66 = vector.broadcast %logistic3A_65 : f32 to vector<1000x128xf32>
    %logistic3A_67 = arith.addf %logistic3A_66, %logistic3A_64 : vector<1000x128xf32>
    %logistic3A_68 = arith.divf %logistic3A_66, %logistic3A_67 : vector<1000x128xf32>
    %mul3A_69 = arith.mulf %add3A_63, %logistic3A_68 : vector<1000x128xf32>
    %get3A_70 = arith.constant 0 : index
    %get3A_71 = arith.constant 0 : index
    %get3A_72 = vector.load %arg7[%get3A_70, %get3A_71] : memref<128x384xf32, #tpu.memory_space<vmem>>, vector<128x384xf32>
    %dot_general3A_73 = arith.constant dense<0.000000e+00> : vector<1000x384xf32>
    %dot_general3A_74 = tpu.matmul %mul3A_69, %get3A_72, %dot_general3A_73 {dimension_numbers = #tpu.dot_dimension_numbers<[1], [0], [0], [1], [0, 0, 1, 1], [], []>, transpose_lhs_hint = false} : vector<1000x128xf32>, vector<128x384xf32>, vector<1000x384xf32> -> vector<1000x384xf32>
    %get3A_75 = arith.constant 0 : index
    %get3A_76 = vector.load %arg8[%get3A_75] : memref<384xf32, #tpu.memory_space<vmem>>, vector<384xf32>
    %broadcast_in_dim3A_77 = vector.shape_cast %get3A_76 : vector<384xf32> to vector<1x384xf32>
    %add3A_78 = vector.broadcast %broadcast_in_dim3A_77 : vector<1x384xf32> to vector<1000x384xf32>
    %add3A_79 = arith.addf %dot_general3A_74, %add3A_78 : vector<1000x384xf32>
    %slice3A_80 = vector.extract_strided_slice %add3A_79 {offsets = [0, 0], sizes = [1000, 128], strides = [1, 1]} : vector<1000x384xf32> to vector<1000x128xf32>
    %add3A_81 = arith.addf %get3A_1, %slice3A_80 : vector<1000x128xf32>
    %swap3A = arith.constant 0 : index
    %swap3A_82 = arith.constant 0 : index
    %swap3A_83 = vector.load %arg9[%swap3A, %swap3A_82] : memref<1000x128xf32, #tpu.memory_space<vmem>>, vector<1000x128xf32>
    tpu.vector_store %arg9[%swap3A, %swap3A_82], %add3A_81 {strides = array<i32>} : memref<1000x128xf32, #tpu.memory_space<vmem>>, vector<1000x128xf32>,
    %slice3A_84 = vector.extract_strided_slice %add3A_79 {offsets = [0, 128], sizes = [1000, 128], strides = [1, 1]} : vector<1000x384xf32> to vector<1000x128xf32>
    %slice3A_85 = vector.extract_strided_slice %add3A_79 {offsets = [0, 256], sizes = [1000, 128], strides = [1, 1]} : vector<1000x384xf32> to vector<1000x128xf32>
    %get3A_86 = arith.constant 0 : index
    %get3A_87 = arith.constant 0 : index
    %get3A_88 = arith.constant 0 : index
    %get3A_89 = vector.load %arg2[%get3A_86, %get3A_87, %get3A_88] : memref<3x1000x128xf32, #tpu.memory_space<vmem>>, vector<1x1000x128xf32>
    %get3A_90 = vector.shape_cast %get3A_89 : vector<1x1000x128xf32> to vector<1000x128xf32>
    %mul3A_91 = arith.mulf %slice3A_84, %get3A_90 : vector<1000x128xf32>
    %mul3A_92 = arith.mulf %slice3A_85, %concatenate3A_22 : vector<1000x128xf32>
    %add3A_93 = arith.addf %mul3A_91, %mul3A_92 : vector<1000x128xf32>
    %swap3A_94 = arith.constant 0 : index
    %swap3A_95 = arith.constant 0 : index
    %swap3A_96 = arith.constant 0 : index
    %swap3A_97 = vector.load %arg10[%swap3A_94, %swap3A_95, %swap3A_96] : memref<3x1000x128xf32, #tpu.memory_space<vmem>>, vector<1x1000x128xf32>
    %swap3A_98 = vector.shape_cast %swap3A_97 : vector<1x1000x128xf32> to vector<1000x128xf32>
    %swap3A_99 = vector.shape_cast %add3A_93 : vector<1000x128xf32> to vector<1x1000x128xf32>
    tpu.vector_store %arg10[%swap3A_94, %swap3A_95, %swap3A_96], %swap3A_99 {strides = array<i32>} : memref<3x1000x128xf32, #tpu.memory_space<vmem>>, vector<1x1000x128xf32>,
    %get3A_100 = arith.constant 1 : index
    %get3A_101 = arith.constant 0 : index
    %get3A_102 = arith.constant 0 : index
    %get3A_103 = vector.load %arg2[%get3A_100, %get3A_101, %get3A_102] : memref<3x1000x128xf32, #tpu.memory_space<vmem>>, vector<1x1000x128xf32>
    %get3A_104 = vector.shape_cast %get3A_103 : vector<1x1000x128xf32> to vector<1000x128xf32>
    %mul3A_105 = arith.mulf %slice3A_84, %get3A_104 : vector<1000x128xf32>
    %mul3A_106 = arith.mulf %slice3A_85, %concatenate3A_33 : vector<1000x128xf32>
    %add3A_107 = arith.addf %mul3A_105, %mul3A_106 : vector<1000x128xf32>
    %swap3A_108 = arith.constant 1 : index
    %swap3A_109 = arith.constant 0 : index
    %swap3A_110 = arith.constant 0 : index
    %swap3A_111 = vector.load %arg10[%swap3A_108, %swap3A_109, %swap3A_110] : memref<3x1000x128xf32, #tpu.memory_space<vmem>>, vector<1x1000x128xf32>
    %swap3A_112 = vector.shape_cast %swap3A_111 : vector<1x1000x128xf32> to vector<1000x128xf32>
    %swap3A_113 = vector.shape_cast %add3A_107 : vector<1000x128xf32> to vector<1x1000x128xf32>
    tpu.vector_store %arg10[%swap3A_108, %swap3A_109, %swap3A_110], %swap3A_113 {strides = array<i32>} : memref<3x1000x128xf32, #tpu.memory_space<vmem>>, vector<1x1000x128xf32>,
    %get3A_114 = arith.constant 2 : index
    %get3A_115 = arith.constant 0 : index
    %get3A_116 = arith.constant 0 : index
    %get3A_117 = vector.load %arg2[%get3A_114, %get3A_115, %get3A_116] : memref<3x1000x128xf32, #tpu.memory_space<vmem>>, vector<1x1000x128xf32>
    %get3A_118 = vector.shape_cast %get3A_117 : vector<1x1000x128xf32> to vector<1000x128xf32>
    %mul3A_119 = arith.mulf %slice3A_84, %get3A_118 : vector<1000x128xf32>
    %mul3A_120 = arith.mulf %slice3A_85, %concatenate3A_44 : vector<1000x128xf32>
    %add3A_121 = arith.addf %mul3A_119, %mul3A_120 : vector<1000x128xf32>
    %swap3A_122 = arith.constant 2 : index
    %swap3A_123 = arith.constant 0 : index
    %swap3A_124 = arith.constant 0 : index
    %swap3A_125 = vector.load %arg10[%swap3A_122, %swap3A_123, %swap3A_124] : memref<3x1000x128xf32, #tpu.memory_space<vmem>>, vector<1x1000x128xf32>
    %swap3A_126 = vector.shape_cast %swap3A_125 : vector<1x1000x128xf32> to vector<1000x128xf32>
    %swap3A_127 = vector.shape_cast %add3A_121 : vector<1000x128xf32> to vector<1x1000x128xf32>
    tpu.vector_store %arg10[%swap3A_122, %swap3A_123, %swap3A_124], %swap3A_127 {strides = array<i32>} : memref<3x1000x128xf32, #tpu.memory_space<vmem>>, vector<1x1000x128xf32>,
    return
  }
  func.func @transform_0(%arg0: i32) -> (i32, i32) {
    %c0_i32 = arith.constant 0 : i32
    %c0_i32_0 = arith.constant 0 : i32
    return %arg0, %c0_i32 : i32, i32
  }
  func.func @transform_1(%arg0: i32) -> (i32, i32, i32) {
    %c0_i32 = arith.constant 0 : i32
    %c0_i32_0 = arith.constant 0 : i32
    %c0_i32_1 = arith.constant 0 : i32
    return %c0_i32, %arg0, %c0_i32_0 : i32, i32, i32
  }
  func.func @transform_2(%arg0: i32) -> (i32, i32, i32) {
    %c0_i32 = arith.constant 0 : i32
    %c0_i32_0 = arith.constant 0 : i32
    %c0_i32_1 = arith.constant 0 : i32
    return %c0_i32, %arg0, %c0_i32_0 : i32, i32, i32
  }
  func.func @transform_3(%arg0: i32) -> (i32, i32, i32) {
    %c0_i32 = arith.constant 0 : i32
    %c0_i32_0 = arith.constant 0 : i32
    %c0_i32_1 = arith.constant 0 : i32
    return %c0_i32, %arg0, %c0_i32_0 : i32, i32, i32
  }
  func.func @transform_4(%arg0: i32) -> (i32, i32) {
    %c0_i32 = arith.constant 0 : i32
    %c0_i32_0 = arith.constant 0 : i32
    %c0_i32_1 = arith.constant 0 : i32
    return %c0_i32, %c0_i32_0 : i32, i32
  }
  func.func @transform_5(%arg0: i32) -> i32 {
    %c0_i32 = arith.constant 0 : i32
    %c0_i32_0 = arith.constant 0 : i32
    return %c0_i32 : i32
  }
  func.func @transform_6(%arg0: i32) -> (i32, i32) {
    %c0_i32 = arith.constant 0 : i32
    %c0_i32_0 = arith.constant 0 : i32
    %c0_i32_1 = arith.constant 0 : i32
    return %c0_i32, %c0_i32_0 : i32, i32
  }
  func.func @transform_7(%arg0: i32) -> i32 {
    %c0_i32 = arith.constant 0 : i32
    %c0_i32_0 = arith.constant 0 : i32
    return %c0_i32 : i32
  }
  func.func @transform_8(%arg0: i32) -> (i32, i32) {
    %c0_i32 = arith.constant 0 : i32
    %c0_i32_0 = arith.constant 0 : i32
    return %arg0, %c0_i32 : i32, i32
  }
  func.func @transform_9(%arg0: i32) -> (i32, i32, i32) {
    %c0_i32 = arith.constant 0 : i32
    %c0_i32_0 = arith.constant 0 : i32
    %c0_i32_1 = arith.constant 0 : i32
    return %c0_i32, %arg0, %c0_i32_0 : i32, i32, i32
  }
}

</mosaic_0001>

<sc_bundles>
// kernel: kernel.5.cloned.1.call-start
scs
__scs_entry_jumppad:
0x0: {  	(pc) =	sbr.rel $0x88, $3  }
0x1: {  	(tag) =	ssettag $0x0;
	lr =	simm.s32 $0x1  }
0x2: {  	[smem:$0x3F94] =	sst lr;
	_ =	strace $0xD0000000  }
0x3: {  	_ = 	snop  }
0x4: {  	_ = 	snop  }
0x5: {  	_ = 	snop  }
0x6: {  	_ = 	snop  }
0x7: {  	_ = 	snop  }
__scs_overlays_trampoline_lowered:
0x8: {  	[smem:$0x3FA3] =	sst s0  }
0x9: {  	[smem:$0x3FA4] =	sst s1  }
0xa: {  	[smem:$0x3FA5] =	sst s2  }
0xb: {  	[smem:$0x3FA6] =	sst s3  }
0xc: {  	[smem:$0x3FA7] =	sst s4  }
0xd: {  	[smem:$0x3FA8] =	sst s5  }
0xe: {  	[smem:$0x3FA9] =	sst s6  }
0xf: {  	[smem:$0x3FAA] =	sst s7  }
0x10: {  	[smem:$0x3FAB] =	sst s8  }
0x11: {  	[smem:$0x3FAC] =	sst s9;
	s0 =	simm.s32 @!p0 $0x0  }
0x12: {  	s1 =	sld [smem:$0x3F92];
	s0 =	simm.s32 @p0 $0x1  }
0x13: {  	[smem:$0x3FAD] =	sst s0;
	s0 =	simm.s32 @!p1 $0x0  }
0x14: {  	s2 =	sld [smem:$0x3F91];
	s0 =	simm.s32 @p1 $0x1  }
0x15: {  	[smem:$0x3FAE] =	sst s0;
	s0 =	simm.s32 @!p2 $0x0  }
0x16: {  	s3 =	sld [smem:$0x3FDB];
	s0 =	simm.s32 @p2 $0x1  }
0x17: {  	s4 =	simm.s32 $0x1BF5;
	[smem:$0x3FB0] =	sst s0  }
0x18: {  	s0 =	sld [smem:$0x3F93];
	_ =	swait.ge [sflag:s4], $0x0  }
0x19: {  	s7 =	sld [smem:$0x3F94]  }
0x1a: {  	s8 =	sadd.s32 $0xFFFFE003, lr  }
0x1b: {  	s9 =	sadd.s32 $0xFFFFFEF7, lr;
	s5 =	simm.s32 $0xFFFFFFFF;
	p2 =	slt.u32 s8, $0xFFFFF086  }
0x1c: {  	p1 =	slt.u32 s9, $0xF7A;
	s5 =	simm.s32 @!p2 $0x0  }
0x1d: {  	s5 =	simm.s32 @p1 $0x1;
	p0 =	seq.s32 s7, s2  }
0x1e: {  	s7 =	smul.u32 @!p0 $0xF7A, s2;
	p2 =	seq.s32 @!p0 s5, $0x0  }
0x1f: {  	s9 =	smul.u32 $0xF7A, s1;
	s8 =	simm.s32 @!p0 $0x1BF5;
	p2 =	por !p2, p0  }
0x20: {  	[sflag:s8] =	ssyncset.s32 @!p0 $0xFFFFF086;
	s6 =	sadd.s32 @!p0 s3, s7;
	s7 =	simm.s32 @!p0 $0x108  }
0x21: {  	s3 =	sadd.s32 s3, s9;
	s6 =	sadd.s32 @!p0 $0x88, s6;
	s7 =	simm.s32 @p2 $0x1082  }
0x22: {  	[simem:s7], [sflag:s8] =	dma.local @!p0 [hbm:s6], $0xF7A  }
0x23: {  	s9 =	sor.u32 $0xD0000000, s2;
	s6 =	simm.s32 $0x108;
	_ =	swait.ge @!p0 [sflag:s8], $0x0  }
0x24: {  	s3 =	sadd.s32 $0x88, s3;
	s6 =	simm.s32 @!p1 $0x1082;
	[sflag:s4] =	ssyncset.s32 $0xFFFFF086  }
0x25: {  	[simem:s6], [sflag:s4] =	dma.local [hbm:s3], $0xF7A  }
0x26: {  	[smem:$0x3F94] =	sst s1;
	(tag) =	ssettag s2;
	_ =	strace s9  }
0x27: {  	s1 =	sld [smem:$0x3FA4]  }
0x28: {  	s2 =	sld [smem:$0x3FA5]  }
0x29: {  	s4 =	sld [smem:$0x3FA7]  }
0x2a: {  	p0 =	seq.s32 s5, $0x0;
	s5 =	sld [smem:$0x3FA8]  }
0x2b: {  	s6 =	sld [smem:$0x3FA9]  }
0x2c: {  	s7 =	sld [smem:$0x3FAA]  }
0x2d: {  	s3 =	simm.s32 $0x108;
	s8 =	sld [smem:$0x3FAB]  }
0x2e: {  	s3 =	simm.s32 @!p0 $0x1082;
	s9 =	sld [smem:$0x3FAC]  }
0x2f: {  	lr =	sadd.s32 s0, s3;
	s0 =	sld [smem:$0x3FA3]  }
0x30: {  	s3 =	sld [smem:$0x3FA6]  }
0x31: {  	[smem:$0x3FAF] =	sst s10  }
0x32: {  	s10 =	sld [smem:$0x3FAD];
	_ =	sdelay $0x3  }
0x33: {  	p0 =	seq.s32 s10, $0x1;
	s10 =	sld [smem:$0x3FAF];
	_ =	sdelay $0x3  }
0x34: {  	[smem:$0x3FAF] =	sst s10  }
0x35: {  	s10 =	sld [smem:$0x3FAE];
	_ =	sdelay $0x3  }
0x36: {  	p1 =	seq.s32 s10, $0x1;
	s10 =	sld [smem:$0x3FAF];
	_ =	sdelay $0x3  }
0x37: {  	[smem:$0x3FAF] =	sst s10  }
0x38: {  	s10 =	sld [smem:$0x3FB0]  }
0x39: {  	_ = 	snop;
	(pc) =	sbr.ind lr, $3  }
0x3a: {  	_ = 	snop  }
0x3b: {  	_ = 	snop  }
0x3c: {  	p2 =	seq.s32 s10, $0x1;
	s10 =	sld [smem:$0x3FAF]  }
0x3d: {  	_ =	shalt  }
0x3e: {  	_ =	shalt  }
0x3f: {  	_ =	shalt  }
0x40: {  	_ =	shalt  }
0x41: {  	_ =	shalt  }
0x42: {  	_ =	shalt  }
0x43: {  	_ =	shalt  }
0x44: {  	_ =	shalt  }
0x45: {  	_ =	shalt  }
0x46: {  	_ =	shalt  }
0x47: {  	_ =	shalt  }
0x48: {  	_ =	shalt  }
0x49: {  	_ =	shalt  }
0x4a: {  	_ =	shalt  }
0x4b: {  	_ =	shalt  }
0x4c: {  	_ =	shalt  }
0x4d: {  	_ =	shalt  }
0x4e: {  	_ =	shalt  }
0x4f: {  	_ =	shalt  }
0x50: {  	_ =	shalt  }
0x51: {  	_ =	shalt  }
0x52: {  	_ =	shalt  }
0x53: {  	_ =	shalt  }
0x54: {  	_ =	shalt  }
0x55: {  	_ =	shalt  }
0x56: {  	_ =	shalt  }
0x57: {  	_ =	shalt  }
0x58: {  	_ =	shalt  }
0x59: {  	_ =	shalt  }
0x5a: {  	_ =	shalt  }
0x5b: {  	_ =	shalt  }
0x5c: {  	_ =	shalt  }
0x5d: {  	_ =	shalt  }
0x5e: {  	_ =	shalt  }
0x5f: {  	_ =	shalt  }
0x60: {  	_ =	shalt  }
0x61: {  	_ =	shalt  }
0x62: {  	_ =	shalt  }
0x63: {  	_ =	shalt  }
0x64: {  	_ =	shalt  }
0x65: {  	_ =	shalt  }
0x66: {  	_ =	shalt  }
0x67: {  	_ =	shalt  }
0x68: {  	_ =	shalt  }
0x69: {  	_ =	shalt  }
0x6a: {  	_ =	shalt  }
0x6b: {  	_ =	shalt  }
0x6c: {  	_ =	shalt  }
0x6d: {  	_ =	shalt  }
0x6e: {  	_ =	shalt  }
0x6f: {  	_ =	shalt  }
0x70: {  	_ =	shalt  }
0x71: {  	_ =	shalt  }
0x72: {  	_ =	shalt  }
0x73: {  	_ =	shalt  }
0x74: {  	_ =	shalt  }
0x75: {  	_ =	shalt  }
0x76: {  	_ =	shalt  }
0x77: {  	_ =	shalt  }
0x78: {  	_ =	shalt  }
0x79: {  	_ =	shalt  }
0x7a: {  	_ =	shalt  }
0x7b: {  	_ =	shalt  }
0x7c: {  	_ =	shalt  }
0x7d: {  	_ =	shalt  }
0x7e: {  	_ =	shalt  }
0x7f: {  	_ =	shalt  }
0x80: {  	_ =	shalt  }
0x81: {  	_ =	shalt  }
0x82: {  	_ =	shalt  }
0x83: {  	_ =	shalt  }
0x84: {  	_ =	shalt  }
0x85: {  	_ =	shalt  }
0x86: {  	_ =	shalt  }
0x87: {  	_ =	shalt  }
.Lfunc_end0:
.L_simem_size_0:
called_computation_lowered:
.L_overlay_start_0:
0x88: {  	s2 =	sld [smem:$0x3FD9]  }
0x89: {  	s3 =	sld [smem:$0x3FFE];
	_ =	sdelay $0x1  }
0x8a: {  	s1 =	srdreg.scid  }
0x8b: {  	s0 =	sand.u32 $0x1, s1  }
0x8c: {  	s14 =	sshll.u32 s0, $0xA;
	s2 =	sadd.s32 s3, s2  }
0x8d: {  	s2 =	sadd.s32 s2, s14  }
0x8e: {  	[smem:$0x3FBB] =	sst s2  }
0x8f: {  	_ = 	snop  }
0x90: {  	s2 =	sld [smem:$0x3FD0];
	_ =	sdelay $0x2  }
0x91: {  	s15 =	simm.s32 $0xA;
	s4 =	simm.s32 $0x10  }
0x92: {  	[smem:s4], [sflag:s15] =	dma.local [hbm:s2], $0x1  }
0x93: {  	_ =	swait.eq [sflag:s15], $0x1  }
0x94: {  	[sflag:s15] =	ssyncset.done $0x0  }
0x95: {  	[sflag:s15] =	ssyncadd.s32 $0xFFFFFFFF  }
0x96: {  	s16 =	sld [smem:$0x11];
	(tm) =	ssettm $0x1  }
0x97: {  	s17 =	sld [smem:$0x3FFB];
	_ =	sdelay $0x3  }
0x98: {  	_ =	strace s17  }
0x99: {  	s3 =	sld [smem:$0x3FFC];
	_ =	sdelay $0x3  }
0x9a: {  	_ =	strace s3  }
0x9b: {  	s3 =	sld [smem:$0x3FFD];
	_ =	sdelay $0x3  }
0x9c: {  	_ =	strace s3  }
0x9d: {  	_ =	strace $0x8FFFFFFF  }
0x9e: {  	s18 =	sld [smem:$0x3FDB];
	_ =	sdelay $0x1  }
0x9f: {  	s19 =	simm.s32 $_scs_section_size  }
0xa0: {  	s5 =	simm.s32 $_size__tile_overlayer_lowered;
	s6 =	simm.s32 $_tile_overlayer_lowered  }
0xa1: {  	s22 =	simm.s32 $0x1BFF;
	s21 =	sshll.u32 s6, $0x1;
	s3 =	sadd.s32 s19, s18  }
0xa2: {  	s7 =	simm.s32 $0x0;
	s20 =	sshll.u32 s5, $0x1;
	s5 =	sadd.s32 s21, s3  }
0xa3: {  	[timem:s7], [sflag:s22] =	dma.local [hbm:s5], s20  }
0xa4: {  	_ =	swait.ge [sflag:s22], s20  }
0xa5: {  	s4 =	ssub.s32 $0x0, s20;
	[sflag:s22] =	ssyncset.done $0x0  }
0xa6: {  	[sflag:s22] =	ssyncadd.s32 s4;
	_ =	sdelay $0x1  }
0xa7: {  	s23 =	simm.s32 $0x1B8B  }
0xa8: {  	_ =	swait.ge [sflag:s23], $0x1  }
0xa9: {  	[sflag:s23] =	ssyncset.done $0x0  }
0xaa: {  	s25 =	simm.s32 $0x1B8E;
	s24 =	sld [smem:$0x3FFE];
	[sflag:s23] =	ssyncadd.s32 $0xFFFFFFFF  }
0xab: {  	s26 =	simm.s32 $execute0_lowered;
	[smem:$0x3FD2] =	sst s25  }
0xac: {  	s5 =	sshll.u32 s26, $0x1;
	_ =	strace $0x80000046;
	[dreg:$0x1] =	wrdreg $0xFFFFFFFF  }
0xad: {  	s28 =	simm.s32 $_size_execute0_lowered;
	s3 =	sadd.s32 s3, s5;
	[dreg:$0x0] =	wrdreg $0x0  }
0xae: {  	s5 =	sshll.u32 s28, $0x1;
	[dreg:$0x2] =	wrdreg s3  }
0xaf: {  	[dreg:$0x3] =	wrdreg s5  }
0xb0: {  	[dreg:$0x4] =	wrdreg $0xC0  }
0xb1: {  	_ =	task [dreg:s7], $0x5FFFF  }
0xb2: {  	[dreg:$0x1] =	wrdreg $0xFFFFFFFF  }
0xb3: {  	[dreg:$0x0] =	wrdreg $0x60  }
0xb4: {  	[dreg:$0x2] =	wrdreg s24  }
0xb5: {  	[dreg:$0x3] =	wrdreg s16  }
0xb6: {  	[dreg:$0x4] =	wrdreg $0x0  }
0xb7: {  	[dreg:$0x5] =	wrdreg $0x9  }
0xb8: {  	_ =	task.clear_ibuf [dreg:s7], $0x6FFFF;
	_ =	strace $0x90000046  }
0xb9: {  	s29 =	simm.s32 $0x9;
	_ =	strace $0x80000048  }
0xba: {  	_ =	swait.ge [sflag:s29], $0x1  }
0xbb: {  	[sflag:s29] =	ssyncadd.s32 $0xFFFFFFFF  }
0xbc: {  	_ =	strace $0x90000048  }
0xbd: {  	_ =	sfence  }
0xbe: {  	s30 =	sld [smem:$0x0];
	_ =	sdelay $0x2  }
0xbf: {  	s31 =	sshll.u32 s1, $0xD;
	s1 =	sshrl.u32 s1, $0x2  }
0xc0: {  	s3 =	sand.u32 $0x4000, s31;
	s1 =	sadd.s32 s1, s30  }
0xc1: {  	s0 =	sor.u32 s3, s0;
	s1 =	sshll.u32 s1, $0x11  }
0xc2: {  	s0 =	sor.u32 s1, s0  }
0xc3: {  	s0 =	sadd.s32 $0x8F2B, s0  }
0xc4: {  	[sflag:s0] =	ssyncadd.remote.s32 $0x1  }
0xc5: {  	_ =	sfence.sel $0xFFFF  }
0xc6: {  	[dreg:$0x0] =	wrdreg $0xFFFFFFFF;
	(pc) =	sbr.abs _section_cstart, $3  }
0xc7: {  	[dreg:$0x1] =	wrdreg $0xFFFFFFFF  }
0xc8: {  	_ =	task.clear_ibuf [dreg:s7], $0x2FFFF;
	_ =	strace $0x9FFFFFFF  }
0xc9: {  	(tm) =	ssettm $0x7FFFFFFF  }
tec
execute0_lowered:
.L_overlay_start_1:
0x0: {  	(tag) =	ssettag $0x1  }
0x1: {  	s0 =	rddreg [dreg:$0x0]  }
0x2: {  	s1 =	rddreg [dreg:$0x1]  }
0x3: {  	s2 =	rddreg [dreg:$0x2]  }
0x4: {  	s3 =	simm.s32 $0x0;
	s16 =	stileid.u32;
	s5 =	srdreg.scid  }
0x5: {  	s28 =	simm.s32 $0x14D80;
	s30 =	simm.s32 $0x17580;
	s31 =	simm.s32 $0x1  }
0x6: {  	[smem:$0x7FF] =	sst s3;
	s4 =	sadd.s32 $0x60C600, s0;
	s6 =	sadd.s32 $0x4C00, s0  }
0x7: {  	s7 =	sadd.s32 $0x2358600, s0;
	s8 =	sadd.s32 $0xEF800, s0;
	s11 =	smul.u32 $0x4E000, s16  }
0x8: {  	s9 =	sadd.s32 $0xF9600, s0;
	s3 =	sadd.s32 $0x52E00, s0;
	s12 =	sadd.s32 $0xA1000, s0  }
0x9: {  	s5 =	sand.u32 $0x1, s5;
	s10 =	smul.u32 $0x4E20, s16;
	s11 =	sshrl.u32 s11, $0x2  }
0xa: {  	s14 =	smul.u32 $0x270, s16;
	p0 =	sne.s32 s16, $0xF;
	s17 =	sadd.s32 s11, s2  }
0xb: {  	_ =	strace $0x80000047;
	s20 =	sadd.s32 $0x1400, s17;
	[dreg:$0x4] =	wrdreg s17  }
0xc: {  	s13 =	ssub.s32 $0x2, s5;
	s18 =	sadd.s32 $0x2800, s17;
	[dreg:$0x5] =	wrdreg s20  }
0xd: {  	s19 =	smul.u32 $0x2710, s5;
	s22 =	sadd.s32 $0x3C00, s17;
	[dreg:$0x6] =	wrdreg s18  }
0xe: {  	s21 =	smul.u32 $0x138800, s5;
	s23 =	sadd.s32 $0x5000, s17;
	[dreg:$0x7] =	wrdreg s22  }
0xf: {  	s15 =	sshrl.u32 s13, $0x1;
	s24 =	sadd.s32 $0x6400, s17;
	[dreg:$0x8] =	wrdreg s23  }
0x10: {  	s13 =	ssub.s32 s13, s15;
	s26 =	sadd.s32 $0x7800, s17;
	[dreg:$0x9] =	wrdreg s24  }
0x11: {  	s11 =	sadd.s32 s14, s19;
	s13 =	smax.u32 s13, $0x1;
	[dreg:$0xa] =	wrdreg s26  }
0x12: {  	s25 =	sshrl.u32 s21, $0x3;
	s15 =	sadd.s32 $0xA000, s17;
	[dreg:$0xf] =	wrdreg s13  }
0x13: {  	s11 =	sshll.u32 s11, $0x4;
	s16 =	sadd.s32 $0xB400, s17;
	[dreg:$0x11] =	wrdreg s15  }
0x14: {  	s14 =	sadd.s32 $0x27000, s25;
	s19 =	sadd.s32 $0xC800, s17;
	[dreg:$0x12] =	wrdreg s16  }
0x15: {  	s21 =	sadd.s32 $0xF000, s17;
	s25 =	sadd.s32 $0x11800, s17;
	[dreg:$0x13] =	wrdreg s19  }
0x16: {  	s18 =	smul.u32 $0x4E200, s5;
	s29 =	sadd.s32 s3, s11;
	[dreg:$0x15] =	wrdreg s21  }
0x17: {  	s3 =	sadd.s32 s3, s14;
	s11 =	sadd.s32 s12, s11;
	[dreg:$0x17] =	wrdreg s25  }
0x18: {  	s12 =	sadd.s32 s12, s14;
	s23 =	sadd.s32 $0x283A600, s0;
	[dreg:$0xb] =	wrdreg s29  }
0x19: {  	s24 =	sadd.s32 $0x2D1C600, s0;
	s14 =	sadd.s32 $0x8C00, s17;
	[dreg:$0xc] =	wrdreg s3  }
0x1a: {  	s20 =	sadd.s32 $0xDC00, s17;
	s22 =	sadd.s32 $0x10400, s17;
	[dreg:$0xd] =	wrdreg s11  }
0x1b: {  	s26 =	sadd.s32 $0x12C00, s17;
	s25 =	simm.s32 $0x1C580;
	[dreg:$0xe] =	wrdreg s12  }
0x1c: {  	s13 =	simm.s32 $0x13880;
	s15 =	simm.s32 $0x2;
	[dreg:$0x10] =	wrdreg s14  }
0x1d: {  	s16 =	simm.s32 $0x28;
	s17 =	simm.s32 $0x19D80;
	[dreg:$0x14] =	wrdreg s20  }
0x1e: {  	s0 =	simm.s32 $0x1B180;
	s5 =	simm.s32 $0x18980;
	[dreg:$0x16] =	wrdreg s22  }
0x1f: {  	s19 =	simm.s32 $0x0;
	[dreg:$0x18] =	wrdreg s26;
	s29 =	sadd.s32 $0x138000, s2  }
0x20: {  	s12 =	simm.s32 $0x3;
	s14 =	simm.s32 $0x13900;
	s26 =	simm.s32 $0x16180  }
0x21: {  	v0 =	vimm.f32 $0.0e+00;
	[dreg:$0x19] =	wrdreg s29;
	s21 =	sadd.s32 $0x138800, s18;
	s22 =	sadd.s32 $0x9C400, s18  }
.LBB2_1:
0x22: {  	s11 =	simm.s32 $0x0  }
0x23: {  	s3 =	sand.u32 $0x7E00, s11  }
0x24: {  	[dreg:$0x1a] =	wrdreg s19;
	s11 =	sand.u32 $0x70, s11;
	s29 =	sshrl.u32 s3, $0x2  }
0x25: {  	s3 =	simm.s32 $0x40;
	s19 =	sor.u32 s11, s29;
	s11 =	simm.s32 $0x0  }
.LBB2_2:
0x26: {  	p1 =	sne.s32 s3, $0x4FC0  }
0x27: {  	[tilespmem:s19+$0x1C580] =	vst v0;
	s11 =	sadd.s32 $0x10, s11;
	s19 =	smov.u32 s3;
	s3 =	sadd.s32 $0x40, s3  }
.Ltmp0:
0x28: {  	(pc) =	sbr.rel @p1 .LBB2_2-.Ltmp0, $4  }
0x29: {  	_ = 	snop  }
0x2a: {  	s19 =	sand.u32 $0x7E00, s19  }
0x2b: {  	s20 =	sand.u32 $0x70, s11;
	s19 =	sshrl.u32 s19, $0x2  }
0x2c: {  	s19 =	sor.u32 s20, s19  }
0x2d: {  	[tilespmem:s19+$0x1C580] =	vst v0;
	s3 =	rddreg [dreg:$0x4]  }
0x2e: {  	[spmem:s3] =	stream.linear.scatter [tilespmem:s25], [sflag:$0x3], $0x1400, $0x38;
	[tilespmem:$0x1D980] =	vst v63  }
0x2f: {  	_ =	swait.ge [sflag:s12], $0x1400  }
0x30: {  	[sflag:s12] =	ssyncset.done $0x0  }
0x31: {  	s19 =	rddreg [dreg:$0x5];
	[sflag:s12] =	ssyncadd.s32 $0xFFFFEC00  }
0x32: {  	[spmem:s19] =	stream.linear.scatter [tilespmem:s25], [sflag:$0x3], $0x1400, $0x38;
	[tilespmem:$0x1D980] =	vst v63  }
0x33: {  	_ =	swait.ge [sflag:s12], $0x1400  }
0x34: {  	[sflag:s12] =	ssyncset.done $0x0  }
0x35: {  	s20 =	rddreg [dreg:$0x6];
	[sflag:s12] =	ssyncadd.s32 $0xFFFFEC00  }
0x36: {  	[spmem:s20] =	stream.linear.scatter [tilespmem:s25], [sflag:$0x3], $0x1400, $0x38;
	[tilespmem:$0x1D980] =	vst v63  }
0x37: {  	_ =	swait.ge [sflag:s12], $0x1400  }
0x38: {  	[sflag:s12] =	ssyncset.done $0x0  }
0x39: {  	s29 =	rddreg [dreg:$0x7];
	[sflag:s12] =	ssyncadd.s32 $0xFFFFEC00  }
0x3a: {  	[spmem:s29] =	stream.linear.scatter [tilespmem:s25], [sflag:$0x3], $0x1400, $0x38;
	[tilespmem:$0x1D980] =	vst v63  }
0x3b: {  	_ =	swait.ge [sflag:s12], $0x1400  }
0x3c: {  	[sflag:s12] =	ssyncset.done $0x0  }
0x3d: {  	s11 =	rddreg [dreg:$0x8];
	[sflag:s12] =	ssyncadd.s32 $0xFFFFEC00  }
0x3e: {  	[spmem:s11] =	stream.linear.scatter [tilespmem:s25], [sflag:$0x3], $0x1400, $0x38;
	[tilespmem:$0x1D980] =	vst v63  }
0x3f: {  	_ =	swait.ge [sflag:s12], $0x1400  }
0x40: {  	[sflag:s12] =	ssyncset.done $0x0  }
0x41: {  	s19 =	rddreg [dreg:$0x9];
	[sflag:s12] =	ssyncadd.s32 $0xFFFFEC00  }
0x42: {  	[spmem:s19] =	stream.linear.scatter [tilespmem:s25], [sflag:$0x3], $0x1400, $0x38;
	[tilespmem:$0x1D980] =	vst v63  }
0x43: {  	_ =	swait.ge [sflag:s12], $0x1400  }
0x44: {  	[sflag:s12] =	ssyncset.done $0x0  }
0x45: {  	s20 =	rddreg [dreg:$0xa];
	[sflag:s12] =	ssyncadd.s32 $0xFFFFEC00  }
0x46: {  	[spmem:s20] =	stream.linear.scatter [tilespmem:s25], [sflag:$0x3], $0x1400, $0x38;
	[tilespmem:$0x1D980] =	vst v63  }
0x47: {  	_ =	swait.ge [sflag:s12], $0x1400  }
0x48: {  	[sflag:s12] =	ssyncset.done $0x0  }
0x49: {  	s29 =	rddreg [dreg:$0x10];
	[sflag:s12] =	ssyncadd.s32 $0xFFFFEC00  }
0x4a: {  	[spmem:s29] =	stream.linear.scatter [tilespmem:s25], [sflag:$0x3], $0x1400, $0x38;
	[tilespmem:$0x1D980] =	vst v63  }
0x4b: {  	_ =	swait.ge [sflag:s12], $0x1400  }
0x4c: {  	[sflag:s12] =	ssyncset.done $0x0  }
0x4d: {  	s11 =	rddreg [dreg:$0x11];
	[sflag:s12] =	ssyncadd.s32 $0xFFFFEC00  }
0x4e: {  	[spmem:s11] =	stream.linear.scatter [tilespmem:s25], [sflag:$0x3], $0x1400, $0x38;
	[tilespmem:$0x1D980] =	vst v63  }
0x4f: {  	_ =	swait.ge [sflag:s12], $0x1400  }
0x50: {  	[sflag:s12] =	ssyncset.done $0x0  }
0x51: {  	s19 =	rddreg [dreg:$0x12];
	[sflag:s12] =	ssyncadd.s32 $0xFFFFEC00  }
0x52: {  	[spmem:s19] =	stream.linear.scatter [tilespmem:s25], [sflag:$0x3], $0x1400, $0x38;
	[tilespmem:$0x1D980] =	vst v63  }
0x53: {  	_ =	swait.ge [sflag:s12], $0x1400  }
0x54: {  	[sflag:s12] =	ssyncset.done $0x0  }
0x55: {  	s20 =	rddreg [dreg:$0x13];
	[sflag:s12] =	ssyncadd.s32 $0xFFFFEC00  }
0x56: {  	[spmem:s20] =	stream.linear.scatter [tilespmem:s25], [sflag:$0x3], $0x1400, $0x38;
	[tilespmem:$0x1D980] =	vst v63  }
0x57: {  	_ =	swait.ge [sflag:s12], $0x1400  }
0x58: {  	[sflag:s12] =	ssyncset.done $0x0  }
0x59: {  	s29 =	rddreg [dreg:$0x14];
	[sflag:s12] =	ssyncadd.s32 $0xFFFFEC00  }
0x5a: {  	[spmem:s29] =	stream.linear.scatter [tilespmem:s25], [sflag:$0x3], $0x1400, $0x38;
	[tilespmem:$0x1D980] =	vst v63  }
0x5b: {  	_ =	swait.ge [sflag:s12], $0x1400  }
0x5c: {  	[sflag:s12] =	ssyncset.done $0x0  }
0x5d: {  	s11 =	rddreg [dreg:$0x15];
	[sflag:s12] =	ssyncadd.s32 $0xFFFFEC00  }
0x5e: {  	[spmem:s11] =	stream.linear.scatter [tilespmem:s25], [sflag:$0x3], $0x1400, $0x38;
	[tilespmem:$0x1D980] =	vst v63  }
0x5f: {  	_ =	swait.ge [sflag:s12], $0x1400  }
0x60: {  	[sflag:s12] =	ssyncset.done $0x0  }
0x61: {  	s19 =	rddreg [dreg:$0x16];
	[sflag:s12] =	ssyncadd.s32 $0xFFFFEC00  }
0x62: {  	[spmem:s19] =	stream.linear.scatter [tilespmem:s25], [sflag:$0x3], $0x1400, $0x38;
	[tilespmem:$0x1D980] =	vst v63  }
0x63: {  	_ =	swait.ge [sflag:s12], $0x1400  }
0x64: {  	[sflag:s12] =	ssyncset.done $0x0  }
0x65: {  	s20 =	rddreg [dreg:$0x17];
	[sflag:s12] =	ssyncadd.s32 $0xFFFFEC00  }
0x66: {  	[spmem:s20] =	stream.linear.scatter [tilespmem:s25], [sflag:$0x3], $0x1400, $0x38;
	[tilespmem:$0x1D980] =	vst v63  }
0x67: {  	_ =	swait.ge [sflag:s12], $0x1400  }
0x68: {  	[sflag:s12] =	ssyncset.done $0x0  }
0x69: {  	s29 =	rddreg [dreg:$0x18];
	[sflag:s12] =	ssyncadd.s32 $0xFFFFEC00  }
0x6a: {  	[spmem:s29] =	stream.linear.scatter [tilespmem:s25], [sflag:$0x3], $0xC00, $0x38;
	[tilespmem:$0x1D980] =	vst v63  }
0x6b: {  	_ =	swait.ge [sflag:s12], $0xC00  }
0x6c: {  	[sflag:s12] =	ssyncset.done $0x0  }
0x6d: {  	s3 =	simm.s32 @!p0 $0x1C580;
	s11 =	rddreg [dreg:$0x19];
	[sflag:s12] =	ssyncadd.s32 $0xFFFFF400  }
0x6e: {  	[spmem:s11] =	stream.linear.scatter @!p0 [tilespmem:s3], [sflag:$0x3], $0x800, $0x38;
	[tilespmem:$0x1D980] =	vst v63  }
0x6f: {  	s3 =	simm.s32 @!p0 $0x3  }
0x70: {  	_ =	swait.ge @!p0 [sflag:s3], $0x800  }
0x71: {  	[sflag:s3] =	ssyncset.done @!p0 $0x0  }
0x72: {  	[sflag:s3] =	ssyncadd.s32 @!p0 $0xFFFFF800  }
0x73: {  	s19 =	simm.s32 $0x0;
	s11 =	simm.s32 $0x0;
	[bflag:$0x0] =	sbarrier.arrive $0xFFFF  }
.LBB2_4:
0x74: {  	s3 =	smul.u32 $0x28, s19;
	_ =	sdelay $0x1  }
0x75: {  	s3 =	sadd.s32 s10, s3  }
0x76: {  	s20 =	sshrl.u32 s3, $0x3  }
0x77: {  	s20 =	sadd.s32 s8, s20  }
0x78: {  	[tilespmem:s13], [sflag:$0x1] =	stream.linear.gather [hbm4b:s20+s11], $0x28, $0x38;
	[tilespmem:$0x1D980] =	vst v63  }
0x79: {  	s20 =	sadd.s32 s18, s3  }
0x7a: {  	s29 =	sshrl.u32 s20, $0x3  }
0x7b: {  	s29 =	sadd.s32 s9, s29  }
0x7c: {  	[tilespmem:s14], [sflag:$0x2] =	stream.linear.gather [hbm4b:s29+s11], $0x28, $0x38;
	[tilespmem:$0x1D980] =	vst v63  }
0x7d: {  	_ =	swait.ge [sflag:s15], $0x28  }
0x7e: {  	s29 =	sadd.s32 s21, s3;
	[sflag:s15] =	ssyncset.done $0x0  }
0x7f: {  	s29 =	sshll.u32 s29, $0x4;
	[sflag:s15] =	ssyncadd.s32 $0xFFFFFFD8  }
0x80: {  	[tilespmem:s17], [sflag:$0x1] =	stream.indirect.gather [hbm4b:s1+s16], $0x80, s14, s16, $0xb8;
	[tilespmem:$0x1D980] =	vst v63  }
0x81: {  	s29 =	sadd.s32 s4, s29  }
0x82: {  	[tilespmem:s26], [sflag:$0x1] =	stream.linear.gather [hbm4b:s29+s11], $0x1400, $0x38;
	[tilespmem:$0x1D980] =	vst v63  }
0x83: {  	s29 =	sadd.s32 s22, s3  }
0x84: {  	s29 =	sshll.u32 s29, $0x4  }
0x85: {  	s20 =	sshll.u32 s20, $0x4;
	s29 =	sadd.s32 s4, s29  }
0x86: {  	[tilespmem:s28], [sflag:$0x1] =	stream.linear.gather [hbm4b:s29+s11], $0x1400, $0x38;
	[tilespmem:$0x1D980] =	vst v63  }
0x87: {  	s20 =	sadd.s32 s4, s20;
	s3 =	sshll.u32 s3, $0x4;
	s29 =	simm.s32 $0x13980  }
0x88: {  	[tilespmem:s29], [sflag:$0x1] =	stream.linear.gather [hbm4b:s20+s11], $0x1400, $0x38;
	[tilespmem:$0x1D980] =	vst v63  }
0x89: {  	s3 =	sadd.s32 s7, s3  }
0x8a: {  	[tilespmem:s30], [sflag:$0x1] =	stream.linear.gather [hbm4b:s3+s11], $0x1400, $0x38;
	[tilespmem:$0x1D980] =	vst v63  }
0x8b: {  	_ =	swait.ge [sflag:s31], $0x1400  }
0x8c: {  	[sflag:s31] =	ssyncset.done $0x0  }
0x8d: {  	[sflag:s31] =	ssyncadd.s32 $0xFFFFEC00  }
0x8e: {  	_ =	swait.ge [sflag:s31], $0x1400  }
0x8f: {  	[sflag:s31] =	ssyncset.done $0x0  }
0x90: {  	[sflag:s31] =	ssyncadd.s32 $0xFFFFEC00  }
0x91: {  	_ =	swait.ge [sflag:s31], $0x1400  }
0x92: {  	[sflag:s31] =	ssyncset.done $0x0  }
0x93: {  	[sflag:s31] =	ssyncadd.s32 $0xFFFFEC00  }
0x94: {  	_ =	swait.ge [sflag:s31], $0x1400  }
0x95: {  	[sflag:s31] =	ssyncset.done $0x0  }
0x96: {  	[sflag:s31] =	ssyncadd.s32 $0xFFFFEC00  }
0x97: {  	_ =	swait.ge [sflag:s31], $0x1400  }
0x98: {  	[sflag:s31] =	ssyncset.done $0x0  }
0x99: {  	[sflag:s31] =	ssyncadd.s32 $0xFFFFEC00  }
0x9a: {  	_ =	swait.ge [sflag:s31], $0x28  }
0x9b: {  	[sflag:s31] =	ssyncset.done $0x0  }
0x9c: {  	s3 =	simm.s32 $0x0;
	[sflag:s31] =	ssyncadd.s32 $0xFFFFFFD8  }
0x9d: {  	v5 =	vld [tilespmem:s3+$0x17580]  }
0x9e: {  	v1 =	vld [tilespmem:s3+$0x19DB0]  }
0x9f: {  	v2 =	vld [tilespmem:s3+$0x161B0]  }
0xa0: {  	v6 =	vld [tilespmem:s3+$0x14DB0]  }
0xa1: {  	v7 =	vld [tilespmem:s3+$0x19DF0]  }
0xa2: {  	v12 =	vld [tilespmem:s3+$0x19D80]  }
0xa3: {  	v8 =	vld [tilespmem:s3+$0x16180]  }
0xa4: {  	v3 =	vld [tilespmem:s3+$0x19D90]  }
0xa5: {  	v9 =	vld [tilespmem:s3+$0x16190];
	v2 =	vmul.f32 v2, v1  }
0xa6: {  	v4 =	vld [tilespmem:s3+$0x19DA0]  }
0xa7: {  	v10 =	vld [tilespmem:s3+$0x14D80];
	v6 =	vmul.f32 v7, v6;
	v2 =	vmul.f32 v2, v5  }
0xa8: {  	v11 =	vld [tilespmem:s3+$0x14D90]  }
0xa9: {  	v2 =	vadd.f32 v6, v2;
	v6 =	vld [tilespmem:s3+$0x19DC0]  }
0xaa: {  	v7 =	vld [tilespmem:s3+$0x161A0]  }
0xab: {  	[tilespmem:s3+$0x1C5F0] =	vst v2;
	v2 =	vld [tilespmem:s3+$0x19DD0]  }
0xac: {  	v13 =	vld [tilespmem:s3+$0x14DA0];
	v8 =	vmul.f32 v8, v12  }
0xad: {  	v14 =	vld [tilespmem:s3+$0x19DE0];
	v9 =	vmul.f32 v9, v3  }
0xae: {  	v15 =	vld [tilespmem:s3+$0x13980];
	v16 =	vmul.f32 v8, v5;
	v10 =	vmul.f32 v6, v10  }
0xaf: {  	v8 =	vld [tilespmem:s3+$0x13990];
	v63 =	vmul.f32 v9, v5  }
0xb0: {  	v17 =	vmul.f32 v7, v4;
	v6 =	vld [tilespmem:s3+$0x139A0];
	v10 =	vadd.f32 v10, v16;
	v11 =	vmul.f32 v2, v11  }
0xb1: {  	s20 =	simm.s32 $0x80;
	v7 =	vld [tilespmem:s3+$0x139B0]  }
0xb2: {  	v9 =	vmul.f32 v17, v5;
	v2 =	vld [tilespmem:s20+$0x17580];
	[tilespmem:s3+$0x1C5C0] =	vst v10;
	v11 =	vadd.f32 v11, v63;
	v10 =	vmul.f32 v14, v13  }
0xb3: {  	s29 =	simm.s32 $0x400;
	v12 =	vmul.f32 v15, v12;
	v5 =	vld [tilespmem:s20+$0x19DB0]  }
.LBB2_5:
0xb4: {  	p1 =	sne.s32 s29, $0x4E00;
	v13 =	vld [tilespmem:s20+$0x161B0];
	v3 =	vmul.f32 v8, v3;
	[tilespmem:s3+$0x1C5D0] =	vst v11;
	v8 =	vadd.f32 v10, v9  }
0xb5: {  	v9 =	vld [tilespmem:s20+$0x14DB0];
	[tilespmem:s3+$0x1C580] =	vst v12;
	v4 =	vmul.f32 v6, v4  }
0xb6: {  	v6 =	vld [tilespmem:s20+$0x19DF0];
	[tilespmem:s3+$0x1C5E0] =	vst v8;
	v7 =	vmul.f32 v7, v1  }
0xb7: {  	v12 =	vld [tilespmem:s20+$0x19D80];
	[tilespmem:s3+$0x1C590] =	vst v3  }
0xb8: {  	v8 =	vld [tilespmem:s20+$0x16180];
	[tilespmem:s3+$0x1C5A0] =	vst v4;
	v1 =	vmov v5  }
0xb9: {  	v3 =	vld [tilespmem:s20+$0x19D90];
	v5 =	vmul.f32 v13, v1;
	[tilespmem:s3+$0x1C5B0] =	vst v7;
	s3 =	smov.u32 s20  }
0xba: {  	v7 =	vld [tilespmem:s3+$0x16190]  }
0xbb: {  	v4 =	vld [tilespmem:s3+$0x19DA0];
	v6 =	vmul.f32 v6, v9;
	v5 =	vmul.f32 v5, v2  }
0xbc: {  	v9 =	vld [tilespmem:s3+$0x161A0]  }
0xbd: {  	v8 =	vmul.f32 v8, v12;
	v10 =	vld [tilespmem:s3+$0x14D80];
	v5 =	vadd.f32 v6, v5  }
0xbe: {  	v6 =	vld [tilespmem:s3+$0x19DC0]  }
0xbf: {  	v11 =	vmul.f32 v8, v2;
	v7 =	vmul.f32 v7, v3;
	v13 =	vld [tilespmem:s3+$0x14D90];
	[tilespmem:s3+$0x1C5F0] =	vst v5  }
0xc0: {  	v5 =	vld [tilespmem:s3+$0x19DD0]  }
0xc1: {  	v14 =	vmul.f32 v7, v2;
	v7 =	vmul.f32 v9, v4;
	v15 =	vld [tilespmem:s3+$0x14DA0]  }
0xc2: {  	v16 =	vld [tilespmem:s3+$0x19DE0]  }
0xc3: {  	v17 =	vld [tilespmem:s3+$0x13980];
	v6 =	vmul.f32 v6, v10;
	v9 =	vmul.f32 v7, v2  }
.Ltmp1:
0xc4: {  	v8 =	vld [tilespmem:s3+$0x13990];
	(pc) =	sbr.rel @p1 .LBB2_5-.Ltmp1, $4  }
0xc5: {  	v10 =	vadd.f32 v6, v11;
	v5 =	vmul.f32 v5, v13;
	v6 =	vld [tilespmem:s3+$0x139A0]  }
0xc6: {  	s20 =	sshra.s32 s29, $0x2;
	v7 =	vld [tilespmem:s3+$0x139B0]  }
0xc7: {  	v2 =	vld [tilespmem:s20+$0x17580];
	[tilespmem:s3+$0x1C5C0] =	vst v10;
	v11 =	vadd.f32 v5, v14;
	v10 =	vmul.f32 v16, v15  }
0xc8: {  	s29 =	sadd.s32 $0x200, s29;
	v5 =	vld [tilespmem:s20+$0x19DB0];
	v12 =	vmul.f32 v17, v12  }
0xc9: {  	v13 =	vld [tilespmem:s20+$0x161B0];
	[tilespmem:s3+$0x1C5D0] =	vst v11;
	v9 =	vadd.f32 v10, v9  }
0xca: {  	v3 =	vmul.f32 v8, v3;
	v11 =	vld [tilespmem:s20+$0x14DB0];
	[tilespmem:s3+$0x1C580] =	vst v12  }
0xcb: {  	v4 =	vmul.f32 v6, v4;
	v51 =	vld [tilespmem:s20+$0x19DF0];
	[tilespmem:s3+$0x1C5E0] =	vst v9  }
0xcc: {  	v1 =	vmul.f32 v7, v1;
	v52 =	vld [tilespmem:s20+$0x19D80];
	[tilespmem:s3+$0x1C590] =	vst v3  }
0xcd: {  	v3 =	vld [tilespmem:s20+$0x16180];
	[tilespmem:s3+$0x1C5A0] =	vst v4  }
0xce: {  	v4 =	vld [tilespmem:s20+$0x19D90];
	[tilespmem:s3+$0x1C5B0] =	vst v1  }
0xcf: {  	v53 =	vld [tilespmem:s20+$0x16190]  }
0xd0: {  	v1 =	vmul.f32 v13, v5;
	v54 =	vld [tilespmem:s20+$0x19DA0]  }
0xd1: {  	v56 =	vld [tilespmem:s20+$0x161A0]  }
0xd2: {  	v57 =	vld [tilespmem:s20+$0x14D80];
	v55 =	vmul.f32 v51, v11;
	v1 =	vmul.f32 v1, v2  }
0xd3: {  	v58 =	vld [tilespmem:s20+$0x19DC0]  }
0xd4: {  	v12 =	vld [tilespmem:s20+$0x14D90];
	v1 =	vadd.f32 v55, v1  }
0xd5: {  	v59 =	vld [tilespmem:s20+$0x14DA0]  }
0xd6: {  	v3 =	vmul.f32 v3, v52;
	[tilespmem:s20+$0x1C5F0] =	vst v1;
	v1 =	vld [tilespmem:s20+$0x19DD0]  }
0xd7: {  	v15 =	vld [tilespmem:s20+$0x13980]  }
0xd8: {  	v14 =	vld [tilespmem:s20+$0x19DE0];
	v3 =	vmul.f32 v3, v2;
	v9 =	vmul.f32 v58, v57  }
0xd9: {  	v61 =	vld [tilespmem:s20+$0x139A0];
	v6 =	vmul.f32 v53, v4  }
0xda: {  	v10 =	vmul.f32 v56, v54;
	v3 =	vadd.f32 v9, v3  }
0xdb: {  	v60 =	vld [tilespmem:s20+$0x13990];
	v6 =	vmul.f32 v6, v2;
	v1 =	vmul.f32 v1, v12  }
0xdc: {  	v62 =	vld [tilespmem:s20+$0x139B0];
	[tilespmem:s20+$0x1C5C0] =	vst v3;
	v3 =	vmul.f32 v15, v52  }
0xdd: {  	v63 =	vmul.f32 v14, v59;
	v2 =	vmul.f32 v10, v2;
	v1 =	vadd.f32 v1, v6  }
0xde: {  	[tilespmem:s20+$0x1C580] =	vst v3;
	v3 =	vmul.f32 v61, v54  }
0xdf: {  	[tilespmem:s20+$0x1C5D0] =	vst v1;
	v1 =	vadd.f32 v63, v2  }
0xe0: {  	[tilespmem:s20+$0x1C5A0] =	vst v3;
	v2 =	vmul.f32 v60, v4  }
0xe1: {  	s19 =	sadd.s32 $0x1, s19;
	[tilespmem:s20+$0x1C5E0] =	vst v1;
	v1 =	vmul.f32 v62, v5  }
0xe2: {  	p1 =	sne.s32 s19, $0x1F4;
	[tilespmem:s20+$0x1C590] =	vst v2  }
.Ltmp2:
0xe3: {  	[tilespmem:s20+$0x1C5B0] =	vst v1;
	(pc) =	sbr.rel @p1 .LBB2_4-.Ltmp2, $4  }
0xe4: {  	[spmem:s2] =	stream.indirect.scatter.add.f32 [tilespmem:s25], [sflag:$0x3], $0x80, s13, s16, $0xb8;
	[tilespmem:$0x1D980] =	vst v63  }
0xe5: {  	_ =	swait.ge [sflag:s12], $0x1400  }
0xe6: {  	[sflag:s12] =	ssyncset.done $0x0  }
0xe7: {  	[sflag:s12] =	ssyncadd.s32 $0xFFFFEC00  }
0xe8: {  	[bflag:$0x0] =	sbarrier.arrive $0xFFFF  }
0xe9: {  	s3 =	stileid.u32;
	s19 =	rddreg [dreg:$0x4]  }
0xea: {  	s3 =	sshll.u32 s3, $0x6;
	s20 =	rddreg [dreg:$0xb];
	s19 =	sshrl.u32 s19, $0x3  }
0xeb: {  	s11 =	sor.u32 $0x1C03, s3;
	[dreg:$0x1c] =	wrdreg s19  }
0xec: {  	[hbm:s20], [sflag:s11] =	dma.local [spmem:s19], $0x2700  }
0xed: {  	_ =	swait.ge [sflag:s12], $0x2700;
	[dreg:$0x1b] =	wrdreg s11  }
0xee: {  	s3 =	rddreg [dreg:$0x19]  }
0xef: {  	[sflag:s12] =	ssyncset.done $0x0;
	s19 =	sshrl.u32 @!p0 s3, $0x3;
	s3 =	rddreg [dreg:$0xc]  }
0xf0: {  	[sflag:s12] =	ssyncadd.s32 $0xFFFFD900;
	[dreg:$0x1d] =	wrdreg s19  }
0xf1: {  	[hbm:s3], [sflag:s11] =	dma.local @!p0 [spmem:s19], $0x100  }
0xf2: {  	s11 =	simm.s32 @!p0 $0x3;
	s3 =	simm.s32 $0x0  }
0xf3: {  	_ =	swait.ge @!p0 [sflag:s11], $0x100;
	s29 =	sand.u32 $0x7E00, s3  }
0xf4: {  	s20 =	sand.u32 $0x70, s3;
	[sflag:s11] =	ssyncset.done @!p0 $0x0;
	s19 =	sshrl.u32 s29, $0x2  }
0xf5: {  	[sflag:s11] =	ssyncadd.s32 @!p0 $0xFFFFFF00;
	s11 =	simm.s32 $0x40;
	s19 =	sor.u32 s20, s19  }
.LBB2_8:
0xf6: {  	p1 =	sne.s32 s11, $0x4FC0  }
0xf7: {  	[tilespmem:s19+$0x1C580] =	vst v0;
	s3 =	sadd.s32 $0x10, s3;
	s19 =	smov.u32 s11;
	s11 =	sadd.s32 $0x40, s11  }
.Ltmp3:
0xf8: {  	(pc) =	sbr.rel @p1 .LBB2_8-.Ltmp3, $4  }
0xf9: {  	_ = 	snop  }
0xfa: {  	s19 =	sand.u32 $0x7E00, s19  }
0xfb: {  	s20 =	sand.u32 $0x70, s3;
	s19 =	sshrl.u32 s19, $0x2  }
0xfc: {  	s19 =	sor.u32 s20, s19  }
0xfd: {  	[tilespmem:s19+$0x1C580] =	vst v0;
	s3 =	rddreg [dreg:$0x4]  }
0xfe: {  	[spmem:s3] =	stream.linear.scatter [tilespmem:s25], [sflag:$0x3], $0x1400, $0x38;
	[tilespmem:$0x1D980] =	vst v63  }
0xff: {  	_ =	swait.ge [sflag:s12], $0x1400  }
0x100: {  	[sflag:s12] =	ssyncset.done $0x0  }
0x101: {  	s19 =	rddreg [dreg:$0x5];
	[sflag:s12] =	ssyncadd.s32 $0xFFFFEC00  }
0x102: {  	[spmem:s19] =	stream.linear.scatter [tilespmem:s25], [sflag:$0x3], $0x1400, $0x38;
	[tilespmem:$0x1D980] =	vst v63  }
0x103: {  	_ =	swait.ge [sflag:s12], $0x1400  }
0x104: {  	[sflag:s12] =	ssyncset.done $0x0  }
0x105: {  	s20 =	rddreg [dreg:$0x6];
	[sflag:s12] =	ssyncadd.s32 $0xFFFFEC00  }
0x106: {  	[spmem:s20] =	stream.linear.scatter [tilespmem:s25], [sflag:$0x3], $0x1400, $0x38;
	[tilespmem:$0x1D980] =	vst v63  }
0x107: {  	_ =	swait.ge [sflag:s12], $0x1400  }
0x108: {  	[sflag:s12] =	ssyncset.done $0x0  }
0x109: {  	s29 =	rddreg [dreg:$0x7];
	[sflag:s12] =	ssyncadd.s32 $0xFFFFEC00  }
0x10a: {  	[spmem:s29] =	stream.linear.scatter [tilespmem:s25], [sflag:$0x3], $0x1400, $0x38;
	[tilespmem:$0x1D980] =	vst v63  }
0x10b: {  	_ =	swait.ge [sflag:s12], $0x1400  }
0x10c: {  	[sflag:s12] =	ssyncset.done $0x0  }
0x10d: {  	s11 =	rddreg [dreg:$0x8];
	[sflag:s12] =	ssyncadd.s32 $0xFFFFEC00  }
0x10e: {  	[spmem:s11] =	stream.linear.scatter [tilespmem:s25], [sflag:$0x3], $0x1400, $0x38;
	[tilespmem:$0x1D980] =	vst v63  }
0x10f: {  	_ =	swait.ge [sflag:s12], $0x1400  }
0x110: {  	[sflag:s12] =	ssyncset.done $0x0  }
0x111: {  	s19 =	rddreg [dreg:$0x9];
	[sflag:s12] =	ssyncadd.s32 $0xFFFFEC00  }
0x112: {  	[spmem:s19] =	stream.linear.scatter [tilespmem:s25], [sflag:$0x3], $0x1400, $0x38;
	[tilespmem:$0x1D980] =	vst v63  }
0x113: {  	_ =	swait.ge [sflag:s12], $0x1400  }
0x114: {  	[sflag:s12] =	ssyncset.done $0x0  }
0x115: {  	s20 =	rddreg [dreg:$0xa];
	[sflag:s12] =	ssyncadd.s32 $0xFFFFEC00  }
0x116: {  	[spmem:s20] =	stream.linear.scatter [tilespmem:s25], [sflag:$0x3], $0x1400, $0x38;
	[tilespmem:$0x1D980] =	vst v63  }
0x117: {  	_ =	swait.ge [sflag:s12], $0x1400  }
0x118: {  	[sflag:s12] =	ssyncset.done $0x0  }
0x119: {  	s29 =	rddreg [dreg:$0x10];
	[sflag:s12] =	ssyncadd.s32 $0xFFFFEC00  }
0x11a: {  	[spmem:s29] =	stream.linear.scatter [tilespmem:s25], [sflag:$0x3], $0x1400, $0x38;
	[tilespmem:$0x1D980] =	vst v63  }
0x11b: {  	_ =	swait.ge [sflag:s12], $0x1400  }
0x11c: {  	[sflag:s12] =	ssyncset.done $0x0  }
0x11d: {  	s11 =	rddreg [dreg:$0x11];
	[sflag:s12] =	ssyncadd.s32 $0xFFFFEC00  }
0x11e: {  	[spmem:s11] =	stream.linear.scatter [tilespmem:s25], [sflag:$0x3], $0x1400, $0x38;
	[tilespmem:$0x1D980] =	vst v63  }
0x11f: {  	_ =	swait.ge [sflag:s12], $0x1400  }
0x120: {  	[sflag:s12] =	ssyncset.done $0x0  }
0x121: {  	s19 =	rddreg [dreg:$0x12];
	[sflag:s12] =	ssyncadd.s32 $0xFFFFEC00  }
0x122: {  	[spmem:s19] =	stream.linear.scatter [tilespmem:s25], [sflag:$0x3], $0x1400, $0x38;
	[tilespmem:$0x1D980] =	vst v63  }
0x123: {  	_ =	swait.ge [sflag:s12], $0x1400  }
0x124: {  	[sflag:s12] =	ssyncset.done $0x0  }
0x125: {  	s20 =	rddreg [dreg:$0x13];
	[sflag:s12] =	ssyncadd.s32 $0xFFFFEC00  }
0x126: {  	[spmem:s20] =	stream.linear.scatter [tilespmem:s25], [sflag:$0x3], $0x1400, $0x38;
	[tilespmem:$0x1D980] =	vst v63  }
0x127: {  	_ =	swait.ge [sflag:s12], $0x1400  }
0x128: {  	[sflag:s12] =	ssyncset.done $0x0  }
0x129: {  	s29 =	rddreg [dreg:$0x14];
	[sflag:s12] =	ssyncadd.s32 $0xFFFFEC00  }
0x12a: {  	[spmem:s29] =	stream.linear.scatter [tilespmem:s25], [sflag:$0x3], $0x1400, $0x38;
	[tilespmem:$0x1D980] =	vst v63  }
0x12b: {  	_ =	swait.ge [sflag:s12], $0x1400  }
0x12c: {  	[sflag:s12] =	ssyncset.done $0x0  }
0x12d: {  	s11 =	rddreg [dreg:$0x15];
	[sflag:s12] =	ssyncadd.s32 $0xFFFFEC00  }
0x12e: {  	[spmem:s11] =	stream.linear.scatter [tilespmem:s25], [sflag:$0x3], $0x1400, $0x38;
	[tilespmem:$0x1D980] =	vst v63  }
0x12f: {  	_ =	swait.ge [sflag:s12], $0x1400  }
0x130: {  	[sflag:s12] =	ssyncset.done $0x0  }
0x131: {  	s19 =	rddreg [dreg:$0x16];
	[sflag:s12] =	ssyncadd.s32 $0xFFFFEC00  }
0x132: {  	[spmem:s19] =	stream.linear.scatter [tilespmem:s25], [sflag:$0x3], $0x1400, $0x38;
	[tilespmem:$0x1D980] =	vst v63  }
0x133: {  	_ =	swait.ge [sflag:s12], $0x1400  }
0x134: {  	[sflag:s12] =	ssyncset.done $0x0  }
0x135: {  	s20 =	rddreg [dreg:$0x17];
	[sflag:s12] =	ssyncadd.s32 $0xFFFFEC00  }
0x136: {  	[spmem:s20] =	stream.linear.scatter [tilespmem:s25], [sflag:$0x3], $0x1400, $0x38;
	[tilespmem:$0x1D980] =	vst v63  }
0x137: {  	_ =	swait.ge [sflag:s12], $0x1400  }
0x138: {  	[sflag:s12] =	ssyncset.done $0x0  }
0x139: {  	s29 =	rddreg [dreg:$0x18];
	[sflag:s12] =	ssyncadd.s32 $0xFFFFEC00  }
0x13a: {  	[spmem:s29] =	stream.linear.scatter [tilespmem:s25], [sflag:$0x3], $0xC00, $0x38;
	[tilespmem:$0x1D980] =	vst v63  }
0x13b: {  	_ =	swait.ge [sflag:s12], $0xC00  }
0x13c: {  	[sflag:s12] =	ssyncset.done $0x0  }
0x13d: {  	s3 =	simm.s32 @!p0 $0x1C580;
	s11 =	rddreg [dreg:$0x19];
	[sflag:s12] =	ssyncadd.s32 $0xFFFFF400  }
0x13e: {  	[spmem:s11] =	stream.linear.scatter @!p0 [tilespmem:s3], [sflag:$0x3], $0x800, $0x38;
	[tilespmem:$0x1D980] =	vst v63  }
0x13f: {  	s3 =	simm.s32 @!p0 $0x3  }
0x140: {  	_ =	swait.ge @!p0 [sflag:s3], $0x800  }
0x141: {  	[sflag:s3] =	ssyncset.done @!p0 $0x0  }
0x142: {  	[sflag:s3] =	ssyncadd.s32 @!p0 $0xFFFFF800  }
0x143: {  	s20 =	simm.s32 $0x0;
	s11 =	simm.s32 $0x0;
	[bflag:$0x0] =	sbarrier.arrive $0xFFFF  }
.LBB2_10:
0x144: {  	s3 =	smul.u32 $0x28, s11;
	_ =	sdelay $0x1  }
0x145: {  	s3 =	sadd.s32 s10, s3  }
0x146: {  	s19 =	sshrl.u32 s3, $0x3  }
0x147: {  	s19 =	sadd.s32 s8, s19  }
0x148: {  	[tilespmem:s13], [sflag:$0x1] =	stream.linear.gather [hbm4b:s19+s20], $0x28, $0x38;
	[tilespmem:$0x1D980] =	vst v63  }
0x149: {  	s19 =	sadd.s32 s18, s3  }
0x14a: {  	s19 =	sshrl.u32 s19, $0x3  }
0x14b: {  	s19 =	sadd.s32 s9, s19  }
0x14c: {  	[tilespmem:s14], [sflag:$0x2] =	stream.linear.gather [hbm4b:s19+s20], $0x28, $0x38;
	[tilespmem:$0x1D980] =	vst v63  }
0x14d: {  	_ =	swait.ge [sflag:s15], $0x28  }
0x14e: {  	s19 =	sadd.s32 s21, s3;
	[sflag:s15] =	ssyncset.done $0x0  }
0x14f: {  	s19 =	sshll.u32 s19, $0x4;
	[sflag:s15] =	ssyncadd.s32 $0xFFFFFFD8  }
0x150: {  	[tilespmem:s17], [sflag:$0x1] =	stream.indirect.gather [hbm4b:s1+s16], $0x80, s14, s16, $0xb8;
	[tilespmem:$0x1D980] =	vst v63  }
0x151: {  	s19 =	sadd.s32 s4, s19  }
0x152: {  	[tilespmem:s26], [sflag:$0x1] =	stream.linear.gather [hbm4b:s19+s20], $0x1400, $0x38;
	[tilespmem:$0x1D980] =	vst v63  }
0x153: {  	s19 =	sadd.s32 s22, s3  }
0x154: {  	s19 =	sshll.u32 s19, $0x4  }
0x155: {  	s19 =	sadd.s32 s4, s19  }
0x156: {  	[tilespmem:s28], [sflag:$0x1] =	stream.linear.gather [hbm4b:s19+s20], $0x1400, $0x38;
	[tilespmem:$0x1D980] =	vst v63  }
0x157: {  	s3 =	sshll.u32 s3, $0x4  }
0x158: {  	[tilespmem:s0], [sflag:$0x1] =	stream.indirect.gather [hbm4b:s6+s16], $0x80, s14, s16, $0xb8;
	[tilespmem:$0x1D980] =	vst v63  }
0x159: {  	s19 =	sadd.s32 s3, s23  }
0x15a: {  	[tilespmem:s30], [sflag:$0x1] =	stream.linear.gather [hbm4b:s19+s20], $0x1400, $0x38;
	[tilespmem:$0x1D980] =	vst v63  }
0x15b: {  	s3 =	sadd.s32 s3, s24  }
0x15c: {  	[tilespmem:s5], [sflag:$0x1] =	stream.linear.gather [hbm4b:s3+s20], $0x1400, $0x38;
	[tilespmem:$0x1D980] =	vst v63  }
0x15d: {  	_ =	swait.ge [sflag:s31], $0x1400  }
0x15e: {  	[sflag:s31] =	ssyncset.done $0x0  }
0x15f: {  	[sflag:s31] =	ssyncadd.s32 $0xFFFFEC00  }
0x160: {  	_ =	swait.ge [sflag:s31], $0x1400  }
0x161: {  	[sflag:s31] =	ssyncset.done $0x0  }
0x162: {  	[sflag:s31] =	ssyncadd.s32 $0xFFFFEC00  }
0x163: {  	_ =	swait.ge [sflag:s31], $0x1400  }
0x164: {  	[sflag:s31] =	ssyncset.done $0x0  }
0x165: {  	[sflag:s31] =	ssyncadd.s32 $0xFFFFEC00  }
0x166: {  	_ =	swait.ge [sflag:s31], $0x1400  }
0x167: {  	[sflag:s31] =	ssyncset.done $0x0  }
0x168: {  	[sflag:s31] =	ssyncadd.s32 $0xFFFFEC00  }
0x169: {  	_ =	swait.ge [sflag:s31], $0x1400  }
0x16a: {  	[sflag:s31] =	ssyncset.done $0x0  }
0x16b: {  	[sflag:s31] =	ssyncadd.s32 $0xFFFFEC00  }
0x16c: {  	_ =	swait.ge [sflag:s31], $0x1400  }
0x16d: {  	[sflag:s31] =	ssyncset.done $0x0  }
0x16e: {  	[sflag:s31] =	ssyncadd.s32 $0xFFFFEC00  }
0x16f: {  	_ =	swait.ge [sflag:s31], $0x28  }
0x170: {  	[sflag:s31] =	ssyncset.done $0x0  }
0x171: {  	s3 =	simm.s32 $0x0;
	[sflag:s31] =	ssyncadd.s32 $0xFFFFFFD8  }
0x172: {  	v2 =	vld [tilespmem:s3+$0x18980]  }
0x173: {  	v1 =	vld [tilespmem:s3+$0x19DB0]  }
0x174: {  	v3 =	vld [tilespmem:s3+$0x161B0]  }
0x175: {  	v4 =	vld [tilespmem:s3+$0x14DB0]  }
0x176: {  	v5 =	vld [tilespmem:s3+$0x1B1F0];
	_ =	sdelay $0x1  }
0x177: {  	v6 =	vld [tilespmem:s3+$0x19D80]  }
0x178: {  	v7 =	vld [tilespmem:s3+$0x16180];
	v10 =	vmul.f32 v3, v1  }
0x179: {  	v8 =	vld [tilespmem:s3+$0x19D90]  }
0x17a: {  	v9 =	vld [tilespmem:s3+$0x161A0];
	v4 =	vmul.f32 v5, v4;
	v5 =	vmul.f32 v10, v2  }
0x17b: {  	v11 =	vld [tilespmem:s3+$0x17580]  }
0x17c: {  	v12 =	vld [tilespmem:s3+$0x1B180];
	v4 =	vadd.f32 v4, v5  }
0x17d: {  	v5 =	vld [tilespmem:s3+$0x14D80]  }
0x17e: {  	[tilespmem:s3+$0x1C5F0] =	vst v4;
	v4 =	vld [tilespmem:s3+$0x1B1C0]  }
0x17f: {  	v13 =	vld [tilespmem:s3+$0x14D90]  }
0x180: {  	v1 =	vld [tilespmem:s3+$0x16190];
	v6 =	vmul.f32 v7, v6  }
0x181: {  	v7 =	vld [tilespmem:s3+$0x1B190]  }
0x182: {  	v3 =	vld [tilespmem:s3+$0x19DA0];
	v18 =	vmul.f32 v6, v2  }
0x183: {  	v14 =	vld [tilespmem:s3+$0x1B1D0];
	v12 =	vmul.f32 v12, v5;
	v5 =	vmul.f32 v4, v5  }
0x184: {  	v16 =	vld [tilespmem:s3+$0x14DA0]  }
0x185: {  	v17 =	vld [tilespmem:s3+$0x1B1A0];
	v15 =	vmul.f32 v6, v11;
	v1 =	vmul.f32 v1, v8;
	v8 =	vadd.f32 v5, v18  }
0x186: {  	v6 =	vld [tilespmem:s3+$0x1B1E0];
	v7 =	vmul.f32 v7, v13  }
0x187: {  	v3 =	vmul.f32 v9, v3;
	v12 =	vadd.f32 v12, v15;
	v4 =	vld [tilespmem:s3+$0x14DA0];
	[tilespmem:s3+$0x1C5C0] =	vst v8;
	v8 =	vmul.f32 v1, v11  }
0x188: {  	v9 =	vld [tilespmem:s3+$0x1B1B0];
	v13 =	vmul.f32 v14, v13;
	v62 =	vmul.f32 v1, v2  }
0x189: {  	s19 =	simm.s32 $0x80;
	[tilespmem:s3+$0x1C580] =	vst v12;
	v5 =	vld [tilespmem:s3+$0x14DB0];
	v63 =	vadd.f32 v7, v8;
	v7 =	vmul.f32 v3, v11;
	v3 =	vmul.f32 v3, v2  }
0x18a: {  	v1 =	vld [tilespmem:s19+$0x18980];
	v2 =	vmul.f32 v10, v11;
	v10 =	vadd.f32 v13, v62;
	v11 =	vmul.f32 v17, v16  }
0x18b: {  	s29 =	simm.s32 $0x400;
	v8 =	vld [tilespmem:s19+$0x19DB0];
	[tilespmem:s3+$0x1C590] =	vst v63  }
.LBB2_11:
0x18c: {  	p1 =	sne.s32 s29, $0x4E00;
	v12 =	vld [tilespmem:s19+$0x161B0];
	[tilespmem:s3+$0x1C5D0] =	vst v10;
	v7 =	vadd.f32 v11, v7;
	v4 =	vmul.f32 v6, v4  }
0x18d: {  	v6 =	vld [tilespmem:s19+$0x14DB0]  }
0x18e: {  	v10 =	vld [tilespmem:s19+$0x1B1F0];
	[tilespmem:s3+$0x1C5A0] =	vst v7;
	v3 =	vadd.f32 v4, v3;
	v4 =	vmul.f32 v9, v5  }
0x18f: {  	v5 =	vld [tilespmem:s19+$0x19D80]  }
0x190: {  	v7 =	vld [tilespmem:s19+$0x16180];
	[tilespmem:s3+$0x1C5E0] =	vst v3;
	v2 =	vadd.f32 v4, v2  }
0x191: {  	v3 =	vld [tilespmem:s19+$0x19D90];
	v4 =	vmul.f32 v12, v8  }
0x192: {  	v8 =	vld [tilespmem:s19+$0x16190];
	[tilespmem:s3+$0x1C5B0] =	vst v2;
	s3 =	smov.u32 s19  }
0x193: {  	v2 =	vld [tilespmem:s3+$0x19DA0];
	v6 =	vmul.f32 v10, v6;
	v9 =	vmul.f32 v4, v1  }
0x194: {  	v10 =	vld [tilespmem:s3+$0x161A0]  }
0x195: {  	v11 =	vld [tilespmem:s3+$0x17580];
	v5 =	vmul.f32 v7, v5;
	v6 =	vadd.f32 v6, v9  }
0x196: {  	v9 =	vld [tilespmem:s3+$0x14D80]  }
0x197: {  	v12 =	vld [tilespmem:s3+$0x1B180];
	v13 =	vmul.f32 v5, v1;
	v3 =	vmul.f32 v8, v3;
	[tilespmem:s3+$0x1C5F0] =	vst v6  }
0x198: {  	v6 =	vld [tilespmem:s3+$0x1B1C0]  }
0x199: {  	v8 =	vld [tilespmem:s3+$0x14D90];
	v14 =	vmul.f32 v3, v1;
	v2 =	vmul.f32 v10, v2  }
0x19a: {  	v5 =	vmul.f32 v5, v11;
	v10 =	vld [tilespmem:s3+$0x1B190];
	v15 =	vmul.f32 v3, v11  }
0x19b: {  	v16 =	vld [tilespmem:s3+$0x1B1D0];
	v7 =	vmul.f32 v2, v11;
	v3 =	vmul.f32 v2, v1  }
0x19c: {  	v2 =	vmul.f32 v4, v11;
	v1 =	vmul.f32 v12, v9;
	v12 =	vld [tilespmem:s3+$0x14DA0]  }
0x19d: {  	v6 =	vmul.f32 v6, v9;
	v11 =	vld [tilespmem:s3+$0x1B1A0]  }
0x19e: {  	v1 =	vadd.f32 v1, v5;
	v4 =	vld [tilespmem:s3+$0x14DA0]  }
.Ltmp4:
0x19f: {  	v9 =	vadd.f32 v6, v13;
	v10 =	vmul.f32 v10, v8;
	v6 =	vld [tilespmem:s3+$0x1B1E0];
	(pc) =	sbr.rel @p1 .LBB2_11-.Ltmp4, $4  }
0x1a0: {  	[tilespmem:s3+$0x1C580] =	vst v1;
	v8 =	vmul.f32 v16, v8;
	v5 =	vld [tilespmem:s3+$0x14DB0]  }
0x1a1: {  	s19 =	sshra.s32 s29, $0x2;
	[tilespmem:s3+$0x1C5C0] =	vst v9;
	v13 =	vadd.f32 v10, v15;
	v9 =	vld [tilespmem:s3+$0x1B1B0]  }
0x1a2: {  	v1 =	vld [tilespmem:s19+$0x18980];
	v10 =	vadd.f32 v8, v14;
	v11 =	vmul.f32 v11, v12  }
0x1a3: {  	s29 =	sadd.s32 $0x200, s29;
	v8 =	vld [tilespmem:s19+$0x19DB0];
	[tilespmem:s3+$0x1C590] =	vst v13  }
0x1a4: {  	v12 =	vld [tilespmem:s19+$0x161B0];
	[tilespmem:s3+$0x1C5D0] =	vst v10;
	v7 =	vadd.f32 v11, v7;
	v4 =	vmul.f32 v6, v4  }
0x1a5: {  	v10 =	vld [tilespmem:s19+$0x14DB0]  }
0x1a6: {  	v46 =	vld [tilespmem:s19+$0x1B1F0];
	[tilespmem:s3+$0x1C5A0] =	vst v7;
	v3 =	vadd.f32 v4, v3;
	v5 =	vmul.f32 v9, v5  }
0x1a7: {  	v47 =	vld [tilespmem:s19+$0x19D80]  }
0x1a8: {  	v7 =	vld [tilespmem:s19+$0x16180];
	[tilespmem:s3+$0x1C5E0] =	vst v3;
	v2 =	vadd.f32 v5, v2  }
0x1a9: {  	v3 =	vld [tilespmem:s19+$0x19D90]  }
0x1aa: {  	v48 =	vld [tilespmem:s19+$0x16190];
	[tilespmem:s3+$0x1C5B0] =	vst v2  }
0x1ab: {  	v2 =	vld [tilespmem:s19+$0x19DA0]  }
0x1ac: {  	v50 =	vld [tilespmem:s19+$0x161A0]  }
0x1ad: {  	v51 =	vld [tilespmem:s19+$0x17580]  }
0x1ae: {  	v52 =	vld [tilespmem:s19+$0x14D80]  }
0x1af: {  	v53 =	vld [tilespmem:s19+$0x1B180]  }
0x1b0: {  	v54 =	vld [tilespmem:s19+$0x1B1C0]  }
0x1b1: {  	v13 =	vld [tilespmem:s19+$0x14D90]  }
0x1b2: {  	v55 =	vld [tilespmem:s19+$0x1B190]  }
0x1b3: {  	v8 =	vmul.f32 v12, v8;
	v14 =	vld [tilespmem:s19+$0x1B1D0]  }
0x1b4: {  	v6 =	vmul.f32 v46, v10;
	v16 =	vld [tilespmem:s19+$0x14DA0]  }
0x1b5: {  	v49 =	vmul.f32 v8, v1;
	v17 =	vld [tilespmem:s19+$0x1B1A0];
	v4 =	vmul.f32 v7, v47  }
0x1b6: {  	v57 =	vld [tilespmem:s19+$0x14DA0]  }
0x1b7: {  	v58 =	vld [tilespmem:s19+$0x1B1E0];
	v6 =	vadd.f32 v6, v49;
	v3 =	vmul.f32 v48, v3;
	v15 =	vmul.f32 v4, v51  }
0x1b8: {  	v59 =	vld [tilespmem:s19+$0x14DB0];
	v12 =	vmul.f32 v53, v52;
	v4 =	vmul.f32 v4, v1  }
0x1b9: {  	v60 =	vld [tilespmem:s19+$0x1B1B0];
	[tilespmem:s19+$0x1C5F0] =	vst v6;
	v6 =	vmul.f32 v54, v52;
	v2 =	vmul.f32 v50, v2  }
0x1ba: {  	v5 =	vmul.f32 v3, v51;
	v7 =	vmul.f32 v55, v13;
	v56 =	vadd.f32 v12, v15  }
0x1bb: {  	v3 =	vmul.f32 v3, v1;
	v61 =	vmul.f32 v14, v13;
	v4 =	vadd.f32 v6, v4  }
0x1bc: {  	v62 =	vmul.f32 v17, v16;
	v10 =	vmul.f32 v2, v51;
	v5 =	vadd.f32 v7, v5;
	[tilespmem:s19+$0x1C580] =	vst v56  }
0x1bd: {  	v1 =	vmul.f32 v2, v1;
	v2 =	vadd.f32 v61, v3;
	v3 =	vmul.f32 v58, v57;
	[tilespmem:s19+$0x1C5C0] =	vst v4  }
0x1be: {  	v8 =	vmul.f32 v8, v51;
	[tilespmem:s19+$0x1C590] =	vst v5;
	v63 =	vadd.f32 v62, v10;
	v4 =	vmul.f32 v60, v59  }
0x1bf: {  	[tilespmem:s19+$0x1C5D0] =	vst v2;
	v1 =	vadd.f32 v3, v1  }
0x1c0: {  	s11 =	sadd.s32 $0x1, s11;
	[tilespmem:s19+$0x1C5A0] =	vst v63;
	v2 =	vadd.f32 v4, v8  }
0x1c1: {  	p1 =	sne.s32 s11, $0x1F4;
	[tilespmem:s19+$0x1C5E0] =	vst v1  }
.Ltmp5:
0x1c2: {  	[tilespmem:s19+$0x1C5B0] =	vst v2;
	(pc) =	sbr.rel @p1 .LBB2_10-.Ltmp5, $4  }
0x1c3: {  	[spmem:s2] =	stream.indirect.scatter.add.f32 [tilespmem:s25], [sflag:$0x3], $0x80, s13, s16, $0xb8;
	[tilespmem:$0x1D980] =	vst v63  }
0x1c4: {  	_ =	swait.ge [sflag:s12], $0x1400  }
0x1c5: {  	[sflag:s12] =	ssyncset.done $0x0  }
0x1c6: {  	[sflag:s12] =	ssyncadd.s32 $0xFFFFEC00  }
0x1c7: {  	[bflag:$0x0] =	sbarrier.arrive $0xFFFF  }
0x1c8: {  	s3 =	rddreg [dreg:$0xd]  }
0x1c9: {  	s11 =	rddreg [dreg:$0x1b]  }
0x1ca: {  	s19 =	rddreg [dreg:$0x1c]  }
0x1cb: {  	[hbm:s3], [sflag:s11] =	dma.local [spmem:s19], $0x2700  }
0x1cc: {  	_ =	swait.ge [sflag:s12], $0x2700  }
0x1cd: {  	[sflag:s12] =	ssyncset.done $0x0;
	s3 =	rddreg [dreg:$0xe]  }
0x1ce: {  	s19 =	rddreg [dreg:$0x1d];
	[sflag:s12] =	ssyncadd.s32 $0xFFFFD900  }
0x1cf: {  	[hbm:s3], [sflag:s11] =	dma.local @!p0 [spmem:s19], $0x100  }
0x1d0: {  	s3 =	simm.s32 @!p0 $0x3  }
0x1d1: {  	_ =	swait.ge @!p0 [sflag:s3], $0x100  }
0x1d2: {  	s20 =	rddreg [dreg:$0x1a]  }
0x1d3: {  	s29 =	rddreg [dreg:$0xf];
	s19 =	sadd.s32 $0x1, s20  }
0x1d4: {  	p1 =	sne.s32 s19, s29  }
.Ltmp6:
0x1d5: {  	_ = 	snop;
	(pc) =	sbr.rel @p1 .LBB2_1-.Ltmp6, $3  }
0x1d6: {  	_ =	sdelay $0x1  }
0x1d7: {  	[sflag:s3] =	ssyncset.done @!p0 $0x0  }
0x1d8: {  	[sflag:s3] =	ssyncadd.s32 @!p0 $0xFFFFFF00  }
0x1d9: {  	_ =	sfence.sel $0x180000  }
0x1da: {  	[bflag:$0x0] =	sbarrier.arrive $0xFFFF  }
0x1db: {  	_ =	strace $0x90000047  }
0x1dc: {  	s0 =	stileid.u32;
	[bflag:$0x2] =	sbarrier.arrive $0xFFFF  }
0x1dd: {  	p0 =	sne.s32 s0, $0x0;
	s0 =	rddreg [dreg:$0x3]  }
0x1de: {  	s0 =	sadd.s32 @!p0 $0x100000, s0  }
0x1df: {  	[sflag:s0] =	ssyncadd.tile.s32 @!p0 $0x1;
	_ =	shalt  }
.Lfunc_end2:
_tile_overlayer_lowered:
.L_overlay_start_2:
0x1e0: {  	(tag) =	ssettag $0x2  }
0x1e1: {  	s0 =	rddreg [dreg:$0x0];
	s2 =	stileid.u32  }
0x1e2: {  	s1 =	rddreg [dreg:$0x1];
	p0 =	sne.s32 s2, $0x0  }
0x1e3: {  	s3 =	rddreg [dreg:$0x2];
	[bflag:$0x3] =	sbarrier.arrive $0xFFFF;
	s2 =	simm.s32 @!p0 $0x1C03  }
0x1e4: {  	[timem:s3], [sflag:s2] =	dma.local @!p0 [hbm:s0], s1  }
0x1e5: {  	s0 =	simm.s32 @!p0 $0x3  }
0x1e6: {  	_ =	swait.ge @!p0 [sflag:s0], s1  }
0x1e7: {  	s1 =	ssub.s32 @!p0 $0x0, s1;
	[sflag:s0] =	ssyncset.done @!p0 $0x0  }
0x1e8: {  	[sflag:s0] =	ssyncadd.s32 @!p0 s1  }
0x1e9: {  	[bflag:$0x3] =	sbarrier.arrive $0xFFFF  }
0x1ea: {  	_ =	shalt  }

</sc_bundles>
